<compile_context>
chip_gen: v7x
topology: tpu7x:2x2x1
jax: 0.10.2.dev20260603
libtpu: 0.0.44.dev20260713+nightly
codegen_flags: <defaults>
</compile_context>

<pallas_src>
import functools

import jax
import jax.numpy as jnp
from jax import lax
from jax.experimental import pallas as pl
from jax.experimental.pallas import tpu as pltpu
from jax.experimental.pallas import tpu_sc as plsc

N = 10000
E = 320000
C = 128
NC = 2
NS = 16
NW = NC * NS
CH = 96
CPW = 105
PW = CPW * CH
EP = NW * PW
PAD = EP - E
TBL = N * N + PAD
SPT = 632
NACC = NS * SPT
NDEG = 10240
NSTR = 7
SEG = PW // NSTR
CH4 = 96
CPW4 = PW // CH4


def _i32(v):
    return jnp.int32(v)


def _worker(cid, sid):
    return sid * _i32(NC) + cid


def _chunk_loop(body):
    def outer(j, _):
        def inner(k, _):
            body(j, k, pl.ds(k * _i32(16), 16))
            return _i32(0)
        return lax.fori_loop(_i32(0), _i32(CH // 16), inner, _i32(0))
    lax.fori_loop(_i32(0), _i32(CPW), outer, _i32(0))


def _compute_keys(rbuf, cbuf, kbuf):
    def body(j, k, sl):
        kbuf[j, sl] = rbuf[j, sl] * _i32(N) + cbuf[j, sl]
    _chunk_loop(body)
    return lax.iota(jnp.int32, 16)


def _k1_body(rows_hbm, cols_hbm, tbl_hbm, rbuf, cbuf, *rest):
    bufs, sem = rest[:2 * NSTR], rest[2 * NSTR]
    cid = lax.axis_index("c")
    sid = lax.axis_index("s")
    wid = _worker(cid, sid)
    pltpu.sync_copy(rows_hbm.at[wid], rbuf)
    pltpu.sync_copy(cols_hbm.at[wid], cbuf)
    iota = lax.iota(jnp.int32, 16)
    base = wid * _i32(PW)

    for q in range(NSTR):
        kq = bufs[2 * q]
        iq = bufs[2 * q + 1]
        off = _i32(q * SEG)

        def body(i, _, kq=kq, iq=iq, off=off):
            sl = pl.ds(i * _i32(16), 16)
            gsl = pl.ds(off + i * _i32(16), 16)
            kq[sl] = rbuf[gsl] * _i32(N) + cbuf[gsl]
            iq[sl] = base + off + i * _i32(16) + iota
            return _i32(0)

        lax.fori_loop(_i32(0), _i32(SEG // 16), body, _i32(0))
        pltpu.async_copy(iq, tbl_hbm.at[kq], sem)

    for q in range(NSTR):
        pltpu.make_async_copy(bufs[2 * q + 1],
                              tbl_hbm.at[bufs[2 * q]], sem).wait()


def _k2_body(rows_hbm, cols_hbm, tbl_hbm, degp_hbm,
             rbuf, cbuf, kbuf, vbuf, xbuf, gbuf, zbuf, degS, sem):
    cid = lax.axis_index("c")
    sid = lax.axis_index("s")
    wid = _worker(cid, sid)
    pltpu.sync_copy(rows_hbm.at[wid], rbuf)
    pltpu.sync_copy(cols_hbm.at[wid], cbuf)
    iota = lax.iota(jnp.int32, 16)
    base = wid * _i32(PW)

    def keys(i, _):
        sl = pl.ds(i * _i32(16), 16)
        kbuf[sl] = rbuf[sl] * _i32(N) + cbuf[sl]
        return _i32(0)

    lax.fori_loop(_i32(0), _i32(PW // 16), keys, _i32(0))
    gcopy = pltpu.async_copy(tbl_hbm.at[kbuf], gbuf, sem)

    def zero(i, _):
        zbuf[pl.ds(i * _i32(16), 16)] = jnp.zeros((16,), jnp.float32)
        return _i32(0)

    lax.fori_loop(_i32(0), _i32(40), zero, _i32(0))
    pltpu.sync_copy(zbuf, degS.at[pl.ds(sid * _i32(640), 640)])
    gcopy.wait()
    plsc.subcore_barrier()

    ones = jnp.full((16,), 1.0, jnp.float32)
    zeros = jnp.zeros((16,), jnp.float32)
    zi = jnp.zeros((16,), jnp.int32)

    def flags(i, _):
        sl = pl.ds(i * _i32(16), 16)
        r = rbuf[sl]
        c = cbuf[sl]
        g = gbuf[sl]
        myid = base + i * _i32(16) + iota
        valid = r < _i32(N)
        flag = (g == myid) & (r != c) & valid
        vbuf[sl] = jnp.where(flag, ones, zeros)
        xbuf[sl] = jnp.where(valid, r, zi)
        return _i32(0)

    lax.fori_loop(_i32(0), _i32(PW // 16), flags, _i32(0))
    pltpu.sync_copy(vbuf, degS.at[xbuf], add=True)
    plsc.subcore_barrier()
    pltpu.sync_copy(degS.at[pl.ds(sid * _i32(640), 640)],
                    degp_hbm.at[cid, pl.ds(sid * _i32(640), 640)])


def _k4_body(rows_hbm, cols_hbm, xs_hbm, acc_hbm,
             cbuf, ring, rowsbuf, accS, sem, sem2):
    cid = lax.axis_index("c")
    sid = lax.axis_index("s")
    wid = _worker(cid, sid)
    pltpu.sync_copy(cols_hbm.at[wid], cbuf)
    iota = lax.iota(jnp.int32, 16)

    def xform(b):
        def inner(k, _):
            sl = pl.ds(k * _i32(16), 16)
            r = ring[b, sl]
            ring[b, sl] = jnp.where(r < _i32(N), r, _i32(N) + iota)
            return _i32(0)
        lax.fori_loop(_i32(0), _i32(CH4 // 16), inner, _i32(0))

    z16 = jnp.zeros((16,), jnp.float32)

    def zero(i, _):
        def zin(k, _):
            rowsbuf[_i32(0), i, pl.ds(k * _i32(16), 16)] = z16
            return _i32(0)
        return lax.fori_loop(_i32(0), _i32(8), zin, _i32(0))

    lax.fori_loop(_i32(0), _i32(CH4), zero, _i32(0))
    base_row = sid * _i32(SPT)
    for t in range(6):
        pltpu.sync_copy(rowsbuf.at[_i32(0)],
                        accS.at[pl.ds(base_row + _i32(t * CH4), CH4)])
    pltpu.sync_copy(rowsbuf.at[_i32(0), pl.ds(0, SPT - 6 * CH4)],
                    accS.at[pl.ds(base_row + _i32(6 * CH4), SPT - 6 * CH4)])
    plsc.subcore_barrier()

    pltpu.sync_copy(rows_hbm.at[wid, _i32(0)], ring.at[_i32(0)])
    xform(_i32(0))
    pltpu.async_copy(xs_hbm.at[cbuf.at[_i32(0)]], rowsbuf.at[_i32(0)], sem)

    def proc(j, _):
        b = j & _i32(1)
        nxt = j + _i32(1)
        bn = nxt & _i32(1)

        @pl.when(nxt < _i32(CPW4))
        def _():
            pltpu.async_copy(xs_hbm.at[cbuf.at[nxt]], rowsbuf.at[bn], sem)
            pltpu.async_copy(rows_hbm.at[wid, nxt], ring.at[bn], sem2)

        pltpu.make_async_copy(xs_hbm.at[cbuf.at[j]],
                              rowsbuf.at[b], sem).wait()
        pltpu.sync_copy(rowsbuf.at[b], accS.at[ring.at[b]], add=True)

        @pl.when(nxt < _i32(CPW4))
        def _():
            pltpu.make_async_copy(rows_hbm.at[wid, nxt],
                                  ring.at[bn], sem2).wait()
            xform(bn)

        return _i32(0)

    lax.fori_loop(_i32(0), _i32(CPW4), proc, _i32(0))
    plsc.subcore_barrier()
    for t in range(6):
        pltpu.sync_copy(accS.at[pl.ds(base_row + _i32(t * CH4), CH4)],
                        acc_hbm.at[cid, pl.ds(base_row + _i32(t * CH4), CH4)])
    pltpu.sync_copy(
        accS.at[pl.ds(base_row + _i32(6 * CH4), SPT - 6 * CH4)],
        acc_hbm.at[cid, pl.ds(base_row + _i32(6 * CH4), SPT - 6 * CH4)])


@functools.lru_cache(maxsize=1)
def _sc_kernels():
    mesh = plsc.VectorSubcoreMesh(core_axis_name="c", subcore_axis_name="s")
    k1 = pl.kernel(
        _k1_body,
        out_type=jax.ShapeDtypeStruct((TBL,), jnp.int32),
        mesh=mesh,
        scratch_types=[pltpu.VMEM((PW,), jnp.int32),
                       pltpu.VMEM((PW,), jnp.int32)]
                      + [pltpu.VMEM((SEG,), jnp.int32)] * (2 * NSTR)
                      + [pltpu.SemaphoreType.DMA],
    )
    k2 = pl.kernel(
        _k2_body,
        out_type=jax.ShapeDtypeStruct((NC, NDEG), jnp.float32),
        mesh=mesh,
        scratch_types=[
            pltpu.VMEM((PW,), jnp.int32),
            pltpu.VMEM((PW,), jnp.int32),
            pltpu.VMEM((PW,), jnp.int32),
            pltpu.VMEM((PW,), jnp.float32),
            pltpu.VMEM((PW,), jnp.int32),
            pltpu.VMEM((PW,), jnp.int32),
            pltpu.VMEM((640,), jnp.float32),
            pltpu.VMEM_SHARED((NDEG,), jnp.float32),
            pltpu.SemaphoreType.DMA,
        ],
    )
    k4 = pl.kernel(
        _k4_body,
        out_type=jax.ShapeDtypeStruct((NC, NACC, C), jnp.float32),
        mesh=mesh,
        scratch_types=[
            pltpu.VMEM((CPW4, CH4), jnp.int32),
            pltpu.VMEM((2, CH4), jnp.int32),
            pltpu.VMEM((2, CH4, C), jnp.float32),
            pltpu.VMEM_SHARED((NACC, C), jnp.float32),
            pltpu.SemaphoreType.DMA,
            pltpu.SemaphoreType.DMA,
        ],
    )
    return k1, k2, k4


def _z():
    return jnp.int32(0)


_BLK = 1000


def _k3_body(degp_ref, x_ref, xs_ref, disb_ref):
    dp = degp_ref[...]
    deg = 1.0 + dp[:, 0:1] + dp[:, 1:2]
    dis = lax.rsqrt(deg)
    disb_ref[...] = jnp.broadcast_to(dis, (_BLK, C))
    xs_ref[...] = dis * x_ref[...]


def _k5_body(acc_ref, disb_ref, xs_ref, pan_ref, w1_ref, b1_ref,
             w2_ref, b2_ref, out_ref):
    a = acc_ref[...]
    s = a[0] + a[1]
    w0 = pan_ref[0, 0]
    w01 = pan_ref[0, 1]
    y = disb_ref[...] * (w01 * s + w0 * xs_ref[...])
    dn = (((1,), (1,)), ((), ()))
    z = lax.dot_general(y, w1_ref[...], dn,
                        preferred_element_type=jnp.float32) + b1_ref[...]
    h = jnp.where(z > 0, z, jnp.exp(z) - 1.0)
    out_ref[...] = lax.dot_general(h, w2_ref[...], dn,
                                   preferred_element_type=jnp.float32) + b2_ref[...]


_k3 = pl.pallas_call(
    _k3_body,
    grid=(N // _BLK,),
    in_specs=[
        pl.BlockSpec((_BLK, 2), lambda j: (j, _z())),
        pl.BlockSpec((_BLK, C), lambda j: (j, _z())),
    ],
    out_specs=[
        pl.BlockSpec((_BLK, C), lambda j: (j, _z())),
        pl.BlockSpec((_BLK, C), lambda j: (j, _z())),
    ],
    out_shape=[
        jax.ShapeDtypeStruct((N, C), jnp.float32),
        jax.ShapeDtypeStruct((N, C), jnp.float32),
    ],
)

_k5 = pl.pallas_call(
    _k5_body,
    grid=(N // _BLK,),
    in_specs=[
        pl.BlockSpec((NC, _BLK, C), lambda j: (_z(), j, _z())),
        pl.BlockSpec((_BLK, C), lambda j: (j, _z())),
        pl.BlockSpec((_BLK, C), lambda j: (j, _z())),
        pl.BlockSpec((1, 2), lambda j: (_z(), _z())),
        pl.BlockSpec((C, C), lambda j: (_z(), _z())),
        pl.BlockSpec((1, C), lambda j: (_z(), _z())),
        pl.BlockSpec((C, C), lambda j: (_z(), _z())),
        pl.BlockSpec((1, C), lambda j: (_z(), _z())),
    ],
    out_specs=pl.BlockSpec((_BLK, C), lambda j: (j, _z())),
    out_shape=jax.ShapeDtypeStruct((N, C), jnp.float32),
)


def kernel(x, edge_index, pan_weight, W1, b1, W2, b2):
    ei = edge_index.astype(jnp.int32)
    rows = jnp.concatenate(
        [ei[1], jnp.full((PAD,), N, jnp.int32)]).reshape(NW, PW)
    cols = jnp.concatenate(
        [ei[0], jnp.arange(PAD, dtype=jnp.int32)]).reshape(NW, PW)
    rows3 = rows.reshape(NW, CPW4, CH4)
    cols3 = cols.reshape(NW, CPW4, CH4)
    x = x.astype(jnp.float32)
    k1, k2, k4 = _sc_kernels()
    tbl = k1(rows, cols)
    degp = k2(rows, cols, tbl)
    xs, disb = _k3(degp.T, x)
    acc = k4(rows3, cols3, xs)
    pw = pan_weight.astype(jnp.float32)
    pan2 = jnp.stack([pw[0], pw[0] * pw[1]]).reshape(1, 2)
    out = _k5(acc, disb, xs, pan2,
              W1.astype(jnp.float32), b1.astype(jnp.float32).reshape(1, C),
              W2.astype(jnp.float32), b2.astype(jnp.float32).reshape(1, C))
    return out.astype(jnp.float64)

# --- scband reference (transcript-rebuilt; emitter-appended) ---
"""Pipeline reference for scband-panconv-nn-86938728005823 (READ-ONLY COPY).

The authoritative reference and input builder live on the scoring server;
editing this copy changes nothing except your own understanding.
"""

import jax
jax.config.update("jax_enable_x64", True)
import jax.numpy as jnp
import numpy as np

N = 10000
E = 320000
IN_C = 128
HID_C = 128
OUT_C = 128
FILTER_SIZE = 1


def setup_inputs(seed: int = 0) -> dict:
    key = jax.random.key(seed)
    k1, k2, k3, k4 = jax.random.split(key, 4)
    x = jax.random.normal(k1, (N, IN_C), dtype=jnp.float32)
    edge_index = jax.random.randint(k2, (2, E), 0, N, dtype=jnp.int64)
    # PANConv 'weight' parameter: filter_size+1 entries, reset to 0.5 (PyG reset_parameters)
    pan_weight = jnp.full((FILTER_SIZE + 1,), 0.5, dtype=jnp.float32)
    # PANConv.lin: Linear(in_channels -> hidden_channels)
    W1 = jax.random.normal(k3, (HID_C, IN_C), dtype=jnp.float32) * (1.0 / np.sqrt(IN_C))
    b1 = jnp.zeros((HID_C,), dtype=jnp.float32)
    # outer nn.Linear(hidden_channels -> out_channels)
    W2 = jax.random.normal(k4, (OUT_C, HID_C), dtype=jnp.float32) * (1.0 / np.sqrt(HID_C))
    b2 = jnp.zeros((OUT_C,), dtype=jnp.float32)
    return {"x": x, "edge_index": edge_index, "pan_weight": pan_weight,
            "W1": W1, "b1": b1, "W2": W2, "b2": b2}


def reference(x, edge_index, pan_weight, W1, b1, W2, b2):
    # PANConv builds adj_t with row=edge_index[1], col=edge_index[0]
    row_a = edge_index[1]
    col_a = edge_index[0]
    # panentropy (filter_size=1): outs = [w0 * I, (w0 * w1) * A], then coalesce (sum dups)
    eye_idx = jnp.arange(N, dtype=edge_index.dtype)
    rows = jnp.concatenate([eye_idx, row_a])
    cols = jnp.concatenate([eye_idx, col_a])
    lin_idx = rows * N + cols
    total = lin_idx.shape[0]
    fill = jnp.array(N * N, dtype=lin_idx.dtype)
    uniq, inv = jnp.unique(lin_idx, return_inverse=True, size=total, fill_value=fill)
    nnz = uniq.shape[0]
    valid = uniq < N * N
    new_row = (uniq // N).astype(jnp.int32)
    new_col = (uniq % N).astype(jnp.int32)
    w0 = pan_weight[0]
    w1 = pan_weight[1]
    vals = jnp.concatenate([jnp.ones((N,), x.dtype) * w0,
                            jnp.ones((E,), x.dtype) * (w0 * w1)])
    m_val = jax.ops.segment_sum(vals, inv.reshape(-1), num_segments=nnz)
    # deg = rowcount of coalesced MET matrix; sym-normalize D^-1/2 M D^-1/2
    deg = jax.ops.segment_sum(valid.astype(x.dtype), new_row, num_segments=N)
    dis = jnp.where(deg > 0, deg ** -0.5, jnp.zeros_like(deg))
    m_val = dis[new_row] * m_val * dis[new_col]
    # propagate: out = M @ x (gather + scatter-add SpMM)
    out = jax.ops.segment_sum(m_val[:, None] * x[new_col], new_row, num_segments=N)
    # PANConv.lin
    out = out @ W1.T + b1
    # F.elu + outer linear
    out = jax.nn.elu(out)
    out = out @ W2.T + b2
    return out

if __name__ == "__main__":
    import jax
    _d = setup_inputs()
    print(jax.jit(kernel)(*tuple(_d.values())))

</pallas_src>

<mosaic_0001>
#map = affine_map<(d0, d1) -> (0, 0)>
#map1 = affine_map<(d0, d1) -> (0)>
module attributes {stable_mosaic.version = 14 : i64} {
  func.func @_k2_body(%arg0: i32, %arg1: i32, %arg2: memref<32x10080xi32, #tpu.memory_space<hbm>>, %arg3: memref<32x10080xi32, #tpu.memory_space<hbm>>, %arg4: memref<100002560xi32, #tpu.memory_space<hbm>>, %arg5: memref<2x10240xf32, #tpu.memory_space<hbm>>, %arg6: memref<10080xi32, #tpu.memory_space<vmem>>, %arg7: memref<10080xi32, #tpu.memory_space<vmem>>, %arg8: memref<10080xi32, #tpu.memory_space<vmem>>, %arg9: memref<10080xf32, #tpu.memory_space<vmem>>, %arg10: memref<10080xi32, #tpu.memory_space<vmem>>, %arg11: memref<10080xi32, #tpu.memory_space<vmem>>, %arg12: memref<640xf32, #tpu.memory_space<vmem>>, %arg13: memref<10240xf32, #tpu.memory_space<vmem_shared>>, %arg14: memref<!tpu.dma_semaphore, #tpu.memory_space<semaphore_mem>>) attributes {dimension_semantics = [#tpu.dimension_semantics<core_parallel>, #tpu.dimension_semantics<subcore_parallel>], iteration_bounds = array<i64: 2, 16>, scalar_prefetch = 0 : i64, scratch_operands = 9 : i64, tpu.core_type = #tpu.core_type<sc_vector_subcore>, window_params = [{transform_indices = #map}, {transform_indices = #map}, {transform_indices = #map1}, {transform_indices = #map}]} {
    %mul3A = arith.constant 2 : i32
    %mul3A_0 = arith.muli %arg1, %mul3A : i32
    %add3A = arith.addi %mul3A_0, %arg0 : i32
    "tpu.region"() ({
      %run_scoped3A = tpu.sem_alloc : memref<!tpu.dma_semaphore, #tpu.memory_space<semaphore_mem>>
      %dma_start3A_55 = arith.constant 0 : i32
      %dma_start3A_56 = tpu.memref_slice %arg2[%add3A, %dma_start3A_55] : memref<32x10080xi32, #tpu.memory_space<hbm>> -> memref<1x10080xi32, #tpu.memory_space<hbm>>
      %dma_start3A_57 = tpu.memref_squeeze %dma_start3A_56 : memref<1x10080xi32, #tpu.memory_space<hbm>> -> memref<10080xi32, #tpu.memory_space<hbm>>
      %dma_start3A_58 = arith.constant 0 : i32
      %dma_start3A_59 = tpu.memref_slice %arg2[%add3A, %dma_start3A_58] : memref<32x10080xi32, #tpu.memory_space<hbm>> -> memref<1x10080xi32, #tpu.memory_space<hbm>>
      %dma_start3A_60 = tpu.memref_squeeze %dma_start3A_59 : memref<1x10080xi32, #tpu.memory_space<hbm>> -> memref<10080xi32, #tpu.memory_space<hbm>>
      tpu.enqueue_dma source(%dma_start3A_60 : memref<10080xi32, #tpu.memory_space<hbm>>) target(%arg6 : memref<10080xi32, #tpu.memory_space<vmem>>) target_semaphore(%run_scoped3A : memref<!tpu.dma_semaphore, #tpu.memory_space<semaphore_mem>>)
      %dma_wait3A_61 = arith.constant 0 : i32
      %dma_wait3A_62 = tpu.memref_slice %arg2[%add3A, %dma_wait3A_61] : memref<32x10080xi32, #tpu.memory_space<hbm>> -> memref<1x10080xi32, #tpu.memory_space<hbm>>
      %dma_wait3A_63 = tpu.memref_squeeze %dma_wait3A_62 : memref<1x10080xi32, #tpu.memory_space<hbm>> -> memref<10080xi32, #tpu.memory_space<hbm>>
      %dma_wait3A_64 = arith.constant 0 : i32
      %dma_wait3A_65 = tpu.memref_slice %arg2[%add3A, %dma_wait3A_64] : memref<32x10080xi32, #tpu.memory_space<hbm>> -> memref<1x10080xi32, #tpu.memory_space<hbm>>
      %dma_wait3A_66 = tpu.memref_squeeze %dma_wait3A_65 : memref<1x10080xi32, #tpu.memory_space<hbm>> -> memref<10080xi32, #tpu.memory_space<hbm>>
      tpu.wait_dma2 semaphore(%run_scoped3A : memref<!tpu.dma_semaphore, #tpu.memory_space<semaphore_mem>>) src(%dma_wait3A_66 : memref<10080xi32, #tpu.memory_space<hbm>>) dst(%arg6 : memref<10080xi32, #tpu.memory_space<vmem>>)
      tpu.yield
    }) : () -> ()
    "tpu.region"() ({
      %run_scoped3A = tpu.sem_alloc : memref<!tpu.dma_semaphore, #tpu.memory_space<semaphore_mem>>
      %dma_start3A_55 = arith.constant 0 : i32
      %dma_start3A_56 = tpu.memref_slice %arg3[%add3A, %dma_start3A_55] : memref<32x10080xi32, #tpu.memory_space<hbm>> -> memref<1x10080xi32, #tpu.memory_space<hbm>>
      %dma_start3A_57 = tpu.memref_squeeze %dma_start3A_56 : memref<1x10080xi32, #tpu.memory_space<hbm>> -> memref<10080xi32, #tpu.memory_space<hbm>>
      %dma_start3A_58 = arith.constant 0 : i32
      %dma_start3A_59 = tpu.memref_slice %arg3[%add3A, %dma_start3A_58] : memref<32x10080xi32, #tpu.memory_space<hbm>> -> memref<1x10080xi32, #tpu.memory_space<hbm>>
      %dma_start3A_60 = tpu.memref_squeeze %dma_start3A_59 : memref<1x10080xi32, #tpu.memory_space<hbm>> -> memref<10080xi32, #tpu.memory_space<hbm>>
      tpu.enqueue_dma source(%dma_start3A_60 : memref<10080xi32, #tpu.memory_space<hbm>>) target(%arg7 : memref<10080xi32, #tpu.memory_space<vmem>>) target_semaphore(%run_scoped3A : memref<!tpu.dma_semaphore, #tpu.memory_space<semaphore_mem>>)
      %dma_wait3A_61 = arith.constant 0 : i32
      %dma_wait3A_62 = tpu.memref_slice %arg3[%add3A, %dma_wait3A_61] : memref<32x10080xi32, #tpu.memory_space<hbm>> -> memref<1x10080xi32, #tpu.memory_space<hbm>>
      %dma_wait3A_63 = tpu.memref_squeeze %dma_wait3A_62 : memref<1x10080xi32, #tpu.memory_space<hbm>> -> memref<10080xi32, #tpu.memory_space<hbm>>
      %dma_wait3A_64 = arith.constant 0 : i32
      %dma_wait3A_65 = tpu.memref_slice %arg3[%add3A, %dma_wait3A_64] : memref<32x10080xi32, #tpu.memory_space<hbm>> -> memref<1x10080xi32, #tpu.memory_space<hbm>>
      %dma_wait3A_66 = tpu.memref_squeeze %dma_wait3A_65 : memref<1x10080xi32, #tpu.memory_space<hbm>> -> memref<10080xi32, #tpu.memory_space<hbm>>
      tpu.wait_dma2 semaphore(%run_scoped3A : memref<!tpu.dma_semaphore, #tpu.memory_space<semaphore_mem>>) src(%dma_wait3A_66 : memref<10080xi32, #tpu.memory_space<hbm>>) dst(%arg7 : memref<10080xi32, #tpu.memory_space<vmem>>)
      tpu.yield
    }) : () -> ()
    %iota3A = tpu.iota {dimensions = array<i32: 0>} : vector<16xi32>
    %mul3A_1 = arith.constant 10080 : i32
    %mul3A_2 = arith.muli %add3A, %mul3A_1 : i32
    %while3A = arith.constant 0 : i32
    %while3A_3 = arith.constant 630 : i32
    %while3A_4 = arith.constant 0 : i32
    %while3A_5 = arith.subi %while3A_3, %while3A : i32
    %while3A_6 = arith.addi %while3A, %while3A_5 : i32
    %while3A_7 = arith.constant 1 : i32
    %while3A_8 = arith.divsi %while3A_5, %while3A_7 : i32
    %while3A_9 = arith.muli %while3A_8, %while3A_7 : i32
    %while3A_10 = arith.addi %while3A, %while3A_9 : i32
    %while3A_11 = arith.constant 1 : i32
    %while3A_12 = scf.for %while3A_55 = %while3A to %while3A_10 step %while3A_11 iter_args(%while3A_56 = %while3A_4) -> (i32)  : i32 {
      %mul3A_57 = arith.constant 16 : i32
      %mul3A_58 = arith.muli %while3A_55, %mul3A_57 : i32
      %get3A = arith.index_cast %mul3A_58 : i32 to index
      %get3A_59 = tpu.vector_load %arg6[%get3A] {strides = array<i32>} : memref<10080xi32, #tpu.memory_space<vmem>>, vector<16xi32>,
      %get3A_60 = vector.shape_cast %get3A_59 : vector<16xi32> to vector<16xi32>
      %mul3A_61 = arith.constant 10000 : i32
      %mul3A_62 = vector.broadcast %mul3A_61 : i32 to vector<16xi32>
      %mul3A_63 = arith.muli %get3A_60, %mul3A_62 : vector<16xi32>
      %get3A_64 = arith.index_cast %mul3A_58 : i32 to index
      %get3A_65 = tpu.vector_load %arg7[%get3A_64] {strides = array<i32>} : memref<10080xi32, #tpu.memory_space<vmem>>, vector<16xi32>,
      %get3A_66 = vector.shape_cast %get3A_65 : vector<16xi32> to vector<16xi32>
      %add3A_67 = arith.addi %mul3A_63, %get3A_66 : vector<16xi32>
      %swap3A = arith.index_cast %mul3A_58 : i32 to index
      %swap3A_68 = tpu.vector_load %arg8[%swap3A] {strides = array<i32>} : memref<10080xi32, #tpu.memory_space<vmem>>, vector<16xi32>,
      %swap3A_69 = vector.shape_cast %swap3A_68 : vector<16xi32> to vector<16xi32>
      %swap3A_70 = vector.shape_cast %add3A_67 : vector<16xi32> to vector<16xi32>
      tpu.vector_store %arg8[%swap3A], %swap3A_70 {strides = array<i32>} : memref<10080xi32, #tpu.memory_space<vmem>>, vector<16xi32>,
      %while3A_71 = arith.constant 0 : i32
      scf.yield %while3A_71 : i32
    }
    %while3A_13 = arith.constant 1 : i32
    %while3A_14 = scf.for %while3A_55 = %while3A_10 to %while3A_6 step %while3A_13 iter_args(%while3A_56 = %while3A_12) -> (i32)  : i32 {
      %mul3A_57 = arith.constant 16 : i32
      %mul3A_58 = arith.muli %while3A_55, %mul3A_57 : i32
      %get3A = arith.index_cast %mul3A_58 : i32 to index
      %get3A_59 = tpu.vector_load %arg6[%get3A] {strides = array<i32>} : memref<10080xi32, #tpu.memory_space<vmem>>, vector<16xi32>,
      %get3A_60 = vector.shape_cast %get3A_59 : vector<16xi32> to vector<16xi32>
      %mul3A_61 = arith.constant 10000 : i32
      %mul3A_62 = vector.broadcast %mul3A_61 : i32 to vector<16xi32>
      %mul3A_63 = arith.muli %get3A_60, %mul3A_62 : vector<16xi32>
      %get3A_64 = arith.index_cast %mul3A_58 : i32 to index
      %get3A_65 = tpu.vector_load %arg7[%get3A_64] {strides = array<i32>} : memref<10080xi32, #tpu.memory_space<vmem>>, vector<16xi32>,
      %get3A_66 = vector.shape_cast %get3A_65 : vector<16xi32> to vector<16xi32>
      %add3A_67 = arith.addi %mul3A_63, %get3A_66 : vector<16xi32>
      %swap3A = arith.index_cast %mul3A_58 : i32 to index
      %swap3A_68 = tpu.vector_load %arg8[%swap3A] {strides = array<i32>} : memref<10080xi32, #tpu.memory_space<vmem>>, vector<16xi32>,
      %swap3A_69 = vector.shape_cast %swap3A_68 : vector<16xi32> to vector<16xi32>
      %swap3A_70 = vector.shape_cast %add3A_67 : vector<16xi32> to vector<16xi32>
      tpu.vector_store %arg8[%swap3A], %swap3A_70 {strides = array<i32>} : memref<10080xi32, #tpu.memory_space<vmem>>, vector<16xi32>,
      %while3A_71 = arith.constant 0 : i32
      scf.yield %while3A_71 : i32
    }
    %dma_start3A = arith.constant 0 : i32
    %dma_start3A_15 = tpu.memref_slice %arg4[%dma_start3A] : memref<100002560xi32, #tpu.memory_space<hbm>> -> memref<100002560xi32, #tpu.memory_space<hbm>>
    tpu.enqueue_indirect_dma source(%dma_start3A_15 : memref<100002560xi32, #tpu.memory_space<hbm>>) target(%arg11 : memref<10080xi32, #tpu.memory_space<vmem>>) offsets(%arg8 : memref<10080xi32, #tpu.memory_space<vmem>>) semaphore(%arg14 : memref<!tpu.dma_semaphore, #tpu.memory_space<semaphore_mem>>)
    %while3A_16 = arith.constant 0 : i32
    %while3A_17 = arith.constant 40 : i32
    %while3A_18 = arith.constant 0 : i32
    %while3A_19 = arith.subi %while3A_17, %while3A_16 : i32
    %while3A_20 = arith.addi %while3A_16, %while3A_19 : i32
    %while3A_21 = arith.constant 1 : i32
    %while3A_22 = arith.divsi %while3A_19, %while3A_21 : i32
    %while3A_23 = arith.muli %while3A_22, %while3A_21 : i32
    %while3A_24 = arith.addi %while3A_16, %while3A_23 : i32
    %while3A_25 = arith.constant 1 : i32
    %while3A_26 = scf.for %while3A_55 = %while3A_16 to %while3A_24 step %while3A_25 iter_args(%while3A_56 = %while3A_18) -> (i32)  : i32 {
      %broadcast_in_dim3A_57 = arith.constant 0.000000e+00 : f32
      %broadcast_in_dim3A_58 = vector.broadcast %broadcast_in_dim3A_57 : f32 to vector<16xf32>
      %mul3A_59 = arith.constant 16 : i32
      %mul3A_60 = arith.muli %while3A_55, %mul3A_59 : i32
      %swap3A = arith.index_cast %mul3A_60 : i32 to index
      %swap3A_61 = tpu.vector_load %arg12[%swap3A] {strides = array<i32>} : memref<640xf32, #tpu.memory_space<vmem>>, vector<16xf32>,
      %swap3A_62 = vector.shape_cast %swap3A_61 : vector<16xf32> to vector<16xf32>
      %swap3A_63 = vector.shape_cast %broadcast_in_dim3A_58 : vector<16xf32> to vector<16xf32>
      tpu.vector_store %arg12[%swap3A], %swap3A_63 {strides = array<i32>} : memref<640xf32, #tpu.memory_space<vmem>>, vector<16xf32>,
      %while3A_64 = arith.constant 0 : i32
      scf.yield %while3A_64 : i32
    }
    %while3A_27 = arith.constant 1 : i32
    %while3A_28 = scf.for %while3A_55 = %while3A_24 to %while3A_20 step %while3A_27 iter_args(%while3A_56 = %while3A_26) -> (i32)  : i32 {
      %broadcast_in_dim3A_57 = arith.constant 0.000000e+00 : f32
      %broadcast_in_dim3A_58 = vector.broadcast %broadcast_in_dim3A_57 : f32 to vector<16xf32>
      %mul3A_59 = arith.constant 16 : i32
      %mul3A_60 = arith.muli %while3A_55, %mul3A_59 : i32
      %swap3A = arith.index_cast %mul3A_60 : i32 to index
      %swap3A_61 = tpu.vector_load %arg12[%swap3A] {strides = array<i32>} : memref<640xf32, #tpu.memory_space<vmem>>, vector<16xf32>,
      %swap3A_62 = vector.shape_cast %swap3A_61 : vector<16xf32> to vector<16xf32>
      %swap3A_63 = vector.shape_cast %broadcast_in_dim3A_58 : vector<16xf32> to vector<16xf32>
      tpu.vector_store %arg12[%swap3A], %swap3A_63 {strides = array<i32>} : memref<640xf32, #tpu.memory_space<vmem>>, vector<16xf32>,
      %while3A_64 = arith.constant 0 : i32
      scf.yield %while3A_64 : i32
    }
    %mul3A_29 = arith.constant 640 : i32
    %mul3A_30 = arith.muli %arg1, %mul3A_29 : i32
    "tpu.region"() ({
      %run_scoped3A = tpu.sem_alloc : memref<!tpu.dma_semaphore, #tpu.memory_space<semaphore_mem>>
      %dma_start3A_55 = tpu.memref_slice %arg13[%mul3A_30] : memref<10240xf32, #tpu.memory_space<vmem_shared>> -> memref<640xf32, #tpu.memory_space<vmem_shared>>
      %dma_start3A_56 = tpu.memref_slice %arg13[%mul3A_30] : memref<10240xf32, #tpu.memory_space<vmem_shared>> -> memref<640xf32, #tpu.memory_space<vmem_shared>>
      tpu.enqueue_dma source(%arg12 : memref<640xf32, #tpu.memory_space<vmem>>) target(%dma_start3A_56 : memref<640xf32, #tpu.memory_space<vmem_shared>>) target_semaphore(%run_scoped3A : memref<!tpu.dma_semaphore, #tpu.memory_space<semaphore_mem>>)
      %dma_wait3A_57 = tpu.memref_slice %arg13[%mul3A_30] : memref<10240xf32, #tpu.memory_space<vmem_shared>> -> memref<640xf32, #tpu.memory_space<vmem_shared>>
      %dma_wait3A_58 = tpu.memref_slice %arg13[%mul3A_30] : memref<10240xf32, #tpu.memory_space<vmem_shared>> -> memref<640xf32, #tpu.memory_space<vmem_shared>>
      tpu.wait_dma2 semaphore(%run_scoped3A : memref<!tpu.dma_semaphore, #tpu.memory_space<semaphore_mem>>) src(%arg12 : memref<640xf32, #tpu.memory_space<vmem>>) dst(%dma_wait3A_58 : memref<640xf32, #tpu.memory_space<vmem_shared>>)
      tpu.yield
    }) : () -> ()
    %dma_wait3A = arith.constant 0 : i32
    %dma_wait3A_31 = tpu.memref_slice %arg4[%dma_wait3A] : memref<100002560xi32, #tpu.memory_space<hbm>> -> memref<100002560xi32, #tpu.memory_space<hbm>>
    tpu.wait_indirect_dma semaphore(%arg14 : memref<!tpu.dma_semaphore, #tpu.memory_space<semaphore_mem>>) src(%dma_wait3A_31 : memref<100002560xi32, #tpu.memory_space<hbm>>) dst(%arg11 : memref<10080xi32, #tpu.memory_space<vmem>>)
    %barrier3A = arith.constant 0 : index
    tpu.barrier barrier_id(%barrier3A)
    %broadcast_in_dim3A = arith.constant 1.000000e+00 : f32
    %broadcast_in_dim3A_32 = vector.broadcast %broadcast_in_dim3A : f32 to vector<16xf32>
    %broadcast_in_dim3A_33 = arith.constant 0.000000e+00 : f32
    %broadcast_in_dim3A_34 = vector.broadcast %broadcast_in_dim3A_33 : f32 to vector<16xf32>
    %broadcast_in_dim3A_35 = arith.constant 0 : i32
    %broadcast_in_dim3A_36 = vector.broadcast %broadcast_in_dim3A_35 : i32 to vector<16xi32>
    %while3A_37 = arith.constant 0 : i32
    %while3A_38 = arith.constant 630 : i32
    %while3A_39 = arith.constant 0 : i32
    %while3A_40 = arith.subi %while3A_38, %while3A_37 : i32
    %while3A_41 = arith.addi %while3A_37, %while3A_40 : i32
    %while3A_42 = arith.constant 1 : i32
    %while3A_43 = arith.divsi %while3A_40, %while3A_42 : i32
    %while3A_44 = arith.muli %while3A_43, %while3A_42 : i32
    %while3A_45 = arith.addi %while3A_37, %while3A_44 : i32
    %while3A_46 = arith.constant 1 : i32
    %while3A_47 = scf.for %while3A_55 = %while3A_37 to %while3A_45 step %while3A_46 iter_args(%while3A_56 = %while3A_39) -> (i32)  : i32 {
      %mul3A_57 = arith.constant 16 : i32
      %mul3A_58 = arith.muli %while3A_55, %mul3A_57 : i32
      %get3A = arith.index_cast %mul3A_58 : i32 to index
      %get3A_59 = tpu.vector_load %arg6[%get3A] {strides = array<i32>} : memref<10080xi32, #tpu.memory_space<vmem>>, vector<16xi32>,
      %get3A_60 = vector.shape_cast %get3A_59 : vector<16xi32> to vector<16xi32>
      %get3A_61 = arith.index_cast %mul3A_58 : i32 to index
      %get3A_62 = tpu.vector_load %arg7[%get3A_61] {strides = array<i32>} : memref<10080xi32, #tpu.memory_space<vmem>>, vector<16xi32>,
      %get3A_63 = vector.shape_cast %get3A_62 : vector<16xi32> to vector<16xi32>
      %get3A_64 = arith.index_cast %mul3A_58 : i32 to index
      %get3A_65 = tpu.vector_load %arg11[%get3A_64] {strides = array<i32>} : memref<10080xi32, #tpu.memory_space<vmem>>, vector<16xi32>,
      %get3A_66 = vector.shape_cast %get3A_65 : vector<16xi32> to vector<16xi32>
      %mul3A_67 = arith.constant 16 : i32
      %mul3A_68 = arith.muli %while3A_55, %mul3A_67 : i32
      %add3A_69 = arith.addi %mul3A_2, %mul3A_68 : i32
      %add3A_70 = vector.broadcast %add3A_69 : i32 to vector<16xi32>
      %add3A_71 = arith.addi %add3A_70, %iota3A : vector<16xi32>
      %lt3A = arith.constant 10000 : i32
      %lt3A_72 = vector.broadcast %lt3A : i32 to vector<16xi32>
      %lt3A_73 = arith.cmpi slt, %get3A_60, %lt3A_72 : vector<16xi32>
      %eq3A = arith.cmpi eq, %get3A_66, %add3A_71 : vector<16xi32>
      %ne3A = arith.cmpi ne, %get3A_60, %get3A_63 : vector<16xi32>
      %and3A = arith.andi %eq3A, %ne3A : vector<16xi1>
      %and3A_74 = arith.andi %and3A, %lt3A_73 : vector<16xi1>
      %select_n3A = arith.select %and3A_74, %broadcast_in_dim3A_32, %broadcast_in_dim3A_34 : vector<16xi1>, vector<16xf32>
      %swap3A = arith.index_cast %mul3A_58 : i32 to index
      %swap3A_75 = tpu.vector_load %arg9[%swap3A] {strides = array<i32>} : memref<10080xf32, #tpu.memory_space<vmem>>, vector<16xf32>,
      %swap3A_76 = vector.shape_cast %swap3A_75 : vector<16xf32> to vector<16xf32>
      %swap3A_77 = vector.shape_cast %select_n3A : vector<16xf32> to vector<16xf32>
      tpu.vector_store %arg9[%swap3A], %swap3A_77 {strides = array<i32>} : memref<10080xf32, #tpu.memory_space<vmem>>, vector<16xf32>,
      %select_n3A_78 = arith.select %lt3A_73, %get3A_60, %broadcast_in_dim3A_36 : vector<16xi1>, vector<16xi32>
      %swap3A_79 = arith.index_cast %mul3A_58 : i32 to index
      %swap3A_80 = tpu.vector_load %arg10[%swap3A_79] {strides = array<i32>} : memref<10080xi32, #tpu.memory_space<vmem>>, vector<16xi32>,
      %swap3A_81 = vector.shape_cast %swap3A_80 : vector<16xi32> to vector<16xi32>
      %swap3A_82 = vector.shape_cast %select_n3A_78 : vector<16xi32> to vector<16xi32>
      tpu.vector_store %arg10[%swap3A_79], %swap3A_82 {strides = array<i32>} : memref<10080xi32, #tpu.memory_space<vmem>>, vector<16xi32>,
      %while3A_83 = arith.constant 0 : i32
      scf.yield %while3A_83 : i32
    }
    %while3A_48 = arith.constant 1 : i32
    %while3A_49 = scf.for %while3A_55 = %while3A_45 to %while3A_41 step %while3A_48 iter_args(%while3A_56 = %while3A_47) -> (i32)  : i32 {
      %mul3A_57 = arith.constant 16 : i32
      %mul3A_58 = arith.muli %while3A_55, %mul3A_57 : i32
      %get3A = arith.index_cast %mul3A_58 : i32 to index
      %get3A_59 = tpu.vector_load %arg6[%get3A] {strides = array<i32>} : memref<10080xi32, #tpu.memory_space<vmem>>, vector<16xi32>,
      %get3A_60 = vector.shape_cast %get3A_59 : vector<16xi32> to vector<16xi32>
      %get3A_61 = arith.index_cast %mul3A_58 : i32 to index
      %get3A_62 = tpu.vector_load %arg7[%get3A_61] {strides = array<i32>} : memref<10080xi32, #tpu.memory_space<vmem>>, vector<16xi32>,
      %get3A_63 = vector.shape_cast %get3A_62 : vector<16xi32> to vector<16xi32>
      %get3A_64 = arith.index_cast %mul3A_58 : i32 to index
      %get3A_65 = tpu.vector_load %arg11[%get3A_64] {strides = array<i32>} : memref<10080xi32, #tpu.memory_space<vmem>>, vector<16xi32>,
      %get3A_66 = vector.shape_cast %get3A_65 : vector<16xi32> to vector<16xi32>
      %mul3A_67 = arith.constant 16 : i32
      %mul3A_68 = arith.muli %while3A_55, %mul3A_67 : i32
      %add3A_69 = arith.addi %mul3A_2, %mul3A_68 : i32
      %add3A_70 = vector.broadcast %add3A_69 : i32 to vector<16xi32>
      %add3A_71 = arith.addi %add3A_70, %iota3A : vector<16xi32>
      %lt3A = arith.constant 10000 : i32
      %lt3A_72 = vector.broadcast %lt3A : i32 to vector<16xi32>
      %lt3A_73 = arith.cmpi slt, %get3A_60, %lt3A_72 : vector<16xi32>
      %eq3A = arith.cmpi eq, %get3A_66, %add3A_71 : vector<16xi32>
      %ne3A = arith.cmpi ne, %get3A_60, %get3A_63 : vector<16xi32>
      %and3A = arith.andi %eq3A, %ne3A : vector<16xi1>
      %and3A_74 = arith.andi %and3A, %lt3A_73 : vector<16xi1>
      %select_n3A = arith.select %and3A_74, %broadcast_in_dim3A_32, %broadcast_in_dim3A_34 : vector<16xi1>, vector<16xf32>
      %swap3A = arith.index_cast %mul3A_58 : i32 to index
      %swap3A_75 = tpu.vector_load %arg9[%swap3A] {strides = array<i32>} : memref<10080xf32, #tpu.memory_space<vmem>>, vector<16xf32>,
      %swap3A_76 = vector.shape_cast %swap3A_75 : vector<16xf32> to vector<16xf32>
      %swap3A_77 = vector.shape_cast %select_n3A : vector<16xf32> to vector<16xf32>
      tpu.vector_store %arg9[%swap3A], %swap3A_77 {strides = array<i32>} : memref<10080xf32, #tpu.memory_space<vmem>>, vector<16xf32>,
      %select_n3A_78 = arith.select %lt3A_73, %get3A_60, %broadcast_in_dim3A_36 : vector<16xi1>, vector<16xi32>
      %swap3A_79 = arith.index_cast %mul3A_58 : i32 to index
      %swap3A_80 = tpu.vector_load %arg10[%swap3A_79] {strides = array<i32>} : memref<10080xi32, #tpu.memory_space<vmem>>, vector<16xi32>,
      %swap3A_81 = vector.shape_cast %swap3A_80 : vector<16xi32> to vector<16xi32>
      %swap3A_82 = vector.shape_cast %select_n3A_78 : vector<16xi32> to vector<16xi32>
      tpu.vector_store %arg10[%swap3A_79], %swap3A_82 {strides = array<i32>} : memref<10080xi32, #tpu.memory_space<vmem>>, vector<16xi32>,
      %while3A_83 = arith.constant 0 : i32
      scf.yield %while3A_83 : i32
    }
    "tpu.region"() ({
      %run_scoped3A = tpu.sem_alloc : memref<!tpu.dma_semaphore, #tpu.memory_space<semaphore_mem>>
      %dma_start3A_55 = arith.constant 0 : i32
      %dma_start3A_56 = tpu.memref_slice %arg13[%dma_start3A_55] : memref<10240xf32, #tpu.memory_space<vmem_shared>> -> memref<10240xf32, #tpu.memory_space<vmem_shared>>
      tpu.enqueue_indirect_dma source(%arg9 : memref<10080xf32, #tpu.memory_space<vmem>>) target(%dma_start3A_56 : memref<10240xf32, #tpu.memory_space<vmem_shared>>) offsets(%arg10 : memref<10080xi32, #tpu.memory_space<vmem>>) semaphore(%run_scoped3A : memref<!tpu.dma_semaphore, #tpu.memory_space<semaphore_mem>>) {add = true}
      %dma_wait3A_57 = arith.constant 0 : i32
      %dma_wait3A_58 = tpu.memref_slice %arg13[%dma_wait3A_57] : memref<10240xf32, #tpu.memory_space<vmem_shared>> -> memref<10240xf32, #tpu.memory_space<vmem_shared>>
      tpu.wait_indirect_dma semaphore(%run_scoped3A : memref<!tpu.dma_semaphore, #tpu.memory_space<semaphore_mem>>) src(%arg9 : memref<10080xf32, #tpu.memory_space<vmem>>) dst(%dma_wait3A_58 : memref<10240xf32, #tpu.memory_space<vmem_shared>>)
      tpu.yield
    }) : () -> ()
    %barrier3A_50 = arith.constant 0 : index
    tpu.barrier barrier_id(%barrier3A_50)
    %mul3A_51 = arith.constant 640 : i32
    %mul3A_52 = arith.muli %arg1, %mul3A_51 : i32
    %mul3A_53 = arith.constant 640 : i32
    %mul3A_54 = arith.muli %arg1, %mul3A_53 : i32
    "tpu.region"() ({
      %run_scoped3A = tpu.sem_alloc : memref<!tpu.dma_semaphore, #tpu.memory_space<semaphore_mem>>
      %dma_start3A_55 = tpu.memref_slice %arg5[%arg0, %mul3A_54] : memref<2x10240xf32, #tpu.memory_space<hbm>> -> memref<1x640xf32, #tpu.memory_space<hbm>>
      %dma_start3A_56 = tpu.memref_squeeze %dma_start3A_55 : memref<1x640xf32, #tpu.memory_space<hbm>> -> memref<640xf32, #tpu.memory_space<hbm>>
      %dma_start3A_57 = tpu.memref_slice %arg13[%mul3A_52] : memref<10240xf32, #tpu.memory_space<vmem_shared>> -> memref<640xf32, #tpu.memory_space<vmem_shared>>
      tpu.enqueue_dma source(%dma_start3A_57 : memref<640xf32, #tpu.memory_space<vmem_shared>>) target(%dma_start3A_56 : memref<640xf32, #tpu.memory_space<hbm>>) target_semaphore(%run_scoped3A : memref<!tpu.dma_semaphore, #tpu.memory_space<semaphore_mem>>)
      %dma_wait3A_58 = tpu.memref_slice %arg5[%arg0, %mul3A_54] : memref<2x10240xf32, #tpu.memory_space<hbm>> -> memref<1x640xf32, #tpu.memory_space<hbm>>
      %dma_wait3A_59 = tpu.memref_squeeze %dma_wait3A_58 : memref<1x640xf32, #tpu.memory_space<hbm>> -> memref<640xf32, #tpu.memory_space<hbm>>
      %dma_wait3A_60 = tpu.memref_slice %arg13[%mul3A_52] : memref<10240xf32, #tpu.memory_space<vmem_shared>> -> memref<640xf32, #tpu.memory_space<vmem_shared>>
      tpu.wait_dma2 semaphore(%run_scoped3A : memref<!tpu.dma_semaphore, #tpu.memory_space<semaphore_mem>>) src(%dma_wait3A_60 : memref<640xf32, #tpu.memory_space<vmem_shared>>) dst(%dma_wait3A_59 : memref<640xf32, #tpu.memory_space<hbm>>)
      tpu.yield
    }) : () -> ()
    return
  }
}

#map = affine_map<(d0, d1) -> (0, 0)>
#map1 = affine_map<(d0, d1) -> (0)>
module attributes {stable_mosaic.version = 14 : i64} {
  func.func @_k1_body(%arg0: i32, %arg1: i32, %arg2: memref<32x10080xi32, #tpu.memory_space<hbm>>, %arg3: memref<32x10080xi32, #tpu.memory_space<hbm>>, %arg4: memref<100002560xi32, #tpu.memory_space<hbm>>, %arg5: memref<10080xi32, #tpu.memory_space<vmem>>, %arg6: memref<10080xi32, #tpu.memory_space<vmem>>, %arg7: memref<1440xi32, #tpu.memory_space<vmem>>, %arg8: memref<1440xi32, #tpu.memory_space<vmem>>, %arg9: memref<1440xi32, #tpu.memory_space<vmem>>, %arg10: memref<1440xi32, #tpu.memory_space<vmem>>, %arg11: memref<1440xi32, #tpu.memory_space<vmem>>, %arg12: memref<1440xi32, #tpu.memory_space<vmem>>, %arg13: memref<1440xi32, #tpu.memory_space<vmem>>, %arg14: memref<1440xi32, #tpu.memory_space<vmem>>, %arg15: memref<1440xi32, #tpu.memory_space<vmem>>, %arg16: memref<1440xi32, #tpu.memory_space<vmem>>, %arg17: memref<1440xi32, #tpu.memory_space<vmem>>, %arg18: memref<1440xi32, #tpu.memory_space<vmem>>, %arg19: memref<1440xi32, #tpu.memory_space<vmem>>, %arg20: memref<1440xi32, #tpu.memory_space<vmem>>, %arg21: memref<!tpu.dma_semaphore, #tpu.memory_space<semaphore_mem>>) attributes {dimension_semantics = [#tpu.dimension_semantics<core_parallel>, #tpu.dimension_semantics<subcore_parallel>], iteration_bounds = array<i64: 2, 16>, scalar_prefetch = 0 : i64, scratch_operands = 17 : i64, tpu.core_type = #tpu.core_type<sc_vector_subcore>, window_params = [{transform_indices = #map}, {transform_indices = #map}, {transform_indices = #map1}]} {
    %mul3A = arith.constant 2 : i32
    %mul3A_0 = arith.muli %arg1, %mul3A : i32
    %add3A = arith.addi %mul3A_0, %arg0 : i32
    "tpu.region"() ({
      %run_scoped3A = tpu.sem_alloc : memref<!tpu.dma_semaphore, #tpu.memory_space<semaphore_mem>>
      %dma_start3A_126 = arith.constant 0 : i32
      %dma_start3A_127 = tpu.memref_slice %arg2[%add3A, %dma_start3A_126] : memref<32x10080xi32, #tpu.memory_space<hbm>> -> memref<1x10080xi32, #tpu.memory_space<hbm>>
      %dma_start3A_128 = tpu.memref_squeeze %dma_start3A_127 : memref<1x10080xi32, #tpu.memory_space<hbm>> -> memref<10080xi32, #tpu.memory_space<hbm>>
      %dma_start3A_129 = arith.constant 0 : i32
      %dma_start3A_130 = tpu.memref_slice %arg2[%add3A, %dma_start3A_129] : memref<32x10080xi32, #tpu.memory_space<hbm>> -> memref<1x10080xi32, #tpu.memory_space<hbm>>
      %dma_start3A_131 = tpu.memref_squeeze %dma_start3A_130 : memref<1x10080xi32, #tpu.memory_space<hbm>> -> memref<10080xi32, #tpu.memory_space<hbm>>
      tpu.enqueue_dma source(%dma_start3A_131 : memref<10080xi32, #tpu.memory_space<hbm>>) target(%arg5 : memref<10080xi32, #tpu.memory_space<vmem>>) target_semaphore(%run_scoped3A : memref<!tpu.dma_semaphore, #tpu.memory_space<semaphore_mem>>)
      %dma_wait3A_132 = arith.constant 0 : i32
      %dma_wait3A_133 = tpu.memref_slice %arg2[%add3A, %dma_wait3A_132] : memref<32x10080xi32, #tpu.memory_space<hbm>> -> memref<1x10080xi32, #tpu.memory_space<hbm>>
      %dma_wait3A_134 = tpu.memref_squeeze %dma_wait3A_133 : memref<1x10080xi32, #tpu.memory_space<hbm>> -> memref<10080xi32, #tpu.memory_space<hbm>>
      %dma_wait3A_135 = arith.constant 0 : i32
      %dma_wait3A_136 = tpu.memref_slice %arg2[%add3A, %dma_wait3A_135] : memref<32x10080xi32, #tpu.memory_space<hbm>> -> memref<1x10080xi32, #tpu.memory_space<hbm>>
      %dma_wait3A_137 = tpu.memref_squeeze %dma_wait3A_136 : memref<1x10080xi32, #tpu.memory_space<hbm>> -> memref<10080xi32, #tpu.memory_space<hbm>>
      tpu.wait_dma2 semaphore(%run_scoped3A : memref<!tpu.dma_semaphore, #tpu.memory_space<semaphore_mem>>) src(%dma_wait3A_137 : memref<10080xi32, #tpu.memory_space<hbm>>) dst(%arg5 : memref<10080xi32, #tpu.memory_space<vmem>>)
      tpu.yield
    }) : () -> ()
    "tpu.region"() ({
      %run_scoped3A = tpu.sem_alloc : memref<!tpu.dma_semaphore, #tpu.memory_space<semaphore_mem>>
      %dma_start3A_126 = arith.constant 0 : i32
      %dma_start3A_127 = tpu.memref_slice %arg3[%add3A, %dma_start3A_126] : memref<32x10080xi32, #tpu.memory_space<hbm>> -> memref<1x10080xi32, #tpu.memory_space<hbm>>
      %dma_start3A_128 = tpu.memref_squeeze %dma_start3A_127 : memref<1x10080xi32, #tpu.memory_space<hbm>> -> memref<10080xi32, #tpu.memory_space<hbm>>
      %dma_start3A_129 = arith.constant 0 : i32
      %dma_start3A_130 = tpu.memref_slice %arg3[%add3A, %dma_start3A_129] : memref<32x10080xi32, #tpu.memory_space<hbm>> -> memref<1x10080xi32, #tpu.memory_space<hbm>>
      %dma_start3A_131 = tpu.memref_squeeze %dma_start3A_130 : memref<1x10080xi32, #tpu.memory_space<hbm>> -> memref<10080xi32, #tpu.memory_space<hbm>>
      tpu.enqueue_dma source(%dma_start3A_131 : memref<10080xi32, #tpu.memory_space<hbm>>) target(%arg6 : memref<10080xi32, #tpu.memory_space<vmem>>) target_semaphore(%run_scoped3A : memref<!tpu.dma_semaphore, #tpu.memory_space<semaphore_mem>>)
      %dma_wait3A_132 = arith.constant 0 : i32
      %dma_wait3A_133 = tpu.memref_slice %arg3[%add3A, %dma_wait3A_132] : memref<32x10080xi32, #tpu.memory_space<hbm>> -> memref<1x10080xi32, #tpu.memory_space<hbm>>
      %dma_wait3A_134 = tpu.memref_squeeze %dma_wait3A_133 : memref<1x10080xi32, #tpu.memory_space<hbm>> -> memref<10080xi32, #tpu.memory_space<hbm>>
      %dma_wait3A_135 = arith.constant 0 : i32
      %dma_wait3A_136 = tpu.memref_slice %arg3[%add3A, %dma_wait3A_135] : memref<32x10080xi32, #tpu.memory_space<hbm>> -> memref<1x10080xi32, #tpu.memory_space<hbm>>
      %dma_wait3A_137 = tpu.memref_squeeze %dma_wait3A_136 : memref<1x10080xi32, #tpu.memory_space<hbm>> -> memref<10080xi32, #tpu.memory_space<hbm>>
      tpu.wait_dma2 semaphore(%run_scoped3A : memref<!tpu.dma_semaphore, #tpu.memory_space<semaphore_mem>>) src(%dma_wait3A_137 : memref<10080xi32, #tpu.memory_space<hbm>>) dst(%arg6 : memref<10080xi32, #tpu.memory_space<vmem>>)
      tpu.yield
    }) : () -> ()
    %iota3A = tpu.iota {dimensions = array<i32: 0>} : vector<16xi32>
    %mul3A_1 = arith.constant 10080 : i32
    %mul3A_2 = arith.muli %add3A, %mul3A_1 : i32
    %while3A = arith.constant 0 : i32
    %while3A_3 = arith.constant 0 : i32
    %while3A_4 = arith.constant 90 : i32
    %while3A_5 = arith.constant 0 : i32
    %while3A_6 = arith.subi %while3A_4, %while3A_3 : i32
    %while3A_7 = arith.addi %while3A_3, %while3A_6 : i32
    %while3A_8 = arith.constant 1 : i32
    %while3A_9 = arith.divsi %while3A_6, %while3A_8 : i32
    %while3A_10 = arith.muli %while3A_9, %while3A_8 : i32
    %while3A_11 = arith.addi %while3A_3, %while3A_10 : i32
    %while3A_12 = arith.constant 1 : i32
    %while3A_13 = scf.for %while3A_126 = %while3A_3 to %while3A_11 step %while3A_12 iter_args(%while3A_127 = %while3A_5) -> (i32)  : i32 {
      %mul3A_128 = arith.constant 16 : i32
      %mul3A_129 = arith.muli %while3A_126, %mul3A_128 : i32
      %mul3A_130 = arith.constant 16 : i32
      %mul3A_131 = arith.muli %while3A_126, %mul3A_130 : i32
      %add3A_132 = arith.addi %while3A, %mul3A_131 : i32
      %get3A = arith.index_cast %add3A_132 : i32 to index
      %get3A_133 = tpu.vector_load %arg5[%get3A] {strides = array<i32>} : memref<10080xi32, #tpu.memory_space<vmem>>, vector<16xi32>,
      %get3A_134 = vector.shape_cast %get3A_133 : vector<16xi32> to vector<16xi32>
      %mul3A_135 = arith.constant 10000 : i32
      %mul3A_136 = vector.broadcast %mul3A_135 : i32 to vector<16xi32>
      %mul3A_137 = arith.muli %get3A_134, %mul3A_136 : vector<16xi32>
      %get3A_138 = arith.index_cast %add3A_132 : i32 to index
      %get3A_139 = tpu.vector_load %arg6[%get3A_138] {strides = array<i32>} : memref<10080xi32, #tpu.memory_space<vmem>>, vector<16xi32>,
      %get3A_140 = vector.shape_cast %get3A_139 : vector<16xi32> to vector<16xi32>
      %add3A_141 = arith.addi %mul3A_137, %get3A_140 : vector<16xi32>
      %swap3A = arith.index_cast %mul3A_129 : i32 to index
      %swap3A_142 = tpu.vector_load %arg7[%swap3A] {strides = array<i32>} : memref<1440xi32, #tpu.memory_space<vmem>>, vector<16xi32>,
      %swap3A_143 = vector.shape_cast %swap3A_142 : vector<16xi32> to vector<16xi32>
      %swap3A_144 = vector.shape_cast %add3A_141 : vector<16xi32> to vector<16xi32>
      tpu.vector_store %arg7[%swap3A], %swap3A_144 {strides = array<i32>} : memref<1440xi32, #tpu.memory_space<vmem>>, vector<16xi32>,
      %add3A_145 = arith.addi %mul3A_2, %while3A : i32
      %mul3A_146 = arith.constant 16 : i32
      %mul3A_147 = arith.muli %while3A_126, %mul3A_146 : i32
      %add3A_148 = arith.addi %add3A_145, %mul3A_147 : i32
      %add3A_149 = vector.broadcast %add3A_148 : i32 to vector<16xi32>
      %add3A_150 = arith.addi %add3A_149, %iota3A : vector<16xi32>
      %swap3A_151 = arith.index_cast %mul3A_129 : i32 to index
      %swap3A_152 = tpu.vector_load %arg8[%swap3A_151] {strides = array<i32>} : memref<1440xi32, #tpu.memory_space<vmem>>, vector<16xi32>,
      %swap3A_153 = vector.shape_cast %swap3A_152 : vector<16xi32> to vector<16xi32>
      %swap3A_154 = vector.shape_cast %add3A_150 : vector<16xi32> to vector<16xi32>
      tpu.vector_store %arg8[%swap3A_151], %swap3A_154 {strides = array<i32>} : memref<1440xi32, #tpu.memory_space<vmem>>, vector<16xi32>,
      %while3A_155 = arith.constant 0 : i32
      scf.yield %while3A_155 : i32
    }
    %while3A_14 = arith.constant 1 : i32
    %while3A_15 = scf.for %while3A_126 = %while3A_11 to %while3A_7 step %while3A_14 iter_args(%while3A_127 = %while3A_13) -> (i32)  : i32 {
      %mul3A_128 = arith.constant 16 : i32
      %mul3A_129 = arith.muli %while3A_126, %mul3A_128 : i32
      %mul3A_130 = arith.constant 16 : i32
      %mul3A_131 = arith.muli %while3A_126, %mul3A_130 : i32
      %add3A_132 = arith.addi %while3A, %mul3A_131 : i32
      %get3A = arith.index_cast %add3A_132 : i32 to index
      %get3A_133 = tpu.vector_load %arg5[%get3A] {strides = array<i32>} : memref<10080xi32, #tpu.memory_space<vmem>>, vector<16xi32>,
      %get3A_134 = vector.shape_cast %get3A_133 : vector<16xi32> to vector<16xi32>
      %mul3A_135 = arith.constant 10000 : i32
      %mul3A_136 = vector.broadcast %mul3A_135 : i32 to vector<16xi32>
      %mul3A_137 = arith.muli %get3A_134, %mul3A_136 : vector<16xi32>
      %get3A_138 = arith.index_cast %add3A_132 : i32 to index
      %get3A_139 = tpu.vector_load %arg6[%get3A_138] {strides = array<i32>} : memref<10080xi32, #tpu.memory_space<vmem>>, vector<16xi32>,
      %get3A_140 = vector.shape_cast %get3A_139 : vector<16xi32> to vector<16xi32>
      %add3A_141 = arith.addi %mul3A_137, %get3A_140 : vector<16xi32>
      %swap3A = arith.index_cast %mul3A_129 : i32 to index
      %swap3A_142 = tpu.vector_load %arg7[%swap3A] {strides = array<i32>} : memref<1440xi32, #tpu.memory_space<vmem>>, vector<16xi32>,
      %swap3A_143 = vector.shape_cast %swap3A_142 : vector<16xi32> to vector<16xi32>
      %swap3A_144 = vector.shape_cast %add3A_141 : vector<16xi32> to vector<16xi32>
      tpu.vector_store %arg7[%swap3A], %swap3A_144 {strides = array<i32>} : memref<1440xi32, #tpu.memory_space<vmem>>, vector<16xi32>,
      %add3A_145 = arith.addi %mul3A_2, %while3A : i32
      %mul3A_146 = arith.constant 16 : i32
      %mul3A_147 = arith.muli %while3A_126, %mul3A_146 : i32
      %add3A_148 = arith.addi %add3A_145, %mul3A_147 : i32
      %add3A_149 = vector.broadcast %add3A_148 : i32 to vector<16xi32>
      %add3A_150 = arith.addi %add3A_149, %iota3A : vector<16xi32>
      %swap3A_151 = arith.index_cast %mul3A_129 : i32 to index
      %swap3A_152 = tpu.vector_load %arg8[%swap3A_151] {strides = array<i32>} : memref<1440xi32, #tpu.memory_space<vmem>>, vector<16xi32>,
      %swap3A_153 = vector.shape_cast %swap3A_152 : vector<16xi32> to vector<16xi32>
      %swap3A_154 = vector.shape_cast %add3A_150 : vector<16xi32> to vector<16xi32>
      tpu.vector_store %arg8[%swap3A_151], %swap3A_154 {strides = array<i32>} : memref<1440xi32, #tpu.memory_space<vmem>>, vector<16xi32>,
      %while3A_155 = arith.constant 0 : i32
      scf.yield %while3A_155 : i32
    }
    %dma_start3A = arith.constant 0 : i32
    %dma_start3A_16 = tpu.memref_slice %arg4[%dma_start3A] : memref<100002560xi32, #tpu.memory_space<hbm>> -> memref<100002560xi32, #tpu.memory_space<hbm>>
    tpu.enqueue_indirect_dma source(%arg8 : memref<1440xi32, #tpu.memory_space<vmem>>) target(%dma_start3A_16 : memref<100002560xi32, #tpu.memory_space<hbm>>) offsets(%arg7 : memref<1440xi32, #tpu.memory_space<vmem>>) semaphore(%arg21 : memref<!tpu.dma_semaphore, #tpu.memory_space<semaphore_mem>>)
    %while3A_17 = arith.constant 1440 : i32
    %while3A_18 = arith.constant 0 : i32
    %while3A_19 = arith.constant 90 : i32
    %while3A_20 = arith.constant 0 : i32
    %while3A_21 = arith.subi %while3A_19, %while3A_18 : i32
    %while3A_22 = arith.addi %while3A_18, %while3A_21 : i32
    %while3A_23 = arith.constant 1 : i32
    %while3A_24 = arith.divsi %while3A_21, %while3A_23 : i32
    %while3A_25 = arith.muli %while3A_24, %while3A_23 : i32
    %while3A_26 = arith.addi %while3A_18, %while3A_25 : i32
    %while3A_27 = arith.constant 1 : i32
    %while3A_28 = scf.for %while3A_126 = %while3A_18 to %while3A_26 step %while3A_27 iter_args(%while3A_127 = %while3A_20) -> (i32)  : i32 {
      %mul3A_128 = arith.constant 16 : i32
      %mul3A_129 = arith.muli %while3A_126, %mul3A_128 : i32
      %mul3A_130 = arith.constant 16 : i32
      %mul3A_131 = arith.muli %while3A_126, %mul3A_130 : i32
      %add3A_132 = arith.addi %while3A_17, %mul3A_131 : i32
      %get3A = arith.index_cast %add3A_132 : i32 to index
      %get3A_133 = tpu.vector_load %arg5[%get3A] {strides = array<i32>} : memref<10080xi32, #tpu.memory_space<vmem>>, vector<16xi32>,
      %get3A_134 = vector.shape_cast %get3A_133 : vector<16xi32> to vector<16xi32>
      %mul3A_135 = arith.constant 10000 : i32
      %mul3A_136 = vector.broadcast %mul3A_135 : i32 to vector<16xi32>
      %mul3A_137 = arith.muli %get3A_134, %mul3A_136 : vector<16xi32>
      %get3A_138 = arith.index_cast %add3A_132 : i32 to index
      %get3A_139 = tpu.vector_load %arg6[%get3A_138] {strides = array<i32>} : memref<10080xi32, #tpu.memory_space<vmem>>, vector<16xi32>,
      %get3A_140 = vector.shape_cast %get3A_139 : vector<16xi32> to vector<16xi32>
      %add3A_141 = arith.addi %mul3A_137, %get3A_140 : vector<16xi32>
      %swap3A = arith.index_cast %mul3A_129 : i32 to index
      %swap3A_142 = tpu.vector_load %arg9[%swap3A] {strides = array<i32>} : memref<1440xi32, #tpu.memory_space<vmem>>, vector<16xi32>,
      %swap3A_143 = vector.shape_cast %swap3A_142 : vector<16xi32> to vector<16xi32>
      %swap3A_144 = vector.shape_cast %add3A_141 : vector<16xi32> to vector<16xi32>
      tpu.vector_store %arg9[%swap3A], %swap3A_144 {strides = array<i32>} : memref<1440xi32, #tpu.memory_space<vmem>>, vector<16xi32>,
      %add3A_145 = arith.addi %mul3A_2, %while3A_17 : i32
      %mul3A_146 = arith.constant 16 : i32
      %mul3A_147 = arith.muli %while3A_126, %mul3A_146 : i32
      %add3A_148 = arith.addi %add3A_145, %mul3A_147 : i32
      %add3A_149 = vector.broadcast %add3A_148 : i32 to vector<16xi32>
      %add3A_150 = arith.addi %add3A_149, %iota3A : vector<16xi32>
      %swap3A_151 = arith.index_cast %mul3A_129 : i32 to index
      %swap3A_152 = tpu.vector_load %arg10[%swap3A_151] {strides = array<i32>} : memref<1440xi32, #tpu.memory_space<vmem>>, vector<16xi32>,
      %swap3A_153 = vector.shape_cast %swap3A_152 : vector<16xi32> to vector<16xi32>
      %swap3A_154 = vector.shape_cast %add3A_150 : vector<16xi32> to vector<16xi32>
      tpu.vector_store %arg10[%swap3A_151], %swap3A_154 {strides = array<i32>} : memref<1440xi32, #tpu.memory_space<vmem>>, vector<16xi32>,
      %while3A_155 = arith.constant 0 : i32
      scf.yield %while3A_155 : i32
    }
    %while3A_29 = arith.constant 1 : i32
    %while3A_30 = scf.for %while3A_126 = %while3A_26 to %while3A_22 step %while3A_29 iter_args(%while3A_127 = %while3A_28) -> (i32)  : i32 {
      %mul3A_128 = arith.constant 16 : i32
      %mul3A_129 = arith.muli %while3A_126, %mul3A_128 : i32
      %mul3A_130 = arith.constant 16 : i32
      %mul3A_131 = arith.muli %while3A_126, %mul3A_130 : i32
      %add3A_132 = arith.addi %while3A_17, %mul3A_131 : i32
      %get3A = arith.index_cast %add3A_132 : i32 to index
      %get3A_133 = tpu.vector_load %arg5[%get3A] {strides = array<i32>} : memref<10080xi32, #tpu.memory_space<vmem>>, vector<16xi32>,
      %get3A_134 = vector.shape_cast %get3A_133 : vector<16xi32> to vector<16xi32>
      %mul3A_135 = arith.constant 10000 : i32
      %mul3A_136 = vector.broadcast %mul3A_135 : i32 to vector<16xi32>
      %mul3A_137 = arith.muli %get3A_134, %mul3A_136 : vector<16xi32>
      %get3A_138 = arith.index_cast %add3A_132 : i32 to index
      %get3A_139 = tpu.vector_load %arg6[%get3A_138] {strides = array<i32>} : memref<10080xi32, #tpu.memory_space<vmem>>, vector<16xi32>,
      %get3A_140 = vector.shape_cast %get3A_139 : vector<16xi32> to vector<16xi32>
      %add3A_141 = arith.addi %mul3A_137, %get3A_140 : vector<16xi32>
      %swap3A = arith.index_cast %mul3A_129 : i32 to index
      %swap3A_142 = tpu.vector_load %arg9[%swap3A] {strides = array<i32>} : memref<1440xi32, #tpu.memory_space<vmem>>, vector<16xi32>,
      %swap3A_143 = vector.shape_cast %swap3A_142 : vector<16xi32> to vector<16xi32>
      %swap3A_144 = vector.shape_cast %add3A_141 : vector<16xi32> to vector<16xi32>
      tpu.vector_store %arg9[%swap3A], %swap3A_144 {strides = array<i32>} : memref<1440xi32, #tpu.memory_space<vmem>>, vector<16xi32>,
      %add3A_145 = arith.addi %mul3A_2, %while3A_17 : i32
      %mul3A_146 = arith.constant 16 : i32
      %mul3A_147 = arith.muli %while3A_126, %mul3A_146 : i32
      %add3A_148 = arith.addi %add3A_145, %mul3A_147 : i32
      %add3A_149 = vector.broadcast %add3A_148 : i32 to vector<16xi32>
      %add3A_150 = arith.addi %add3A_149, %iota3A : vector<16xi32>
      %swap3A_151 = arith.index_cast %mul3A_129 : i32 to index
      %swap3A_152 = tpu.vector_load %arg10[%swap3A_151] {strides = array<i32>} : memref<1440xi32, #tpu.memory_space<vmem>>, vector<16xi32>,
      %swap3A_153 = vector.shape_cast %swap3A_152 : vector<16xi32> to vector<16xi32>
      %swap3A_154 = vector.shape_cast %add3A_150 : vector<16xi32> to vector<16xi32>
      tpu.vector_store %arg10[%swap3A_151], %swap3A_154 {strides = array<i32>} : memref<1440xi32, #tpu.memory_space<vmem>>, vector<16xi32>,
      %while3A_155 = arith.constant 0 : i32
      scf.yield %while3A_155 : i32
    }
    %dma_start3A_31 = arith.constant 0 : i32
    %dma_start3A_32 = tpu.memref_slice %arg4[%dma_start3A_31] : memref<100002560xi32, #tpu.memory_space<hbm>> -> memref<100002560xi32, #tpu.memory_space<hbm>>
    tpu.enqueue_indirect_dma source(%arg10 : memref<1440xi32, #tpu.memory_space<vmem>>) target(%dma_start3A_32 : memref<100002560xi32, #tpu.memory_space<hbm>>) offsets(%arg9 : memref<1440xi32, #tpu.memory_space<vmem>>) semaphore(%arg21 : memref<!tpu.dma_semaphore, #tpu.memory_space<semaphore_mem>>)
    %while3A_33 = arith.constant 2880 : i32
    %while3A_34 = arith.constant 0 : i32
    %while3A_35 = arith.constant 90 : i32
    %while3A_36 = arith.constant 0 : i32
    %while3A_37 = arith.subi %while3A_35, %while3A_34 : i32
    %while3A_38 = arith.addi %while3A_34, %while3A_37 : i32
    %while3A_39 = arith.constant 1 : i32
    %while3A_40 = arith.divsi %while3A_37, %while3A_39 : i32
    %while3A_41 = arith.muli %while3A_40, %while3A_39 : i32
    %while3A_42 = arith.addi %while3A_34, %while3A_41 : i32
    %while3A_43 = arith.constant 1 : i32
    %while3A_44 = scf.for %while3A_126 = %while3A_34 to %while3A_42 step %while3A_43 iter_args(%while3A_127 = %while3A_36) -> (i32)  : i32 {
      %mul3A_128 = arith.constant 16 : i32
      %mul3A_129 = arith.muli %while3A_126, %mul3A_128 : i32
      %mul3A_130 = arith.constant 16 : i32
      %mul3A_131 = arith.muli %while3A_126, %mul3A_130 : i32
      %add3A_132 = arith.addi %while3A_33, %mul3A_131 : i32
      %get3A = arith.index_cast %add3A_132 : i32 to index
      %get3A_133 = tpu.vector_load %arg5[%get3A] {strides = array<i32>} : memref<10080xi32, #tpu.memory_space<vmem>>, vector<16xi32>,
      %get3A_134 = vector.shape_cast %get3A_133 : vector<16xi32> to vector<16xi32>
      %mul3A_135 = arith.constant 10000 : i32
      %mul3A_136 = vector.broadcast %mul3A_135 : i32 to vector<16xi32>
      %mul3A_137 = arith.muli %get3A_134, %mul3A_136 : vector<16xi32>
      %get3A_138 = arith.index_cast %add3A_132 : i32 to index
      %get3A_139 = tpu.vector_load %arg6[%get3A_138] {strides = array<i32>} : memref<10080xi32, #tpu.memory_space<vmem>>, vector<16xi32>,
      %get3A_140 = vector.shape_cast %get3A_139 : vector<16xi32> to vector<16xi32>
      %add3A_141 = arith.addi %mul3A_137, %get3A_140 : vector<16xi32>
      %swap3A = arith.index_cast %mul3A_129 : i32 to index
      %swap3A_142 = tpu.vector_load %arg11[%swap3A] {strides = array<i32>} : memref<1440xi32, #tpu.memory_space<vmem>>, vector<16xi32>,
      %swap3A_143 = vector.shape_cast %swap3A_142 : vector<16xi32> to vector<16xi32>
      %swap3A_144 = vector.shape_cast %add3A_141 : vector<16xi32> to vector<16xi32>
      tpu.vector_store %arg11[%swap3A], %swap3A_144 {strides = array<i32>} : memref<1440xi32, #tpu.memory_space<vmem>>, vector<16xi32>,
      %add3A_145 = arith.addi %mul3A_2, %while3A_33 : i32
      %mul3A_146 = arith.constant 16 : i32
      %mul3A_147 = arith.muli %while3A_126, %mul3A_146 : i32
      %add3A_148 = arith.addi %add3A_145, %mul3A_147 : i32
      %add3A_149 = vector.broadcast %add3A_148 : i32 to vector<16xi32>
      %add3A_150 = arith.addi %add3A_149, %iota3A : vector<16xi32>
      %swap3A_151 = arith.index_cast %mul3A_129 : i32 to index
      %swap3A_152 = tpu.vector_load %arg12[%swap3A_151] {strides = array<i32>} : memref<1440xi32, #tpu.memory_space<vmem>>, vector<16xi32>,
      %swap3A_153 = vector.shape_cast %swap3A_152 : vector<16xi32> to vector<16xi32>
      %swap3A_154 = vector.shape_cast %add3A_150 : vector<16xi32> to vector<16xi32>
      tpu.vector_store %arg12[%swap3A_151], %swap3A_154 {strides = array<i32>} : memref<1440xi32, #tpu.memory_space<vmem>>, vector<16xi32>,
      %while3A_155 = arith.constant 0 : i32
      scf.yield %while3A_155 : i32
    }
    %while3A_45 = arith.constant 1 : i32
    %while3A_46 = scf.for %while3A_126 = %while3A_42 to %while3A_38 step %while3A_45 iter_args(%while3A_127 = %while3A_44) -> (i32)  : i32 {
      %mul3A_128 = arith.constant 16 : i32
      %mul3A_129 = arith.muli %while3A_126, %mul3A_128 : i32
      %mul3A_130 = arith.constant 16 : i32
      %mul3A_131 = arith.muli %while3A_126, %mul3A_130 : i32
      %add3A_132 = arith.addi %while3A_33, %mul3A_131 : i32
      %get3A = arith.index_cast %add3A_132 : i32 to index
      %get3A_133 = tpu.vector_load %arg5[%get3A] {strides = array<i32>} : memref<10080xi32, #tpu.memory_space<vmem>>, vector<16xi32>,
      %get3A_134 = vector.shape_cast %get3A_133 : vector<16xi32> to vector<16xi32>
      %mul3A_135 = arith.constant 10000 : i32
      %mul3A_136 = vector.broadcast %mul3A_135 : i32 to vector<16xi32>
      %mul3A_137 = arith.muli %get3A_134, %mul3A_136 : vector<16xi32>
      %get3A_138 = arith.index_cast %add3A_132 : i32 to index
      %get3A_139 = tpu.vector_load %arg6[%get3A_138] {strides = array<i32>} : memref<10080xi32, #tpu.memory_space<vmem>>, vector<16xi32>,
      %get3A_140 = vector.shape_cast %get3A_139 : vector<16xi32> to vector<16xi32>
      %add3A_141 = arith.addi %mul3A_137, %get3A_140 : vector<16xi32>
      %swap3A = arith.index_cast %mul3A_129 : i32 to index
      %swap3A_142 = tpu.vector_load %arg11[%swap3A] {strides = array<i32>} : memref<1440xi32, #tpu.memory_space<vmem>>, vector<16xi32>,
      %swap3A_143 = vector.shape_cast %swap3A_142 : vector<16xi32> to vector<16xi32>
      %swap3A_144 = vector.shape_cast %add3A_141 : vector<16xi32> to vector<16xi32>
      tpu.vector_store %arg11[%swap3A], %swap3A_144 {strides = array<i32>} : memref<1440xi32, #tpu.memory_space<vmem>>, vector<16xi32>,
      %add3A_145 = arith.addi %mul3A_2, %while3A_33 : i32
      %mul3A_146 = arith.constant 16 : i32
      %mul3A_147 = arith.muli %while3A_126, %mul3A_146 : i32
      %add3A_148 = arith.addi %add3A_145, %mul3A_147 : i32
      %add3A_149 = vector.broadcast %add3A_148 : i32 to vector<16xi32>
      %add3A_150 = arith.addi %add3A_149, %iota3A : vector<16xi32>
      %swap3A_151 = arith.index_cast %mul3A_129 : i32 to index
      %swap3A_152 = tpu.vector_load %arg12[%swap3A_151] {strides = array<i32>} : memref<1440xi32, #tpu.memory_space<vmem>>, vector<16xi32>,
      %swap3A_153 = vector.shape_cast %swap3A_152 : vector<16xi32> to vector<16xi32>
      %swap3A_154 = vector.shape_cast %add3A_150 : vector<16xi32> to vector<16xi32>
      tpu.vector_store %arg12[%swap3A_151], %swap3A_154 {strides = array<i32>} : memref<1440xi32, #tpu.memory_space<vmem>>, vector<16xi32>,
      %while3A_155 = arith.constant 0 : i32
      scf.yield %while3A_155 : i32
    }
    %dma_start3A_47 = arith.constant 0 : i32
    %dma_start3A_48 = tpu.memref_slice %arg4[%dma_start3A_47] : memref<100002560xi32, #tpu.memory_space<hbm>> -> memref<100002560xi32, #tpu.memory_space<hbm>>
    tpu.enqueue_indirect_dma source(%arg12 : memref<1440xi32, #tpu.memory_space<vmem>>) target(%dma_start3A_48 : memref<100002560xi32, #tpu.memory_space<hbm>>) offsets(%arg11 : memref<1440xi32, #tpu.memory_space<vmem>>) semaphore(%arg21 : memref<!tpu.dma_semaphore, #tpu.memory_space<semaphore_mem>>)
    %while3A_49 = arith.constant 4320 : i32
    %while3A_50 = arith.constant 0 : i32
    %while3A_51 = arith.constant 90 : i32
    %while3A_52 = arith.constant 0 : i32
    %while3A_53 = arith.subi %while3A_51, %while3A_50 : i32
    %while3A_54 = arith.addi %while3A_50, %while3A_53 : i32
    %while3A_55 = arith.constant 1 : i32
    %while3A_56 = arith.divsi %while3A_53, %while3A_55 : i32
    %while3A_57 = arith.muli %while3A_56, %while3A_55 : i32
    %while3A_58 = arith.addi %while3A_50, %while3A_57 : i32
    %while3A_59 = arith.constant 1 : i32
    %while3A_60 = scf.for %while3A_126 = %while3A_50 to %while3A_58 step %while3A_59 iter_args(%while3A_127 = %while3A_52) -> (i32)  : i32 {
      %mul3A_128 = arith.constant 16 : i32
      %mul3A_129 = arith.muli %while3A_126, %mul3A_128 : i32
      %mul3A_130 = arith.constant 16 : i32
      %mul3A_131 = arith.muli %while3A_126, %mul3A_130 : i32
      %add3A_132 = arith.addi %while3A_49, %mul3A_131 : i32
      %get3A = arith.index_cast %add3A_132 : i32 to index
      %get3A_133 = tpu.vector_load %arg5[%get3A] {strides = array<i32>} : memref<10080xi32, #tpu.memory_space<vmem>>, vector<16xi32>,
      %get3A_134 = vector.shape_cast %get3A_133 : vector<16xi32> to vector<16xi32>
      %mul3A_135 = arith.constant 10000 : i32
      %mul3A_136 = vector.broadcast %mul3A_135 : i32 to vector<16xi32>
      %mul3A_137 = arith.muli %get3A_134, %mul3A_136 : vector<16xi32>
      %get3A_138 = arith.index_cast %add3A_132 : i32 to index
      %get3A_139 = tpu.vector_load %arg6[%get3A_138] {strides = array<i32>} : memref<10080xi32, #tpu.memory_space<vmem>>, vector<16xi32>,
      %get3A_140 = vector.shape_cast %get3A_139 : vector<16xi32> to vector<16xi32>
      %add3A_141 = arith.addi %mul3A_137, %get3A_140 : vector<16xi32>
      %swap3A = arith.index_cast %mul3A_129 : i32 to index
      %swap3A_142 = tpu.vector_load %arg13[%swap3A] {strides = array<i32>} : memref<1440xi32, #tpu.memory_space<vmem>>, vector<16xi32>,
      %swap3A_143 = vector.shape_cast %swap3A_142 : vector<16xi32> to vector<16xi32>
      %swap3A_144 = vector.shape_cast %add3A_141 : vector<16xi32> to vector<16xi32>
      tpu.vector_store %arg13[%swap3A], %swap3A_144 {strides = array<i32>} : memref<1440xi32, #tpu.memory_space<vmem>>, vector<16xi32>,
      %add3A_145 = arith.addi %mul3A_2, %while3A_49 : i32
      %mul3A_146 = arith.constant 16 : i32
      %mul3A_147 = arith.muli %while3A_126, %mul3A_146 : i32
      %add3A_148 = arith.addi %add3A_145, %mul3A_147 : i32
      %add3A_149 = vector.broadcast %add3A_148 : i32 to vector<16xi32>
      %add3A_150 = arith.addi %add3A_149, %iota3A : vector<16xi32>
      %swap3A_151 = arith.index_cast %mul3A_129 : i32 to index
      %swap3A_152 = tpu.vector_load %arg14[%swap3A_151] {strides = array<i32>} : memref<1440xi32, #tpu.memory_space<vmem>>, vector<16xi32>,
      %swap3A_153 = vector.shape_cast %swap3A_152 : vector<16xi32> to vector<16xi32>
      %swap3A_154 = vector.shape_cast %add3A_150 : vector<16xi32> to vector<16xi32>
      tpu.vector_store %arg14[%swap3A_151], %swap3A_154 {strides = array<i32>} : memref<1440xi32, #tpu.memory_space<vmem>>, vector<16xi32>,
      %while3A_155 = arith.constant 0 : i32
      scf.yield %while3A_155 : i32
    }
    %while3A_61 = arith.constant 1 : i32
    %while3A_62 = scf.for %while3A_126 = %while3A_58 to %while3A_54 step %while3A_61 iter_args(%while3A_127 = %while3A_60) -> (i32)  : i32 {
      %mul3A_128 = arith.constant 16 : i32
      %mul3A_129 = arith.muli %while3A_126, %mul3A_128 : i32
      %mul3A_130 = arith.constant 16 : i32
      %mul3A_131 = arith.muli %while3A_126, %mul3A_130 : i32
      %add3A_132 = arith.addi %while3A_49, %mul3A_131 : i32
      %get3A = arith.index_cast %add3A_132 : i32 to index
      %get3A_133 = tpu.vector_load %arg5[%get3A] {strides = array<i32>} : memref<10080xi32, #tpu.memory_space<vmem>>, vector<16xi32>,
      %get3A_134 = vector.shape_cast %get3A_133 : vector<16xi32> to vector<16xi32>
      %mul3A_135 = arith.constant 10000 : i32
      %mul3A_136 = vector.broadcast %mul3A_135 : i32 to vector<16xi32>
      %mul3A_137 = arith.muli %get3A_134, %mul3A_136 : vector<16xi32>
      %get3A_138 = arith.index_cast %add3A_132 : i32 to index
      %get3A_139 = tpu.vector_load %arg6[%get3A_138] {strides = array<i32>} : memref<10080xi32, #tpu.memory_space<vmem>>, vector<16xi32>,
      %get3A_140 = vector.shape_cast %get3A_139 : vector<16xi32> to vector<16xi32>
      %add3A_141 = arith.addi %mul3A_137, %get3A_140 : vector<16xi32>
      %swap3A = arith.index_cast %mul3A_129 : i32 to index
      %swap3A_142 = tpu.vector_load %arg13[%swap3A] {strides = array<i32>} : memref<1440xi32, #tpu.memory_space<vmem>>, vector<16xi32>,
      %swap3A_143 = vector.shape_cast %swap3A_142 : vector<16xi32> to vector<16xi32>
      %swap3A_144 = vector.shape_cast %add3A_141 : vector<16xi32> to vector<16xi32>
      tpu.vector_store %arg13[%swap3A], %swap3A_144 {strides = array<i32>} : memref<1440xi32, #tpu.memory_space<vmem>>, vector<16xi32>,
      %add3A_145 = arith.addi %mul3A_2, %while3A_49 : i32
      %mul3A_146 = arith.constant 16 : i32
      %mul3A_147 = arith.muli %while3A_126, %mul3A_146 : i32
      %add3A_148 = arith.addi %add3A_145, %mul3A_147 : i32
      %add3A_149 = vector.broadcast %add3A_148 : i32 to vector<16xi32>
      %add3A_150 = arith.addi %add3A_149, %iota3A : vector<16xi32>
      %swap3A_151 = arith.index_cast %mul3A_129 : i32 to index
      %swap3A_152 = tpu.vector_load %arg14[%swap3A_151] {strides = array<i32>} : memref<1440xi32, #tpu.memory_space<vmem>>, vector<16xi32>,
      %swap3A_153 = vector.shape_cast %swap3A_152 : vector<16xi32> to vector<16xi32>
      %swap3A_154 = vector.shape_cast %add3A_150 : vector<16xi32> to vector<16xi32>
      tpu.vector_store %arg14[%swap3A_151], %swap3A_154 {strides = array<i32>} : memref<1440xi32, #tpu.memory_space<vmem>>, vector<16xi32>,
      %while3A_155 = arith.constant 0 : i32
      scf.yield %while3A_155 : i32
    }
    %dma_start3A_63 = arith.constant 0 : i32
    %dma_start3A_64 = tpu.memref_slice %arg4[%dma_start3A_63] : memref<100002560xi32, #tpu.memory_space<hbm>> -> memref<100002560xi32, #tpu.memory_space<hbm>>
    tpu.enqueue_indirect_dma source(%arg14 : memref<1440xi32, #tpu.memory_space<vmem>>) target(%dma_start3A_64 : memref<100002560xi32, #tpu.memory_space<hbm>>) offsets(%arg13 : memref<1440xi32, #tpu.memory_space<vmem>>) semaphore(%arg21 : memref<!tpu.dma_semaphore, #tpu.memory_space<semaphore_mem>>)
    %while3A_65 = arith.constant 5760 : i32
    %while3A_66 = arith.constant 0 : i32
    %while3A_67 = arith.constant 90 : i32
    %while3A_68 = arith.constant 0 : i32
    %while3A_69 = arith.subi %while3A_67, %while3A_66 : i32
    %while3A_70 = arith.addi %while3A_66, %while3A_69 : i32
    %while3A_71 = arith.constant 1 : i32
    %while3A_72 = arith.divsi %while3A_69, %while3A_71 : i32
    %while3A_73 = arith.muli %while3A_72, %while3A_71 : i32
    %while3A_74 = arith.addi %while3A_66, %while3A_73 : i32
    %while3A_75 = arith.constant 1 : i32
    %while3A_76 = scf.for %while3A_126 = %while3A_66 to %while3A_74 step %while3A_75 iter_args(%while3A_127 = %while3A_68) -> (i32)  : i32 {
      %mul3A_128 = arith.constant 16 : i32
      %mul3A_129 = arith.muli %while3A_126, %mul3A_128 : i32
      %mul3A_130 = arith.constant 16 : i32
      %mul3A_131 = arith.muli %while3A_126, %mul3A_130 : i32
      %add3A_132 = arith.addi %while3A_65, %mul3A_131 : i32
      %get3A = arith.index_cast %add3A_132 : i32 to index
      %get3A_133 = tpu.vector_load %arg5[%get3A] {strides = array<i32>} : memref<10080xi32, #tpu.memory_space<vmem>>, vector<16xi32>,
      %get3A_134 = vector.shape_cast %get3A_133 : vector<16xi32> to vector<16xi32>
      %mul3A_135 = arith.constant 10000 : i32
      %mul3A_136 = vector.broadcast %mul3A_135 : i32 to vector<16xi32>
      %mul3A_137 = arith.muli %get3A_134, %mul3A_136 : vector<16xi32>
      %get3A_138 = arith.index_cast %add3A_132 : i32 to index
      %get3A_139 = tpu.vector_load %arg6[%get3A_138] {strides = array<i32>} : memref<10080xi32, #tpu.memory_space<vmem>>, vector<16xi32>,
      %get3A_140 = vector.shape_cast %get3A_139 : vector<16xi32> to vector<16xi32>
      %add3A_141 = arith.addi %mul3A_137, %get3A_140 : vector<16xi32>
      %swap3A = arith.index_cast %mul3A_129 : i32 to index
      %swap3A_142 = tpu.vector_load %arg15[%swap3A] {strides = array<i32>} : memref<1440xi32, #tpu.memory_space<vmem>>, vector<16xi32>,
      %swap3A_143 = vector.shape_cast %swap3A_142 : vector<16xi32> to vector<16xi32>
      %swap3A_144 = vector.shape_cast %add3A_141 : vector<16xi32> to vector<16xi32>
      tpu.vector_store %arg15[%swap3A], %swap3A_144 {strides = array<i32>} : memref<1440xi32, #tpu.memory_space<vmem>>, vector<16xi32>,
      %add3A_145 = arith.addi %mul3A_2, %while3A_65 : i32
      %mul3A_146 = arith.constant 16 : i32
      %mul3A_147 = arith.muli %while3A_126, %mul3A_146 : i32
      %add3A_148 = arith.addi %add3A_145, %mul3A_147 : i32
      %add3A_149 = vector.broadcast %add3A_148 : i32 to vector<16xi32>
      %add3A_150 = arith.addi %add3A_149, %iota3A : vector<16xi32>
      %swap3A_151 = arith.index_cast %mul3A_129 : i32 to index
      %swap3A_152 = tpu.vector_load %arg16[%swap3A_151] {strides = array<i32>} : memref<1440xi32, #tpu.memory_space<vmem>>, vector<16xi32>,
      %swap3A_153 = vector.shape_cast %swap3A_152 : vector<16xi32> to vector<16xi32>
      %swap3A_154 = vector.shape_cast %add3A_150 : vector<16xi32> to vector<16xi32>
      tpu.vector_store %arg16[%swap3A_151], %swap3A_154 {strides = array<i32>} : memref<1440xi32, #tpu.memory_space<vmem>>, vector<16xi32>,
      %while3A_155 = arith.constant 0 : i32
      scf.yield %while3A_155 : i32
    }
    %while3A_77 = arith.constant 1 : i32
    %while3A_78 = scf.for %while3A_126 = %while3A_74 to %while3A_70 step %while3A_77 iter_args(%while3A_127 = %while3A_76) -> (i32)  : i32 {
      %mul3A_128 = arith.constant 16 : i32
      %mul3A_129 = arith.muli %while3A_126, %mul3A_128 : i32
      %mul3A_130 = arith.constant 16 : i32
      %mul3A_131 = arith.muli %while3A_126, %mul3A_130 : i32
      %add3A_132 = arith.addi %while3A_65, %mul3A_131 : i32
      %get3A = arith.index_cast %add3A_132 : i32 to index
      %get3A_133 = tpu.vector_load %arg5[%get3A] {strides = array<i32>} : memref<10080xi32, #tpu.memory_space<vmem>>, vector<16xi32>,
      %get3A_134 = vector.shape_cast %get3A_133 : vector<16xi32> to vector<16xi32>
      %mul3A_135 = arith.constant 10000 : i32
      %mul3A_136 = vector.broadcast %mul3A_135 : i32 to vector<16xi32>
      %mul3A_137 = arith.muli %get3A_134, %mul3A_136 : vector<16xi32>
      %get3A_138 = arith.index_cast %add3A_132 : i32 to index
      %get3A_139 = tpu.vector_load %arg6[%get3A_138] {strides = array<i32>} : memref<10080xi32, #tpu.memory_space<vmem>>, vector<16xi32>,
      %get3A_140 = vector.shape_cast %get3A_139 : vector<16xi32> to vector<16xi32>
      %add3A_141 = arith.addi %mul3A_137, %get3A_140 : vector<16xi32>
      %swap3A = arith.index_cast %mul3A_129 : i32 to index
      %swap3A_142 = tpu.vector_load %arg15[%swap3A] {strides = array<i32>} : memref<1440xi32, #tpu.memory_space<vmem>>, vector<16xi32>,
      %swap3A_143 = vector.shape_cast %swap3A_142 : vector<16xi32> to vector<16xi32>
      %swap3A_144 = vector.shape_cast %add3A_141 : vector<16xi32> to vector<16xi32>
      tpu.vector_store %arg15[%swap3A], %swap3A_144 {strides = array<i32>} : memref<1440xi32, #tpu.memory_space<vmem>>, vector<16xi32>,
      %add3A_145 = arith.addi %mul3A_2, %while3A_65 : i32
      %mul3A_146 = arith.constant 16 : i32
      %mul3A_147 = arith.muli %while3A_126, %mul3A_146 : i32
      %add3A_148 = arith.addi %add3A_145, %mul3A_147 : i32
      %add3A_149 = vector.broadcast %add3A_148 : i32 to vector<16xi32>
      %add3A_150 = arith.addi %add3A_149, %iota3A : vector<16xi32>
      %swap3A_151 = arith.index_cast %mul3A_129 : i32 to index
      %swap3A_152 = tpu.vector_load %arg16[%swap3A_151] {strides = array<i32>} : memref<1440xi32, #tpu.memory_space<vmem>>, vector<16xi32>,
      %swap3A_153 = vector.shape_cast %swap3A_152 : vector<16xi32> to vector<16xi32>
      %swap3A_154 = vector.shape_cast %add3A_150 : vector<16xi32> to vector<16xi32>
      tpu.vector_store %arg16[%swap3A_151], %swap3A_154 {strides = array<i32>} : memref<1440xi32, #tpu.memory_space<vmem>>, vector<16xi32>,
      %while3A_155 = arith.constant 0 : i32
      scf.yield %while3A_155 : i32
    }
    %dma_start3A_79 = arith.constant 0 : i32
    %dma_start3A_80 = tpu.memref_slice %arg4[%dma_start3A_79] : memref<100002560xi32, #tpu.memory_space<hbm>> -> memref<100002560xi32, #tpu.memory_space<hbm>>
    tpu.enqueue_indirect_dma source(%arg16 : memref<1440xi32, #tpu.memory_space<vmem>>) target(%dma_start3A_80 : memref<100002560xi32, #tpu.memory_space<hbm>>) offsets(%arg15 : memref<1440xi32, #tpu.memory_space<vmem>>) semaphore(%arg21 : memref<!tpu.dma_semaphore, #tpu.memory_space<semaphore_mem>>)
    %while3A_81 = arith.constant 7200 : i32
    %while3A_82 = arith.constant 0 : i32
    %while3A_83 = arith.constant 90 : i32
    %while3A_84 = arith.constant 0 : i32
    %while3A_85 = arith.subi %while3A_83, %while3A_82 : i32
    %while3A_86 = arith.addi %while3A_82, %while3A_85 : i32
    %while3A_87 = arith.constant 1 : i32
    %while3A_88 = arith.divsi %while3A_85, %while3A_87 : i32
    %while3A_89 = arith.muli %while3A_88, %while3A_87 : i32
    %while3A_90 = arith.addi %while3A_82, %while3A_89 : i32
    %while3A_91 = arith.constant 1 : i32
    %while3A_92 = scf.for %while3A_126 = %while3A_82 to %while3A_90 step %while3A_91 iter_args(%while3A_127 = %while3A_84) -> (i32)  : i32 {
      %mul3A_128 = arith.constant 16 : i32
      %mul3A_129 = arith.muli %while3A_126, %mul3A_128 : i32
      %mul3A_130 = arith.constant 16 : i32
      %mul3A_131 = arith.muli %while3A_126, %mul3A_130 : i32
      %add3A_132 = arith.addi %while3A_81, %mul3A_131 : i32
      %get3A = arith.index_cast %add3A_132 : i32 to index
      %get3A_133 = tpu.vector_load %arg5[%get3A] {strides = array<i32>} : memref<10080xi32, #tpu.memory_space<vmem>>, vector<16xi32>,
      %get3A_134 = vector.shape_cast %get3A_133 : vector<16xi32> to vector<16xi32>
      %mul3A_135 = arith.constant 10000 : i32
      %mul3A_136 = vector.broadcast %mul3A_135 : i32 to vector<16xi32>
      %mul3A_137 = arith.muli %get3A_134, %mul3A_136 : vector<16xi32>
      %get3A_138 = arith.index_cast %add3A_132 : i32 to index
      %get3A_139 = tpu.vector_load %arg6[%get3A_138] {strides = array<i32>} : memref<10080xi32, #tpu.memory_space<vmem>>, vector<16xi32>,
      %get3A_140 = vector.shape_cast %get3A_139 : vector<16xi32> to vector<16xi32>
      %add3A_141 = arith.addi %mul3A_137, %get3A_140 : vector<16xi32>
      %swap3A = arith.index_cast %mul3A_129 : i32 to index
      %swap3A_142 = tpu.vector_load %arg17[%swap3A] {strides = array<i32>} : memref<1440xi32, #tpu.memory_space<vmem>>, vector<16xi32>,
      %swap3A_143 = vector.shape_cast %swap3A_142 : vector<16xi32> to vector<16xi32>
      %swap3A_144 = vector.shape_cast %add3A_141 : vector<16xi32> to vector<16xi32>
      tpu.vector_store %arg17[%swap3A], %swap3A_144 {strides = array<i32>} : memref<1440xi32, #tpu.memory_space<vmem>>, vector<16xi32>,
      %add3A_145 = arith.addi %mul3A_2, %while3A_81 : i32
      %mul3A_146 = arith.constant 16 : i32
      %mul3A_147 = arith.muli %while3A_126, %mul3A_146 : i32
      %add3A_148 = arith.addi %add3A_145, %mul3A_147 : i32
      %add3A_149 = vector.broadcast %add3A_148 : i32 to vector<16xi32>
      %add3A_150 = arith.addi %add3A_149, %iota3A : vector<16xi32>
      %swap3A_151 = arith.index_cast %mul3A_129 : i32 to index
      %swap3A_152 = tpu.vector_load %arg18[%swap3A_151] {strides = array<i32>} : memref<1440xi32, #tpu.memory_space<vmem>>, vector<16xi32>,
      %swap3A_153 = vector.shape_cast %swap3A_152 : vector<16xi32> to vector<16xi32>
      %swap3A_154 = vector.shape_cast %add3A_150 : vector<16xi32> to vector<16xi32>
      tpu.vector_store %arg18[%swap3A_151], %swap3A_154 {strides = array<i32>} : memref<1440xi32, #tpu.memory_space<vmem>>, vector<16xi32>,
      %while3A_155 = arith.constant 0 : i32
      scf.yield %while3A_155 : i32
    }
    %while3A_93 = arith.constant 1 : i32
    %while3A_94 = scf.for %while3A_126 = %while3A_90 to %while3A_86 step %while3A_93 iter_args(%while3A_127 = %while3A_92) -> (i32)  : i32 {
      %mul3A_128 = arith.constant 16 : i32
      %mul3A_129 = arith.muli %while3A_126, %mul3A_128 : i32
      %mul3A_130 = arith.constant 16 : i32
      %mul3A_131 = arith.muli %while3A_126, %mul3A_130 : i32
      %add3A_132 = arith.addi %while3A_81, %mul3A_131 : i32
      %get3A = arith.index_cast %add3A_132 : i32 to index
      %get3A_133 = tpu.vector_load %arg5[%get3A] {strides = array<i32>} : memref<10080xi32, #tpu.memory_space<vmem>>, vector<16xi32>,
      %get3A_134 = vector.shape_cast %get3A_133 : vector<16xi32> to vector<16xi32>
      %mul3A_135 = arith.constant 10000 : i32
      %mul3A_136 = vector.broadcast %mul3A_135 : i32 to vector<16xi32>
      %mul3A_137 = arith.muli %get3A_134, %mul3A_136 : vector<16xi32>
      %get3A_138 = arith.index_cast %add3A_132 : i32 to index
      %get3A_139 = tpu.vector_load %arg6[%get3A_138] {strides = array<i32>} : memref<10080xi32, #tpu.memory_space<vmem>>, vector<16xi32>,
      %get3A_140 = vector.shape_cast %get3A_139 : vector<16xi32> to vector<16xi32>
      %add3A_141 = arith.addi %mul3A_137, %get3A_140 : vector<16xi32>
      %swap3A = arith.index_cast %mul3A_129 : i32 to index
      %swap3A_142 = tpu.vector_load %arg17[%swap3A] {strides = array<i32>} : memref<1440xi32, #tpu.memory_space<vmem>>, vector<16xi32>,
      %swap3A_143 = vector.shape_cast %swap3A_142 : vector<16xi32> to vector<16xi32>
      %swap3A_144 = vector.shape_cast %add3A_141 : vector<16xi32> to vector<16xi32>
      tpu.vector_store %arg17[%swap3A], %swap3A_144 {strides = array<i32>} : memref<1440xi32, #tpu.memory_space<vmem>>, vector<16xi32>,
      %add3A_145 = arith.addi %mul3A_2, %while3A_81 : i32
      %mul3A_146 = arith.constant 16 : i32
      %mul3A_147 = arith.muli %while3A_126, %mul3A_146 : i32
      %add3A_148 = arith.addi %add3A_145, %mul3A_147 : i32
      %add3A_149 = vector.broadcast %add3A_148 : i32 to vector<16xi32>
      %add3A_150 = arith.addi %add3A_149, %iota3A : vector<16xi32>
      %swap3A_151 = arith.index_cast %mul3A_129 : i32 to index
      %swap3A_152 = tpu.vector_load %arg18[%swap3A_151] {strides = array<i32>} : memref<1440xi32, #tpu.memory_space<vmem>>, vector<16xi32>,
      %swap3A_153 = vector.shape_cast %swap3A_152 : vector<16xi32> to vector<16xi32>
      %swap3A_154 = vector.shape_cast %add3A_150 : vector<16xi32> to vector<16xi32>
      tpu.vector_store %arg18[%swap3A_151], %swap3A_154 {strides = array<i32>} : memref<1440xi32, #tpu.memory_space<vmem>>, vector<16xi32>,
      %while3A_155 = arith.constant 0 : i32
      scf.yield %while3A_155 : i32
    }
    %dma_start3A_95 = arith.constant 0 : i32
    %dma_start3A_96 = tpu.memref_slice %arg4[%dma_start3A_95] : memref<100002560xi32, #tpu.memory_space<hbm>> -> memref<100002560xi32, #tpu.memory_space<hbm>>
    tpu.enqueue_indirect_dma source(%arg18 : memref<1440xi32, #tpu.memory_space<vmem>>) target(%dma_start3A_96 : memref<100002560xi32, #tpu.memory_space<hbm>>) offsets(%arg17 : memref<1440xi32, #tpu.memory_space<vmem>>) semaphore(%arg21 : memref<!tpu.dma_semaphore, #tpu.memory_space<semaphore_mem>>)
    %while3A_97 = arith.constant 8640 : i32
    %while3A_98 = arith.constant 0 : i32
    %while3A_99 = arith.constant 90 : i32
    %while3A_100 = arith.constant 0 : i32
    %while3A_101 = arith.subi %while3A_99, %while3A_98 : i32
    %while3A_102 = arith.addi %while3A_98, %while3A_101 : i32
    %while3A_103 = arith.constant 1 : i32
    %while3A_104 = arith.divsi %while3A_101, %while3A_103 : i32
    %while3A_105 = arith.muli %while3A_104, %while3A_103 : i32
    %while3A_106 = arith.addi %while3A_98, %while3A_105 : i32
    %while3A_107 = arith.constant 1 : i32
    %while3A_108 = scf.for %while3A_126 = %while3A_98 to %while3A_106 step %while3A_107 iter_args(%while3A_127 = %while3A_100) -> (i32)  : i32 {
      %mul3A_128 = arith.constant 16 : i32
      %mul3A_129 = arith.muli %while3A_126, %mul3A_128 : i32
      %mul3A_130 = arith.constant 16 : i32
      %mul3A_131 = arith.muli %while3A_126, %mul3A_130 : i32
      %add3A_132 = arith.addi %while3A_97, %mul3A_131 : i32
      %get3A = arith.index_cast %add3A_132 : i32 to index
      %get3A_133 = tpu.vector_load %arg5[%get3A] {strides = array<i32>} : memref<10080xi32, #tpu.memory_space<vmem>>, vector<16xi32>,
      %get3A_134 = vector.shape_cast %get3A_133 : vector<16xi32> to vector<16xi32>
      %mul3A_135 = arith.constant 10000 : i32
      %mul3A_136 = vector.broadcast %mul3A_135 : i32 to vector<16xi32>
      %mul3A_137 = arith.muli %get3A_134, %mul3A_136 : vector<16xi32>
      %get3A_138 = arith.index_cast %add3A_132 : i32 to index
      %get3A_139 = tpu.vector_load %arg6[%get3A_138] {strides = array<i32>} : memref<10080xi32, #tpu.memory_space<vmem>>, vector<16xi32>,
      %get3A_140 = vector.shape_cast %get3A_139 : vector<16xi32> to vector<16xi32>
      %add3A_141 = arith.addi %mul3A_137, %get3A_140 : vector<16xi32>
      %swap3A = arith.index_cast %mul3A_129 : i32 to index
      %swap3A_142 = tpu.vector_load %arg19[%swap3A] {strides = array<i32>} : memref<1440xi32, #tpu.memory_space<vmem>>, vector<16xi32>,
      %swap3A_143 = vector.shape_cast %swap3A_142 : vector<16xi32> to vector<16xi32>
      %swap3A_144 = vector.shape_cast %add3A_141 : vector<16xi32> to vector<16xi32>
      tpu.vector_store %arg19[%swap3A], %swap3A_144 {strides = array<i32>} : memref<1440xi32, #tpu.memory_space<vmem>>, vector<16xi32>,
      %add3A_145 = arith.addi %mul3A_2, %while3A_97 : i32
      %mul3A_146 = arith.constant 16 : i32
      %mul3A_147 = arith.muli %while3A_126, %mul3A_146 : i32
      %add3A_148 = arith.addi %add3A_145, %mul3A_147 : i32
      %add3A_149 = vector.broadcast %add3A_148 : i32 to vector<16xi32>
      %add3A_150 = arith.addi %add3A_149, %iota3A : vector<16xi32>
      %swap3A_151 = arith.index_cast %mul3A_129 : i32 to index
      %swap3A_152 = tpu.vector_load %arg20[%swap3A_151] {strides = array<i32>} : memref<1440xi32, #tpu.memory_space<vmem>>, vector<16xi32>,
      %swap3A_153 = vector.shape_cast %swap3A_152 : vector<16xi32> to vector<16xi32>
      %swap3A_154 = vector.shape_cast %add3A_150 : vector<16xi32> to vector<16xi32>
      tpu.vector_store %arg20[%swap3A_151], %swap3A_154 {strides = array<i32>} : memref<1440xi32, #tpu.memory_space<vmem>>, vector<16xi32>,
      %while3A_155 = arith.constant 0 : i32
      scf.yield %while3A_155 : i32
    }
    %while3A_109 = arith.constant 1 : i32
    %while3A_110 = scf.for %while3A_126 = %while3A_106 to %while3A_102 step %while3A_109 iter_args(%while3A_127 = %while3A_108) -> (i32)  : i32 {
      %mul3A_128 = arith.constant 16 : i32
      %mul3A_129 = arith.muli %while3A_126, %mul3A_128 : i32
      %mul3A_130 = arith.constant 16 : i32
      %mul3A_131 = arith.muli %while3A_126, %mul3A_130 : i32
      %add3A_132 = arith.addi %while3A_97, %mul3A_131 : i32
      %get3A = arith.index_cast %add3A_132 : i32 to index
      %get3A_133 = tpu.vector_load %arg5[%get3A] {strides = array<i32>} : memref<10080xi32, #tpu.memory_space<vmem>>, vector<16xi32>,
      %get3A_134 = vector.shape_cast %get3A_133 : vector<16xi32> to vector<16xi32>
      %mul3A_135 = arith.constant 10000 : i32
      %mul3A_136 = vector.broadcast %mul3A_135 : i32 to vector<16xi32>
      %mul3A_137 = arith.muli %get3A_134, %mul3A_136 : vector<16xi32>
      %get3A_138 = arith.index_cast %add3A_132 : i32 to index
      %get3A_139 = tpu.vector_load %arg6[%get3A_138] {strides = array<i32>} : memref<10080xi32, #tpu.memory_space<vmem>>, vector<16xi32>,
      %get3A_140 = vector.shape_cast %get3A_139 : vector<16xi32> to vector<16xi32>
      %add3A_141 = arith.addi %mul3A_137, %get3A_140 : vector<16xi32>
      %swap3A = arith.index_cast %mul3A_129 : i32 to index
      %swap3A_142 = tpu.vector_load %arg19[%swap3A] {strides = array<i32>} : memref<1440xi32, #tpu.memory_space<vmem>>, vector<16xi32>,
      %swap3A_143 = vector.shape_cast %swap3A_142 : vector<16xi32> to vector<16xi32>
      %swap3A_144 = vector.shape_cast %add3A_141 : vector<16xi32> to vector<16xi32>
      tpu.vector_store %arg19[%swap3A], %swap3A_144 {strides = array<i32>} : memref<1440xi32, #tpu.memory_space<vmem>>, vector<16xi32>,
      %add3A_145 = arith.addi %mul3A_2, %while3A_97 : i32
      %mul3A_146 = arith.constant 16 : i32
      %mul3A_147 = arith.muli %while3A_126, %mul3A_146 : i32
      %add3A_148 = arith.addi %add3A_145, %mul3A_147 : i32
      %add3A_149 = vector.broadcast %add3A_148 : i32 to vector<16xi32>
      %add3A_150 = arith.addi %add3A_149, %iota3A : vector<16xi32>
      %swap3A_151 = arith.index_cast %mul3A_129 : i32 to index
      %swap3A_152 = tpu.vector_load %arg20[%swap3A_151] {strides = array<i32>} : memref<1440xi32, #tpu.memory_space<vmem>>, vector<16xi32>,
      %swap3A_153 = vector.shape_cast %swap3A_152 : vector<16xi32> to vector<16xi32>
      %swap3A_154 = vector.shape_cast %add3A_150 : vector<16xi32> to vector<16xi32>
      tpu.vector_store %arg20[%swap3A_151], %swap3A_154 {strides = array<i32>} : memref<1440xi32, #tpu.memory_space<vmem>>, vector<16xi32>,
      %while3A_155 = arith.constant 0 : i32
      scf.yield %while3A_155 : i32
    }
    %dma_start3A_111 = arith.constant 0 : i32
    %dma_start3A_112 = tpu.memref_slice %arg4[%dma_start3A_111] : memref<100002560xi32, #tpu.memory_space<hbm>> -> memref<100002560xi32, #tpu.memory_space<hbm>>
    tpu.enqueue_indirect_dma source(%arg20 : memref<1440xi32, #tpu.memory_space<vmem>>) target(%dma_start3A_112 : memref<100002560xi32, #tpu.memory_space<hbm>>) offsets(%arg19 : memref<1440xi32, #tpu.memory_space<vmem>>) semaphore(%arg21 : memref<!tpu.dma_semaphore, #tpu.memory_space<semaphore_mem>>)
    %dma_wait3A = arith.constant 0 : i32
    %dma_wait3A_113 = tpu.memref_slice %arg4[%dma_wait3A] : memref<100002560xi32, #tpu.memory_space<hbm>> -> memref<100002560xi32, #tpu.memory_space<hbm>>
    tpu.wait_indirect_dma semaphore(%arg21 : memref<!tpu.dma_semaphore, #tpu.memory_space<semaphore_mem>>) src(%arg8 : memref<1440xi32, #tpu.memory_space<vmem>>) dst(%dma_wait3A_113 : memref<100002560xi32, #tpu.memory_space<hbm>>)
    %dma_wait3A_114 = arith.constant 0 : i32
    %dma_wait3A_115 = tpu.memref_slice %arg4[%dma_wait3A_114] : memref<100002560xi32, #tpu.memory_space<hbm>> -> memref<100002560xi32, #tpu.memory_space<hbm>>
    tpu.wait_indirect_dma semaphore(%arg21 : memref<!tpu.dma_semaphore, #tpu.memory_space<semaphore_mem>>) src(%arg10 : memref<1440xi32, #tpu.memory_space<vmem>>) dst(%dma_wait3A_115 : memref<100002560xi32, #tpu.memory_space<hbm>>)
    %dma_wait3A_116 = arith.constant 0 : i32
    %dma_wait3A_117 = tpu.memref_slice %arg4[%dma_wait3A_116] : memref<100002560xi32, #tpu.memory_space<hbm>> -> memref<100002560xi32, #tpu.memory_space<hbm>>
    tpu.wait_indirect_dma semaphore(%arg21 : memref<!tpu.dma_semaphore, #tpu.memory_space<semaphore_mem>>) src(%arg12 : memref<1440xi32, #tpu.memory_space<vmem>>) dst(%dma_wait3A_117 : memref<100002560xi32, #tpu.memory_space<hbm>>)
    %dma_wait3A_118 = arith.constant 0 : i32
    %dma_wait3A_119 = tpu.memref_slice %arg4[%dma_wait3A_118] : memref<100002560xi32, #tpu.memory_space<hbm>> -> memref<100002560xi32, #tpu.memory_space<hbm>>
    tpu.wait_indirect_dma semaphore(%arg21 : memref<!tpu.dma_semaphore, #tpu.memory_space<semaphore_mem>>) src(%arg14 : memref<1440xi32, #tpu.memory_space<vmem>>) dst(%dma_wait3A_119 : memref<100002560xi32, #tpu.memory_space<hbm>>)
    %dma_wait3A_120 = arith.constant 0 : i32
    %dma_wait3A_121 = tpu.memref_slice %arg4[%dma_wait3A_120] : memref<100002560xi32, #tpu.memory_space<hbm>> -> memref<100002560xi32, #tpu.memory_space<hbm>>
    tpu.wait_indirect_dma semaphore(%arg21 : memref<!tpu.dma_semaphore, #tpu.memory_space<semaphore_mem>>) src(%arg16 : memref<1440xi32, #tpu.memory_space<vmem>>) dst(%dma_wait3A_121 : memref<100002560xi32, #tpu.memory_space<hbm>>)
    %dma_wait3A_122 = arith.constant 0 : i32
    %dma_wait3A_123 = tpu.memref_slice %arg4[%dma_wait3A_122] : memref<100002560xi32, #tpu.memory_space<hbm>> -> memref<100002560xi32, #tpu.memory_space<hbm>>
    tpu.wait_indirect_dma semaphore(%arg21 : memref<!tpu.dma_semaphore, #tpu.memory_space<semaphore_mem>>) src(%arg18 : memref<1440xi32, #tpu.memory_space<vmem>>) dst(%dma_wait3A_123 : memref<100002560xi32, #tpu.memory_space<hbm>>)
    %dma_wait3A_124 = arith.constant 0 : i32
    %dma_wait3A_125 = tpu.memref_slice %arg4[%dma_wait3A_124] : memref<100002560xi32, #tpu.memory_space<hbm>> -> memref<100002560xi32, #tpu.memory_space<hbm>>
    tpu.wait_indirect_dma semaphore(%arg21 : memref<!tpu.dma_semaphore, #tpu.memory_space<semaphore_mem>>) src(%arg20 : memref<1440xi32, #tpu.memory_space<vmem>>) dst(%dma_wait3A_125 : memref<100002560xi32, #tpu.memory_space<hbm>>)
    return
  }
}

#map = affine_map<(d0, d1) -> (0, 0, 0)>
#map1 = affine_map<(d0, d1) -> (0, 0)>
module attributes {stable_mosaic.version = 14 : i64} {
  func.func @_k4_body(%arg0: i32, %arg1: i32, %arg2: memref<32x105x96xi32, #tpu.memory_space<hbm>>, %arg3: memref<32x105x96xi32, #tpu.memory_space<hbm>>, %arg4: memref<10000x128xf32, #tpu.memory_space<hbm>>, %arg5: memref<2x10112x128xf32, #tpu.memory_space<hbm>>, %arg6: memref<105x96xi32, #tpu.memory_space<vmem>>, %arg7: memref<2x96xi32, #tpu.memory_space<vmem>>, %arg8: memref<2x96x128xf32, #tpu.memory_space<vmem>>, %arg9: memref<10112x128xf32, #tpu.memory_space<vmem_shared>>, %arg10: memref<!tpu.dma_semaphore, #tpu.memory_space<semaphore_mem>>, %arg11: memref<!tpu.dma_semaphore, #tpu.memory_space<semaphore_mem>>) attributes {dimension_semantics = [#tpu.dimension_semantics<core_parallel>, #tpu.dimension_semantics<subcore_parallel>], iteration_bounds = array<i64: 2, 16>, scalar_prefetch = 0 : i64, scratch_operands = 6 : i64, tpu.core_type = #tpu.core_type<sc_vector_subcore>, window_params = [{transform_indices = #map}, {transform_indices = #map}, {transform_indices = #map1}, {transform_indices = #map}]} {
    %mul3A = arith.constant 2 : i32
    %mul3A_0 = arith.muli %arg1, %mul3A : i32
    %add3A = arith.addi %mul3A_0, %arg0 : i32
    "tpu.region"() ({
      %run_scoped3A_105 = tpu.sem_alloc : memref<!tpu.dma_semaphore, #tpu.memory_space<semaphore_mem>>
      %dma_start3A_106 = arith.constant 0 : i32
      %dma_start3A_107 = arith.constant 0 : i32
      %dma_start3A_108 = tpu.memref_slice %arg3[%add3A, %dma_start3A_106, %dma_start3A_107] : memref<32x105x96xi32, #tpu.memory_space<hbm>> -> memref<1x105x96xi32, #tpu.memory_space<hbm>>
      %dma_start3A_109 = tpu.memref_squeeze %dma_start3A_108 : memref<1x105x96xi32, #tpu.memory_space<hbm>> -> memref<105x96xi32, #tpu.memory_space<hbm>>
      %dma_start3A_110 = arith.constant 0 : i32
      %dma_start3A_111 = arith.constant 0 : i32
      %dma_start3A_112 = tpu.memref_slice %arg3[%add3A, %dma_start3A_110, %dma_start3A_111] : memref<32x105x96xi32, #tpu.memory_space<hbm>> -> memref<1x105x96xi32, #tpu.memory_space<hbm>>
      %dma_start3A_113 = tpu.memref_squeeze %dma_start3A_112 : memref<1x105x96xi32, #tpu.memory_space<hbm>> -> memref<105x96xi32, #tpu.memory_space<hbm>>
      tpu.enqueue_dma source(%dma_start3A_113 : memref<105x96xi32, #tpu.memory_space<hbm>>) target(%arg6 : memref<105x96xi32, #tpu.memory_space<vmem>>) target_semaphore(%run_scoped3A_105 : memref<!tpu.dma_semaphore, #tpu.memory_space<semaphore_mem>>)
      %dma_wait3A = arith.constant 0 : i32
      %dma_wait3A_114 = arith.constant 0 : i32
      %dma_wait3A_115 = tpu.memref_slice %arg3[%add3A, %dma_wait3A, %dma_wait3A_114] : memref<32x105x96xi32, #tpu.memory_space<hbm>> -> memref<1x105x96xi32, #tpu.memory_space<hbm>>
      %dma_wait3A_116 = tpu.memref_squeeze %dma_wait3A_115 : memref<1x105x96xi32, #tpu.memory_space<hbm>> -> memref<105x96xi32, #tpu.memory_space<hbm>>
      %dma_wait3A_117 = arith.constant 0 : i32
      %dma_wait3A_118 = arith.constant 0 : i32
      %dma_wait3A_119 = tpu.memref_slice %arg3[%add3A, %dma_wait3A_117, %dma_wait3A_118] : memref<32x105x96xi32, #tpu.memory_space<hbm>> -> memref<1x105x96xi32, #tpu.memory_space<hbm>>
      %dma_wait3A_120 = tpu.memref_squeeze %dma_wait3A_119 : memref<1x105x96xi32, #tpu.memory_space<hbm>> -> memref<105x96xi32, #tpu.memory_space<hbm>>
      tpu.wait_dma2 semaphore(%run_scoped3A_105 : memref<!tpu.dma_semaphore, #tpu.memory_space<semaphore_mem>>) src(%dma_wait3A_120 : memref<105x96xi32, #tpu.memory_space<hbm>>) dst(%arg6 : memref<105x96xi32, #tpu.memory_space<vmem>>)
      tpu.yield
    }) : () -> ()
    %iota3A = tpu.iota {dimensions = array<i32: 0>} : vector<16xi32>
    %broadcast_in_dim3A = arith.constant 0.000000e+00 : f32
    %broadcast_in_dim3A_1 = vector.broadcast %broadcast_in_dim3A : f32 to vector<16xf32>
    %while3A = arith.constant 0 : i32
    %while3A_2 = arith.constant 96 : i32
    %while3A_3 = arith.constant 0 : i32
    %while3A_4 = arith.subi %while3A_2, %while3A : i32
    %while3A_5 = arith.addi %while3A, %while3A_4 : i32
    %while3A_6 = arith.constant 1 : i32
    %while3A_7 = arith.divsi %while3A_4, %while3A_6 : i32
    %while3A_8 = arith.muli %while3A_7, %while3A_6 : i32
    %while3A_9 = arith.addi %while3A, %while3A_8 : i32
    %while3A_10 = arith.constant 1 : i32
    %while3A_11 = scf.for %while3A_105 = %while3A to %while3A_9 step %while3A_10 iter_args(%while3A_106 = %while3A_3) -> (i32)  : i32 {
      %while3A_107 = arith.constant 0 : i32
      %while3A_108 = arith.constant 8 : i32
      %while3A_109 = arith.constant 0 : i32
      %while3A_110 = arith.subi %while3A_108, %while3A_107 : i32
      %while3A_111 = arith.addi %while3A_107, %while3A_110 : i32
      %while3A_112 = arith.constant 1 : i32
      %while3A_113 = arith.divsi %while3A_110, %while3A_112 : i32
      %while3A_114 = arith.muli %while3A_113, %while3A_112 : i32
      %while3A_115 = arith.addi %while3A_107, %while3A_114 : i32
      %while3A_116 = arith.constant 1 : i32
      %while3A_117 = scf.for %while3A_120 = %while3A_107 to %while3A_115 step %while3A_116 iter_args(%while3A_121 = %while3A_109) -> (i32)  : i32 {
        %mul3A_122 = arith.constant 16 : i32
        %mul3A_123 = arith.muli %while3A_120, %mul3A_122 : i32
        %swap3A = arith.constant 0 : i32
        %swap3A_124 = arith.index_cast %swap3A : i32 to index
        %swap3A_125 = arith.index_cast %while3A_105 : i32 to index
        %swap3A_126 = arith.index_cast %mul3A_123 : i32 to index
        %swap3A_127 = tpu.vector_load %arg8[%swap3A_124, %swap3A_125, %swap3A_126] {strides = array<i32>} : memref<2x96x128xf32, #tpu.memory_space<vmem>>, vector<1x1x16xf32>,
        %swap3A_128 = vector.shape_cast %swap3A_127 : vector<1x1x16xf32> to vector<16xf32>
        %swap3A_129 = vector.shape_cast %broadcast_in_dim3A_1 : vector<16xf32> to vector<1x1x16xf32>
        tpu.vector_store %arg8[%swap3A_124, %swap3A_125, %swap3A_126], %swap3A_129 {strides = array<i32>} : memref<2x96x128xf32, #tpu.memory_space<vmem>>, vector<1x1x16xf32>,
        %while3A_130 = arith.constant 0 : i32
        scf.yield %while3A_130 : i32
      }
      %while3A_118 = arith.constant 1 : i32
      %while3A_119 = scf.for %while3A_120 = %while3A_115 to %while3A_111 step %while3A_118 iter_args(%while3A_121 = %while3A_117) -> (i32)  : i32 {
        %mul3A_122 = arith.constant 16 : i32
        %mul3A_123 = arith.muli %while3A_120, %mul3A_122 : i32
        %swap3A = arith.constant 0 : i32
        %swap3A_124 = arith.index_cast %swap3A : i32 to index
        %swap3A_125 = arith.index_cast %while3A_105 : i32 to index
        %swap3A_126 = arith.index_cast %mul3A_123 : i32 to index
        %swap3A_127 = tpu.vector_load %arg8[%swap3A_124, %swap3A_125, %swap3A_126] {strides = array<i32>} : memref<2x96x128xf32, #tpu.memory_space<vmem>>, vector<1x1x16xf32>,
        %swap3A_128 = vector.shape_cast %swap3A_127 : vector<1x1x16xf32> to vector<16xf32>
        %swap3A_129 = vector.shape_cast %broadcast_in_dim3A_1 : vector<16xf32> to vector<1x1x16xf32>
        tpu.vector_store %arg8[%swap3A_124, %swap3A_125, %swap3A_126], %swap3A_129 {strides = array<i32>} : memref<2x96x128xf32, #tpu.memory_space<vmem>>, vector<1x1x16xf32>,
        %while3A_130 = arith.constant 0 : i32
        scf.yield %while3A_130 : i32
      }
      scf.yield %while3A_119 : i32
    }
    %while3A_12 = arith.constant 1 : i32
    %while3A_13 = scf.for %while3A_105 = %while3A_9 to %while3A_5 step %while3A_12 iter_args(%while3A_106 = %while3A_11) -> (i32)  : i32 {
      %while3A_107 = arith.constant 0 : i32
      %while3A_108 = arith.constant 8 : i32
      %while3A_109 = arith.constant 0 : i32
      %while3A_110 = arith.subi %while3A_108, %while3A_107 : i32
      %while3A_111 = arith.addi %while3A_107, %while3A_110 : i32
      %while3A_112 = arith.constant 1 : i32
      %while3A_113 = arith.divsi %while3A_110, %while3A_112 : i32
      %while3A_114 = arith.muli %while3A_113, %while3A_112 : i32
      %while3A_115 = arith.addi %while3A_107, %while3A_114 : i32
      %while3A_116 = arith.constant 1 : i32
      %while3A_117 = scf.for %while3A_120 = %while3A_107 to %while3A_115 step %while3A_116 iter_args(%while3A_121 = %while3A_109) -> (i32)  : i32 {
        %mul3A_122 = arith.constant 16 : i32
        %mul3A_123 = arith.muli %while3A_120, %mul3A_122 : i32
        %swap3A = arith.constant 0 : i32
        %swap3A_124 = arith.index_cast %swap3A : i32 to index
        %swap3A_125 = arith.index_cast %while3A_105 : i32 to index
        %swap3A_126 = arith.index_cast %mul3A_123 : i32 to index
        %swap3A_127 = tpu.vector_load %arg8[%swap3A_124, %swap3A_125, %swap3A_126] {strides = array<i32>} : memref<2x96x128xf32, #tpu.memory_space<vmem>>, vector<1x1x16xf32>,
        %swap3A_128 = vector.shape_cast %swap3A_127 : vector<1x1x16xf32> to vector<16xf32>
        %swap3A_129 = vector.shape_cast %broadcast_in_dim3A_1 : vector<16xf32> to vector<1x1x16xf32>
        tpu.vector_store %arg8[%swap3A_124, %swap3A_125, %swap3A_126], %swap3A_129 {strides = array<i32>} : memref<2x96x128xf32, #tpu.memory_space<vmem>>, vector<1x1x16xf32>,
        %while3A_130 = arith.constant 0 : i32
        scf.yield %while3A_130 : i32
      }
      %while3A_118 = arith.constant 1 : i32
      %while3A_119 = scf.for %while3A_120 = %while3A_115 to %while3A_111 step %while3A_118 iter_args(%while3A_121 = %while3A_117) -> (i32)  : i32 {
        %mul3A_122 = arith.constant 16 : i32
        %mul3A_123 = arith.muli %while3A_120, %mul3A_122 : i32
        %swap3A = arith.constant 0 : i32
        %swap3A_124 = arith.index_cast %swap3A : i32 to index
        %swap3A_125 = arith.index_cast %while3A_105 : i32 to index
        %swap3A_126 = arith.index_cast %mul3A_123 : i32 to index
        %swap3A_127 = tpu.vector_load %arg8[%swap3A_124, %swap3A_125, %swap3A_126] {strides = array<i32>} : memref<2x96x128xf32, #tpu.memory_space<vmem>>, vector<1x1x16xf32>,
        %swap3A_128 = vector.shape_cast %swap3A_127 : vector<1x1x16xf32> to vector<16xf32>
        %swap3A_129 = vector.shape_cast %broadcast_in_dim3A_1 : vector<16xf32> to vector<1x1x16xf32>
        tpu.vector_store %arg8[%swap3A_124, %swap3A_125, %swap3A_126], %swap3A_129 {strides = array<i32>} : memref<2x96x128xf32, #tpu.memory_space<vmem>>, vector<1x1x16xf32>,
        %while3A_130 = arith.constant 0 : i32
        scf.yield %while3A_130 : i32
      }
      scf.yield %while3A_119 : i32
    }
    %mul3A_14 = arith.constant 632 : i32
    %mul3A_15 = arith.muli %arg1, %mul3A_14 : i32
    %add3A_16 = arith.constant 0 : i32
    %add3A_17 = arith.addi %mul3A_15, %add3A_16 : i32
    %run_scoped3A = arith.constant 0 : i32
    "tpu.region"() ({
      %run_scoped3A_105 = tpu.sem_alloc : memref<!tpu.dma_semaphore, #tpu.memory_space<semaphore_mem>>
      %dma_start3A_106 = arith.constant 0 : i32
      %dma_start3A_107 = arith.constant 0 : i32
      %dma_start3A_108 = tpu.memref_slice %arg8[%run_scoped3A, %dma_start3A_106, %dma_start3A_107] : memref<2x96x128xf32, #tpu.memory_space<vmem>> -> memref<1x96x128xf32, #tpu.memory_space<vmem>>
      %dma_start3A_109 = tpu.memref_squeeze %dma_start3A_108 : memref<1x96x128xf32, #tpu.memory_space<vmem>> -> memref<96x128xf32, #tpu.memory_space<vmem>>
      %dma_start3A_110 = arith.constant 0 : i32
      %dma_start3A_111 = tpu.memref_slice %arg9[%add3A_17, %dma_start3A_110] : memref<10112x128xf32, #tpu.memory_space<vmem_shared>> -> memref<96x128xf32, #tpu.memory_space<vmem_shared>>
      %dma_start3A_112 = arith.constant 0 : i32
      %dma_start3A_113 = tpu.memref_slice %arg9[%add3A_17, %dma_start3A_112] : memref<10112x128xf32, #tpu.memory_space<vmem_shared>> -> memref<96x128xf32, #tpu.memory_space<vmem_shared>>
      %dma_start3A_114 = arith.constant 0 : i32
      %dma_start3A_115 = arith.constant 0 : i32
      %dma_start3A_116 = tpu.memref_slice %arg8[%run_scoped3A, %dma_start3A_114, %dma_start3A_115] : memref<2x96x128xf32, #tpu.memory_space<vmem>> -> memref<1x96x128xf32, #tpu.memory_space<vmem>>
      %dma_start3A_117 = tpu.memref_squeeze %dma_start3A_116 : memref<1x96x128xf32, #tpu.memory_space<vmem>> -> memref<96x128xf32, #tpu.memory_space<vmem>>
      tpu.enqueue_dma source(%dma_start3A_117 : memref<96x128xf32, #tpu.memory_space<vmem>>) target(%dma_start3A_113 : memref<96x128xf32, #tpu.memory_space<vmem_shared>>) target_semaphore(%run_scoped3A_105 : memref<!tpu.dma_semaphore, #tpu.memory_space<semaphore_mem>>)
      %dma_wait3A = arith.constant 0 : i32
      %dma_wait3A_118 = arith.constant 0 : i32
      %dma_wait3A_119 = tpu.memref_slice %arg8[%run_scoped3A, %dma_wait3A, %dma_wait3A_118] : memref<2x96x128xf32, #tpu.memory_space<vmem>> -> memref<1x96x128xf32, #tpu.memory_space<vmem>>
      %dma_wait3A_120 = tpu.memref_squeeze %dma_wait3A_119 : memref<1x96x128xf32, #tpu.memory_space<vmem>> -> memref<96x128xf32, #tpu.memory_space<vmem>>
      %dma_wait3A_121 = arith.constant 0 : i32
      %dma_wait3A_122 = tpu.memref_slice %arg9[%add3A_17, %dma_wait3A_121] : memref<10112x128xf32, #tpu.memory_space<vmem_shared>> -> memref<96x128xf32, #tpu.memory_space<vmem_shared>>
      %dma_wait3A_123 = arith.constant 0 : i32
      %dma_wait3A_124 = tpu.memref_slice %arg9[%add3A_17, %dma_wait3A_123] : memref<10112x128xf32, #tpu.memory_space<vmem_shared>> -> memref<96x128xf32, #tpu.memory_space<vmem_shared>>
      %dma_wait3A_125 = arith.constant 0 : i32
      %dma_wait3A_126 = arith.constant 0 : i32
      %dma_wait3A_127 = tpu.memref_slice %arg8[%run_scoped3A, %dma_wait3A_125, %dma_wait3A_126] : memref<2x96x128xf32, #tpu.memory_space<vmem>> -> memref<1x96x128xf32, #tpu.memory_space<vmem>>
      %dma_wait3A_128 = tpu.memref_squeeze %dma_wait3A_127 : memref<1x96x128xf32, #tpu.memory_space<vmem>> -> memref<96x128xf32, #tpu.memory_space<vmem>>
      tpu.wait_dma2 semaphore(%run_scoped3A_105 : memref<!tpu.dma_semaphore, #tpu.memory_space<semaphore_mem>>) src(%dma_wait3A_128 : memref<96x128xf32, #tpu.memory_space<vmem>>) dst(%dma_wait3A_124 : memref<96x128xf32, #tpu.memory_space<vmem_shared>>)
      tpu.yield
    }) : () -> ()
    %add3A_18 = arith.constant 96 : i32
    %add3A_19 = arith.addi %mul3A_15, %add3A_18 : i32
    %run_scoped3A_20 = arith.constant 0 : i32
    "tpu.region"() ({
      %run_scoped3A_105 = tpu.sem_alloc : memref<!tpu.dma_semaphore, #tpu.memory_space<semaphore_mem>>
      %dma_start3A_106 = arith.constant 0 : i32
      %dma_start3A_107 = arith.constant 0 : i32
      %dma_start3A_108 = tpu.memref_slice %arg8[%run_scoped3A_20, %dma_start3A_106, %dma_start3A_107] : memref<2x96x128xf32, #tpu.memory_space<vmem>> -> memref<1x96x128xf32, #tpu.memory_space<vmem>>
      %dma_start3A_109 = tpu.memref_squeeze %dma_start3A_108 : memref<1x96x128xf32, #tpu.memory_space<vmem>> -> memref<96x128xf32, #tpu.memory_space<vmem>>
      %dma_start3A_110 = arith.constant 0 : i32
      %dma_start3A_111 = tpu.memref_slice %arg9[%add3A_19, %dma_start3A_110] : memref<10112x128xf32, #tpu.memory_space<vmem_shared>> -> memref<96x128xf32, #tpu.memory_space<vmem_shared>>
      %dma_start3A_112 = arith.constant 0 : i32
      %dma_start3A_113 = tpu.memref_slice %arg9[%add3A_19, %dma_start3A_112] : memref<10112x128xf32, #tpu.memory_space<vmem_shared>> -> memref<96x128xf32, #tpu.memory_space<vmem_shared>>
      %dma_start3A_114 = arith.constant 0 : i32
      %dma_start3A_115 = arith.constant 0 : i32
      %dma_start3A_116 = tpu.memref_slice %arg8[%run_scoped3A_20, %dma_start3A_114, %dma_start3A_115] : memref<2x96x128xf32, #tpu.memory_space<vmem>> -> memref<1x96x128xf32, #tpu.memory_space<vmem>>
      %dma_start3A_117 = tpu.memref_squeeze %dma_start3A_116 : memref<1x96x128xf32, #tpu.memory_space<vmem>> -> memref<96x128xf32, #tpu.memory_space<vmem>>
      tpu.enqueue_dma source(%dma_start3A_117 : memref<96x128xf32, #tpu.memory_space<vmem>>) target(%dma_start3A_113 : memref<96x128xf32, #tpu.memory_space<vmem_shared>>) target_semaphore(%run_scoped3A_105 : memref<!tpu.dma_semaphore, #tpu.memory_space<semaphore_mem>>)
      %dma_wait3A = arith.constant 0 : i32
      %dma_wait3A_118 = arith.constant 0 : i32
      %dma_wait3A_119 = tpu.memref_slice %arg8[%run_scoped3A_20, %dma_wait3A, %dma_wait3A_118] : memref<2x96x128xf32, #tpu.memory_space<vmem>> -> memref<1x96x128xf32, #tpu.memory_space<vmem>>
      %dma_wait3A_120 = tpu.memref_squeeze %dma_wait3A_119 : memref<1x96x128xf32, #tpu.memory_space<vmem>> -> memref<96x128xf32, #tpu.memory_space<vmem>>
      %dma_wait3A_121 = arith.constant 0 : i32
      %dma_wait3A_122 = tpu.memref_slice %arg9[%add3A_19, %dma_wait3A_121] : memref<10112x128xf32, #tpu.memory_space<vmem_shared>> -> memref<96x128xf32, #tpu.memory_space<vmem_shared>>
      %dma_wait3A_123 = arith.constant 0 : i32
      %dma_wait3A_124 = tpu.memref_slice %arg9[%add3A_19, %dma_wait3A_123] : memref<10112x128xf32, #tpu.memory_space<vmem_shared>> -> memref<96x128xf32, #tpu.memory_space<vmem_shared>>
      %dma_wait3A_125 = arith.constant 0 : i32
      %dma_wait3A_126 = arith.constant 0 : i32
      %dma_wait3A_127 = tpu.memref_slice %arg8[%run_scoped3A_20, %dma_wait3A_125, %dma_wait3A_126] : memref<2x96x128xf32, #tpu.memory_space<vmem>> -> memref<1x96x128xf32, #tpu.memory_space<vmem>>
      %dma_wait3A_128 = tpu.memref_squeeze %dma_wait3A_127 : memref<1x96x128xf32, #tpu.memory_space<vmem>> -> memref<96x128xf32, #tpu.memory_space<vmem>>
      tpu.wait_dma2 semaphore(%run_scoped3A_105 : memref<!tpu.dma_semaphore, #tpu.memory_space<semaphore_mem>>) src(%dma_wait3A_128 : memref<96x128xf32, #tpu.memory_space<vmem>>) dst(%dma_wait3A_124 : memref<96x128xf32, #tpu.memory_space<vmem_shared>>)
      tpu.yield
    }) : () -> ()
    %add3A_21 = arith.constant 192 : i32
    %add3A_22 = arith.addi %mul3A_15, %add3A_21 : i32
    %run_scoped3A_23 = arith.constant 0 : i32
    "tpu.region"() ({
      %run_scoped3A_105 = tpu.sem_alloc : memref<!tpu.dma_semaphore, #tpu.memory_space<semaphore_mem>>
      %dma_start3A_106 = arith.constant 0 : i32
      %dma_start3A_107 = arith.constant 0 : i32
      %dma_start3A_108 = tpu.memref_slice %arg8[%run_scoped3A_23, %dma_start3A_106, %dma_start3A_107] : memref<2x96x128xf32, #tpu.memory_space<vmem>> -> memref<1x96x128xf32, #tpu.memory_space<vmem>>
      %dma_start3A_109 = tpu.memref_squeeze %dma_start3A_108 : memref<1x96x128xf32, #tpu.memory_space<vmem>> -> memref<96x128xf32, #tpu.memory_space<vmem>>
      %dma_start3A_110 = arith.constant 0 : i32
      %dma_start3A_111 = tpu.memref_slice %arg9[%add3A_22, %dma_start3A_110] : memref<10112x128xf32, #tpu.memory_space<vmem_shared>> -> memref<96x128xf32, #tpu.memory_space<vmem_shared>>
      %dma_start3A_112 = arith.constant 0 : i32
      %dma_start3A_113 = tpu.memref_slice %arg9[%add3A_22, %dma_start3A_112] : memref<10112x128xf32, #tpu.memory_space<vmem_shared>> -> memref<96x128xf32, #tpu.memory_space<vmem_shared>>
      %dma_start3A_114 = arith.constant 0 : i32
      %dma_start3A_115 = arith.constant 0 : i32
      %dma_start3A_116 = tpu.memref_slice %arg8[%run_scoped3A_23, %dma_start3A_114, %dma_start3A_115] : memref<2x96x128xf32, #tpu.memory_space<vmem>> -> memref<1x96x128xf32, #tpu.memory_space<vmem>>
      %dma_start3A_117 = tpu.memref_squeeze %dma_start3A_116 : memref<1x96x128xf32, #tpu.memory_space<vmem>> -> memref<96x128xf32, #tpu.memory_space<vmem>>
      tpu.enqueue_dma source(%dma_start3A_117 : memref<96x128xf32, #tpu.memory_space<vmem>>) target(%dma_start3A_113 : memref<96x128xf32, #tpu.memory_space<vmem_shared>>) target_semaphore(%run_scoped3A_105 : memref<!tpu.dma_semaphore, #tpu.memory_space<semaphore_mem>>)
      %dma_wait3A = arith.constant 0 : i32
      %dma_wait3A_118 = arith.constant 0 : i32
      %dma_wait3A_119 = tpu.memref_slice %arg8[%run_scoped3A_23, %dma_wait3A, %dma_wait3A_118] : memref<2x96x128xf32, #tpu.memory_space<vmem>> -> memref<1x96x128xf32, #tpu.memory_space<vmem>>
      %dma_wait3A_120 = tpu.memref_squeeze %dma_wait3A_119 : memref<1x96x128xf32, #tpu.memory_space<vmem>> -> memref<96x128xf32, #tpu.memory_space<vmem>>
      %dma_wait3A_121 = arith.constant 0 : i32
      %dma_wait3A_122 = tpu.memref_slice %arg9[%add3A_22, %dma_wait3A_121] : memref<10112x128xf32, #tpu.memory_space<vmem_shared>> -> memref<96x128xf32, #tpu.memory_space<vmem_shared>>
      %dma_wait3A_123 = arith.constant 0 : i32
      %dma_wait3A_124 = tpu.memref_slice %arg9[%add3A_22, %dma_wait3A_123] : memref<10112x128xf32, #tpu.memory_space<vmem_shared>> -> memref<96x128xf32, #tpu.memory_space<vmem_shared>>
      %dma_wait3A_125 = arith.constant 0 : i32
      %dma_wait3A_126 = arith.constant 0 : i32
      %dma_wait3A_127 = tpu.memref_slice %arg8[%run_scoped3A_23, %dma_wait3A_125, %dma_wait3A_126] : memref<2x96x128xf32, #tpu.memory_space<vmem>> -> memref<1x96x128xf32, #tpu.memory_space<vmem>>
      %dma_wait3A_128 = tpu.memref_squeeze %dma_wait3A_127 : memref<1x96x128xf32, #tpu.memory_space<vmem>> -> memref<96x128xf32, #tpu.memory_space<vmem>>
      tpu.wait_dma2 semaphore(%run_scoped3A_105 : memref<!tpu.dma_semaphore, #tpu.memory_space<semaphore_mem>>) src(%dma_wait3A_128 : memref<96x128xf32, #tpu.memory_space<vmem>>) dst(%dma_wait3A_124 : memref<96x128xf32, #tpu.memory_space<vmem_shared>>)
      tpu.yield
    }) : () -> ()
    %add3A_24 = arith.constant 288 : i32
    %add3A_25 = arith.addi %mul3A_15, %add3A_24 : i32
    %run_scoped3A_26 = arith.constant 0 : i32
    "tpu.region"() ({
      %run_scoped3A_105 = tpu.sem_alloc : memref<!tpu.dma_semaphore, #tpu.memory_space<semaphore_mem>>
      %dma_start3A_106 = arith.constant 0 : i32
      %dma_start3A_107 = arith.constant 0 : i32
      %dma_start3A_108 = tpu.memref_slice %arg8[%run_scoped3A_26, %dma_start3A_106, %dma_start3A_107] : memref<2x96x128xf32, #tpu.memory_space<vmem>> -> memref<1x96x128xf32, #tpu.memory_space<vmem>>
      %dma_start3A_109 = tpu.memref_squeeze %dma_start3A_108 : memref<1x96x128xf32, #tpu.memory_space<vmem>> -> memref<96x128xf32, #tpu.memory_space<vmem>>
      %dma_start3A_110 = arith.constant 0 : i32
      %dma_start3A_111 = tpu.memref_slice %arg9[%add3A_25, %dma_start3A_110] : memref<10112x128xf32, #tpu.memory_space<vmem_shared>> -> memref<96x128xf32, #tpu.memory_space<vmem_shared>>
      %dma_start3A_112 = arith.constant 0 : i32
      %dma_start3A_113 = tpu.memref_slice %arg9[%add3A_25, %dma_start3A_112] : memref<10112x128xf32, #tpu.memory_space<vmem_shared>> -> memref<96x128xf32, #tpu.memory_space<vmem_shared>>
      %dma_start3A_114 = arith.constant 0 : i32
      %dma_start3A_115 = arith.constant 0 : i32
      %dma_start3A_116 = tpu.memref_slice %arg8[%run_scoped3A_26, %dma_start3A_114, %dma_start3A_115] : memref<2x96x128xf32, #tpu.memory_space<vmem>> -> memref<1x96x128xf32, #tpu.memory_space<vmem>>
      %dma_start3A_117 = tpu.memref_squeeze %dma_start3A_116 : memref<1x96x128xf32, #tpu.memory_space<vmem>> -> memref<96x128xf32, #tpu.memory_space<vmem>>
      tpu.enqueue_dma source(%dma_start3A_117 : memref<96x128xf32, #tpu.memory_space<vmem>>) target(%dma_start3A_113 : memref<96x128xf32, #tpu.memory_space<vmem_shared>>) target_semaphore(%run_scoped3A_105 : memref<!tpu.dma_semaphore, #tpu.memory_space<semaphore_mem>>)
      %dma_wait3A = arith.constant 0 : i32
      %dma_wait3A_118 = arith.constant 0 : i32
      %dma_wait3A_119 = tpu.memref_slice %arg8[%run_scoped3A_26, %dma_wait3A, %dma_wait3A_118] : memref<2x96x128xf32, #tpu.memory_space<vmem>> -> memref<1x96x128xf32, #tpu.memory_space<vmem>>
      %dma_wait3A_120 = tpu.memref_squeeze %dma_wait3A_119 : memref<1x96x128xf32, #tpu.memory_space<vmem>> -> memref<96x128xf32, #tpu.memory_space<vmem>>
      %dma_wait3A_121 = arith.constant 0 : i32
      %dma_wait3A_122 = tpu.memref_slice %arg9[%add3A_25, %dma_wait3A_121] : memref<10112x128xf32, #tpu.memory_space<vmem_shared>> -> memref<96x128xf32, #tpu.memory_space<vmem_shared>>
      %dma_wait3A_123 = arith.constant 0 : i32
      %dma_wait3A_124 = tpu.memref_slice %arg9[%add3A_25, %dma_wait3A_123] : memref<10112x128xf32, #tpu.memory_space<vmem_shared>> -> memref<96x128xf32, #tpu.memory_space<vmem_shared>>
      %dma_wait3A_125 = arith.constant 0 : i32
      %dma_wait3A_126 = arith.constant 0 : i32
      %dma_wait3A_127 = tpu.memref_slice %arg8[%run_scoped3A_26, %dma_wait3A_125, %dma_wait3A_126] : memref<2x96x128xf32, #tpu.memory_space<vmem>> -> memref<1x96x128xf32, #tpu.memory_space<vmem>>
      %dma_wait3A_128 = tpu.memref_squeeze %dma_wait3A_127 : memref<1x96x128xf32, #tpu.memory_space<vmem>> -> memref<96x128xf32, #tpu.memory_space<vmem>>
      tpu.wait_dma2 semaphore(%run_scoped3A_105 : memref<!tpu.dma_semaphore, #tpu.memory_space<semaphore_mem>>) src(%dma_wait3A_128 : memref<96x128xf32, #tpu.memory_space<vmem>>) dst(%dma_wait3A_124 : memref<96x128xf32, #tpu.memory_space<vmem_shared>>)
      tpu.yield
    }) : () -> ()
    %add3A_27 = arith.constant 384 : i32
    %add3A_28 = arith.addi %mul3A_15, %add3A_27 : i32
    %run_scoped3A_29 = arith.constant 0 : i32
    "tpu.region"() ({
      %run_scoped3A_105 = tpu.sem_alloc : memref<!tpu.dma_semaphore, #tpu.memory_space<semaphore_mem>>
      %dma_start3A_106 = arith.constant 0 : i32
      %dma_start3A_107 = arith.constant 0 : i32
      %dma_start3A_108 = tpu.memref_slice %arg8[%run_scoped3A_29, %dma_start3A_106, %dma_start3A_107] : memref<2x96x128xf32, #tpu.memory_space<vmem>> -> memref<1x96x128xf32, #tpu.memory_space<vmem>>
      %dma_start3A_109 = tpu.memref_squeeze %dma_start3A_108 : memref<1x96x128xf32, #tpu.memory_space<vmem>> -> memref<96x128xf32, #tpu.memory_space<vmem>>
      %dma_start3A_110 = arith.constant 0 : i32
      %dma_start3A_111 = tpu.memref_slice %arg9[%add3A_28, %dma_start3A_110] : memref<10112x128xf32, #tpu.memory_space<vmem_shared>> -> memref<96x128xf32, #tpu.memory_space<vmem_shared>>
      %dma_start3A_112 = arith.constant 0 : i32
      %dma_start3A_113 = tpu.memref_slice %arg9[%add3A_28, %dma_start3A_112] : memref<10112x128xf32, #tpu.memory_space<vmem_shared>> -> memref<96x128xf32, #tpu.memory_space<vmem_shared>>
      %dma_start3A_114 = arith.constant 0 : i32
      %dma_start3A_115 = arith.constant 0 : i32
      %dma_start3A_116 = tpu.memref_slice %arg8[%run_scoped3A_29, %dma_start3A_114, %dma_start3A_115] : memref<2x96x128xf32, #tpu.memory_space<vmem>> -> memref<1x96x128xf32, #tpu.memory_space<vmem>>
      %dma_start3A_117 = tpu.memref_squeeze %dma_start3A_116 : memref<1x96x128xf32, #tpu.memory_space<vmem>> -> memref<96x128xf32, #tpu.memory_space<vmem>>
      tpu.enqueue_dma source(%dma_start3A_117 : memref<96x128xf32, #tpu.memory_space<vmem>>) target(%dma_start3A_113 : memref<96x128xf32, #tpu.memory_space<vmem_shared>>) target_semaphore(%run_scoped3A_105 : memref<!tpu.dma_semaphore, #tpu.memory_space<semaphore_mem>>)
      %dma_wait3A = arith.constant 0 : i32
      %dma_wait3A_118 = arith.constant 0 : i32
      %dma_wait3A_119 = tpu.memref_slice %arg8[%run_scoped3A_29, %dma_wait3A, %dma_wait3A_118] : memref<2x96x128xf32, #tpu.memory_space<vmem>> -> memref<1x96x128xf32, #tpu.memory_space<vmem>>
      %dma_wait3A_120 = tpu.memref_squeeze %dma_wait3A_119 : memref<1x96x128xf32, #tpu.memory_space<vmem>> -> memref<96x128xf32, #tpu.memory_space<vmem>>
      %dma_wait3A_121 = arith.constant 0 : i32
      %dma_wait3A_122 = tpu.memref_slice %arg9[%add3A_28, %dma_wait3A_121] : memref<10112x128xf32, #tpu.memory_space<vmem_shared>> -> memref<96x128xf32, #tpu.memory_space<vmem_shared>>
      %dma_wait3A_123 = arith.constant 0 : i32
      %dma_wait3A_124 = tpu.memref_slice %arg9[%add3A_28, %dma_wait3A_123] : memref<10112x128xf32, #tpu.memory_space<vmem_shared>> -> memref<96x128xf32, #tpu.memory_space<vmem_shared>>
      %dma_wait3A_125 = arith.constant 0 : i32
      %dma_wait3A_126 = arith.constant 0 : i32
      %dma_wait3A_127 = tpu.memref_slice %arg8[%run_scoped3A_29, %dma_wait3A_125, %dma_wait3A_126] : memref<2x96x128xf32, #tpu.memory_space<vmem>> -> memref<1x96x128xf32, #tpu.memory_space<vmem>>
      %dma_wait3A_128 = tpu.memref_squeeze %dma_wait3A_127 : memref<1x96x128xf32, #tpu.memory_space<vmem>> -> memref<96x128xf32, #tpu.memory_space<vmem>>
      tpu.wait_dma2 semaphore(%run_scoped3A_105 : memref<!tpu.dma_semaphore, #tpu.memory_space<semaphore_mem>>) src(%dma_wait3A_128 : memref<96x128xf32, #tpu.memory_space<vmem>>) dst(%dma_wait3A_124 : memref<96x128xf32, #tpu.memory_space<vmem_shared>>)
      tpu.yield
    }) : () -> ()
    %add3A_30 = arith.constant 480 : i32
    %add3A_31 = arith.addi %mul3A_15, %add3A_30 : i32
    %run_scoped3A_32 = arith.constant 0 : i32
    "tpu.region"() ({
      %run_scoped3A_105 = tpu.sem_alloc : memref<!tpu.dma_semaphore, #tpu.memory_space<semaphore_mem>>
      %dma_start3A_106 = arith.constant 0 : i32
      %dma_start3A_107 = arith.constant 0 : i32
      %dma_start3A_108 = tpu.memref_slice %arg8[%run_scoped3A_32, %dma_start3A_106, %dma_start3A_107] : memref<2x96x128xf32, #tpu.memory_space<vmem>> -> memref<1x96x128xf32, #tpu.memory_space<vmem>>
      %dma_start3A_109 = tpu.memref_squeeze %dma_start3A_108 : memref<1x96x128xf32, #tpu.memory_space<vmem>> -> memref<96x128xf32, #tpu.memory_space<vmem>>
      %dma_start3A_110 = arith.constant 0 : i32
      %dma_start3A_111 = tpu.memref_slice %arg9[%add3A_31, %dma_start3A_110] : memref<10112x128xf32, #tpu.memory_space<vmem_shared>> -> memref<96x128xf32, #tpu.memory_space<vmem_shared>>
      %dma_start3A_112 = arith.constant 0 : i32
      %dma_start3A_113 = tpu.memref_slice %arg9[%add3A_31, %dma_start3A_112] : memref<10112x128xf32, #tpu.memory_space<vmem_shared>> -> memref<96x128xf32, #tpu.memory_space<vmem_shared>>
      %dma_start3A_114 = arith.constant 0 : i32
      %dma_start3A_115 = arith.constant 0 : i32
      %dma_start3A_116 = tpu.memref_slice %arg8[%run_scoped3A_32, %dma_start3A_114, %dma_start3A_115] : memref<2x96x128xf32, #tpu.memory_space<vmem>> -> memref<1x96x128xf32, #tpu.memory_space<vmem>>
      %dma_start3A_117 = tpu.memref_squeeze %dma_start3A_116 : memref<1x96x128xf32, #tpu.memory_space<vmem>> -> memref<96x128xf32, #tpu.memory_space<vmem>>
      tpu.enqueue_dma source(%dma_start3A_117 : memref<96x128xf32, #tpu.memory_space<vmem>>) target(%dma_start3A_113 : memref<96x128xf32, #tpu.memory_space<vmem_shared>>) target_semaphore(%run_scoped3A_105 : memref<!tpu.dma_semaphore, #tpu.memory_space<semaphore_mem>>)
      %dma_wait3A = arith.constant 0 : i32
      %dma_wait3A_118 = arith.constant 0 : i32
      %dma_wait3A_119 = tpu.memref_slice %arg8[%run_scoped3A_32, %dma_wait3A, %dma_wait3A_118] : memref<2x96x128xf32, #tpu.memory_space<vmem>> -> memref<1x96x128xf32, #tpu.memory_space<vmem>>
      %dma_wait3A_120 = tpu.memref_squeeze %dma_wait3A_119 : memref<1x96x128xf32, #tpu.memory_space<vmem>> -> memref<96x128xf32, #tpu.memory_space<vmem>>
      %dma_wait3A_121 = arith.constant 0 : i32
      %dma_wait3A_122 = tpu.memref_slice %arg9[%add3A_31, %dma_wait3A_121] : memref<10112x128xf32, #tpu.memory_space<vmem_shared>> -> memref<96x128xf32, #tpu.memory_space<vmem_shared>>
      %dma_wait3A_123 = arith.constant 0 : i32
      %dma_wait3A_124 = tpu.memref_slice %arg9[%add3A_31, %dma_wait3A_123] : memref<10112x128xf32, #tpu.memory_space<vmem_shared>> -> memref<96x128xf32, #tpu.memory_space<vmem_shared>>
      %dma_wait3A_125 = arith.constant 0 : i32
      %dma_wait3A_126 = arith.constant 0 : i32
      %dma_wait3A_127 = tpu.memref_slice %arg8[%run_scoped3A_32, %dma_wait3A_125, %dma_wait3A_126] : memref<2x96x128xf32, #tpu.memory_space<vmem>> -> memref<1x96x128xf32, #tpu.memory_space<vmem>>
      %dma_wait3A_128 = tpu.memref_squeeze %dma_wait3A_127 : memref<1x96x128xf32, #tpu.memory_space<vmem>> -> memref<96x128xf32, #tpu.memory_space<vmem>>
      tpu.wait_dma2 semaphore(%run_scoped3A_105 : memref<!tpu.dma_semaphore, #tpu.memory_space<semaphore_mem>>) src(%dma_wait3A_128 : memref<96x128xf32, #tpu.memory_space<vmem>>) dst(%dma_wait3A_124 : memref<96x128xf32, #tpu.memory_space<vmem_shared>>)
      tpu.yield
    }) : () -> ()
    %add3A_33 = arith.constant 576 : i32
    %add3A_34 = arith.addi %mul3A_15, %add3A_33 : i32
    %run_scoped3A_35 = arith.constant 0 : i32
    "tpu.region"() ({
      %run_scoped3A_105 = tpu.sem_alloc : memref<!tpu.dma_semaphore, #tpu.memory_space<semaphore_mem>>
      %dma_start3A_106 = arith.constant 0 : i32
      %dma_start3A_107 = arith.constant 0 : i32
      %dma_start3A_108 = tpu.memref_slice %arg8[%run_scoped3A_35, %dma_start3A_106, %dma_start3A_107] : memref<2x96x128xf32, #tpu.memory_space<vmem>> -> memref<1x56x128xf32, #tpu.memory_space<vmem>>
      %dma_start3A_109 = tpu.memref_squeeze %dma_start3A_108 : memref<1x56x128xf32, #tpu.memory_space<vmem>> -> memref<56x128xf32, #tpu.memory_space<vmem>>
      %dma_start3A_110 = arith.constant 0 : i32
      %dma_start3A_111 = tpu.memref_slice %arg9[%add3A_34, %dma_start3A_110] : memref<10112x128xf32, #tpu.memory_space<vmem_shared>> -> memref<56x128xf32, #tpu.memory_space<vmem_shared>>
      %dma_start3A_112 = arith.constant 0 : i32
      %dma_start3A_113 = tpu.memref_slice %arg9[%add3A_34, %dma_start3A_112] : memref<10112x128xf32, #tpu.memory_space<vmem_shared>> -> memref<56x128xf32, #tpu.memory_space<vmem_shared>>
      %dma_start3A_114 = arith.constant 0 : i32
      %dma_start3A_115 = arith.constant 0 : i32
      %dma_start3A_116 = tpu.memref_slice %arg8[%run_scoped3A_35, %dma_start3A_114, %dma_start3A_115] : memref<2x96x128xf32, #tpu.memory_space<vmem>> -> memref<1x56x128xf32, #tpu.memory_space<vmem>>
      %dma_start3A_117 = tpu.memref_squeeze %dma_start3A_116 : memref<1x56x128xf32, #tpu.memory_space<vmem>> -> memref<56x128xf32, #tpu.memory_space<vmem>>
      tpu.enqueue_dma source(%dma_start3A_117 : memref<56x128xf32, #tpu.memory_space<vmem>>) target(%dma_start3A_113 : memref<56x128xf32, #tpu.memory_space<vmem_shared>>) target_semaphore(%run_scoped3A_105 : memref<!tpu.dma_semaphore, #tpu.memory_space<semaphore_mem>>)
      %dma_wait3A = arith.constant 0 : i32
      %dma_wait3A_118 = arith.constant 0 : i32
      %dma_wait3A_119 = tpu.memref_slice %arg8[%run_scoped3A_35, %dma_wait3A, %dma_wait3A_118] : memref<2x96x128xf32, #tpu.memory_space<vmem>> -> memref<1x56x128xf32, #tpu.memory_space<vmem>>
      %dma_wait3A_120 = tpu.memref_squeeze %dma_wait3A_119 : memref<1x56x128xf32, #tpu.memory_space<vmem>> -> memref<56x128xf32, #tpu.memory_space<vmem>>
      %dma_wait3A_121 = arith.constant 0 : i32
      %dma_wait3A_122 = tpu.memref_slice %arg9[%add3A_34, %dma_wait3A_121] : memref<10112x128xf32, #tpu.memory_space<vmem_shared>> -> memref<56x128xf32, #tpu.memory_space<vmem_shared>>
      %dma_wait3A_123 = arith.constant 0 : i32
      %dma_wait3A_124 = tpu.memref_slice %arg9[%add3A_34, %dma_wait3A_123] : memref<10112x128xf32, #tpu.memory_space<vmem_shared>> -> memref<56x128xf32, #tpu.memory_space<vmem_shared>>
      %dma_wait3A_125 = arith.constant 0 : i32
      %dma_wait3A_126 = arith.constant 0 : i32
      %dma_wait3A_127 = tpu.memref_slice %arg8[%run_scoped3A_35, %dma_wait3A_125, %dma_wait3A_126] : memref<2x96x128xf32, #tpu.memory_space<vmem>> -> memref<1x56x128xf32, #tpu.memory_space<vmem>>
      %dma_wait3A_128 = tpu.memref_squeeze %dma_wait3A_127 : memref<1x56x128xf32, #tpu.memory_space<vmem>> -> memref<56x128xf32, #tpu.memory_space<vmem>>
      tpu.wait_dma2 semaphore(%run_scoped3A_105 : memref<!tpu.dma_semaphore, #tpu.memory_space<semaphore_mem>>) src(%dma_wait3A_128 : memref<56x128xf32, #tpu.memory_space<vmem>>) dst(%dma_wait3A_124 : memref<56x128xf32, #tpu.memory_space<vmem_shared>>)
      tpu.yield
    }) : () -> ()
    %barrier3A = arith.constant 0 : index
    tpu.barrier barrier_id(%barrier3A)
    %run_scoped3A_36 = arith.constant 0 : i32
    %run_scoped3A_37 = arith.constant 0 : i32
    "tpu.region"() ({
      %run_scoped3A_105 = tpu.sem_alloc : memref<!tpu.dma_semaphore, #tpu.memory_space<semaphore_mem>>
      %dma_start3A_106 = arith.constant 0 : i32
      %dma_start3A_107 = tpu.memref_slice %arg7[%run_scoped3A_37, %dma_start3A_106] : memref<2x96xi32, #tpu.memory_space<vmem>> -> memref<1x96xi32, #tpu.memory_space<vmem>>
      %dma_start3A_108 = tpu.memref_squeeze %dma_start3A_107 : memref<1x96xi32, #tpu.memory_space<vmem>> -> memref<96xi32, #tpu.memory_space<vmem>>
      %dma_start3A_109 = arith.constant 0 : i32
      %dma_start3A_110 = tpu.memref_slice %arg2[%add3A, %run_scoped3A_36, %dma_start3A_109] : memref<32x105x96xi32, #tpu.memory_space<hbm>> -> memref<1x1x96xi32, #tpu.memory_space<hbm>>
      %dma_start3A_111 = tpu.memref_squeeze %dma_start3A_110 : memref<1x1x96xi32, #tpu.memory_space<hbm>> -> memref<96xi32, #tpu.memory_space<hbm>>
      %dma_start3A_112 = arith.constant 0 : i32
      %dma_start3A_113 = tpu.memref_slice %arg7[%run_scoped3A_37, %dma_start3A_112] : memref<2x96xi32, #tpu.memory_space<vmem>> -> memref<1x96xi32, #tpu.memory_space<vmem>>
      %dma_start3A_114 = tpu.memref_squeeze %dma_start3A_113 : memref<1x96xi32, #tpu.memory_space<vmem>> -> memref<96xi32, #tpu.memory_space<vmem>>
      %dma_start3A_115 = arith.constant 0 : i32
      %dma_start3A_116 = tpu.memref_slice %arg2[%add3A, %run_scoped3A_36, %dma_start3A_115] : memref<32x105x96xi32, #tpu.memory_space<hbm>> -> memref<1x1x96xi32, #tpu.memory_space<hbm>>
      %dma_start3A_117 = tpu.memref_squeeze %dma_start3A_116 : memref<1x1x96xi32, #tpu.memory_space<hbm>> -> memref<96xi32, #tpu.memory_space<hbm>>
      tpu.enqueue_dma source(%dma_start3A_117 : memref<96xi32, #tpu.memory_space<hbm>>) target(%dma_start3A_114 : memref<96xi32, #tpu.memory_space<vmem>>) target_semaphore(%run_scoped3A_105 : memref<!tpu.dma_semaphore, #tpu.memory_space<semaphore_mem>>)
      %dma_wait3A = arith.constant 0 : i32
      %dma_wait3A_118 = tpu.memref_slice %arg7[%run_scoped3A_37, %dma_wait3A] : memref<2x96xi32, #tpu.memory_space<vmem>> -> memref<1x96xi32, #tpu.memory_space<vmem>>
      %dma_wait3A_119 = tpu.memref_squeeze %dma_wait3A_118 : memref<1x96xi32, #tpu.memory_space<vmem>> -> memref<96xi32, #tpu.memory_space<vmem>>
      %dma_wait3A_120 = arith.constant 0 : i32
      %dma_wait3A_121 = tpu.memref_slice %arg2[%add3A, %run_scoped3A_36, %dma_wait3A_120] : memref<32x105x96xi32, #tpu.memory_space<hbm>> -> memref<1x1x96xi32, #tpu.memory_space<hbm>>
      %dma_wait3A_122 = tpu.memref_squeeze %dma_wait3A_121 : memref<1x1x96xi32, #tpu.memory_space<hbm>> -> memref<96xi32, #tpu.memory_space<hbm>>
      %dma_wait3A_123 = arith.constant 0 : i32
      %dma_wait3A_124 = tpu.memref_slice %arg7[%run_scoped3A_37, %dma_wait3A_123] : memref<2x96xi32, #tpu.memory_space<vmem>> -> memref<1x96xi32, #tpu.memory_space<vmem>>
      %dma_wait3A_125 = tpu.memref_squeeze %dma_wait3A_124 : memref<1x96xi32, #tpu.memory_space<vmem>> -> memref<96xi32, #tpu.memory_space<vmem>>
      %dma_wait3A_126 = arith.constant 0 : i32
      %dma_wait3A_127 = tpu.memref_slice %arg2[%add3A, %run_scoped3A_36, %dma_wait3A_126] : memref<32x105x96xi32, #tpu.memory_space<hbm>> -> memref<1x1x96xi32, #tpu.memory_space<hbm>>
      %dma_wait3A_128 = tpu.memref_squeeze %dma_wait3A_127 : memref<1x1x96xi32, #tpu.memory_space<hbm>> -> memref<96xi32, #tpu.memory_space<hbm>>
      tpu.wait_dma2 semaphore(%run_scoped3A_105 : memref<!tpu.dma_semaphore, #tpu.memory_space<semaphore_mem>>) src(%dma_wait3A_128 : memref<96xi32, #tpu.memory_space<hbm>>) dst(%dma_wait3A_125 : memref<96xi32, #tpu.memory_space<vmem>>)
      tpu.yield
    }) : () -> ()
    %while3A_38 = arith.constant 0 : i32
    %while3A_39 = arith.constant 0 : i32
    %while3A_40 = arith.constant 6 : i32
    %while3A_41 = arith.constant 0 : i32
    %while3A_42 = arith.subi %while3A_40, %while3A_39 : i32
    %while3A_43 = arith.addi %while3A_39, %while3A_42 : i32
    %while3A_44 = arith.constant 1 : i32
    %while3A_45 = arith.divsi %while3A_42, %while3A_44 : i32
    %while3A_46 = arith.muli %while3A_45, %while3A_44 : i32
    %while3A_47 = arith.addi %while3A_39, %while3A_46 : i32
    %while3A_48 = arith.constant 1 : i32
    %while3A_49 = scf.for %while3A_105 = %while3A_39 to %while3A_47 step %while3A_48 iter_args(%while3A_106 = %while3A_41) -> (i32)  : i32 {
      %mul3A_107 = arith.constant 16 : i32
      %mul3A_108 = arith.muli %while3A_105, %mul3A_107 : i32
      %get3A = arith.index_cast %while3A_38 : i32 to index
      %get3A_109 = arith.index_cast %mul3A_108 : i32 to index
      %get3A_110 = tpu.vector_load %arg7[%get3A, %get3A_109] {strides = array<i32>} : memref<2x96xi32, #tpu.memory_space<vmem>>, vector<1x16xi32>,
      %get3A_111 = vector.shape_cast %get3A_110 : vector<1x16xi32> to vector<16xi32>
      %lt3A = arith.constant 10000 : i32
      %lt3A_112 = vector.broadcast %lt3A : i32 to vector<16xi32>
      %lt3A_113 = arith.cmpi slt, %get3A_111, %lt3A_112 : vector<16xi32>
      %add3A_114 = arith.constant 10000 : i32
      %add3A_115 = vector.broadcast %add3A_114 : i32 to vector<16xi32>
      %add3A_116 = arith.addi %add3A_115, %iota3A : vector<16xi32>
      %select_n3A = arith.select %lt3A_113, %get3A_111, %add3A_116 : vector<16xi1>, vector<16xi32>
      %swap3A = arith.index_cast %while3A_38 : i32 to index
      %swap3A_117 = arith.index_cast %mul3A_108 : i32 to index
      %swap3A_118 = tpu.vector_load %arg7[%swap3A, %swap3A_117] {strides = array<i32>} : memref<2x96xi32, #tpu.memory_space<vmem>>, vector<1x16xi32>,
      %swap3A_119 = vector.shape_cast %swap3A_118 : vector<1x16xi32> to vector<16xi32>
      %swap3A_120 = vector.shape_cast %select_n3A : vector<16xi32> to vector<1x16xi32>
      tpu.vector_store %arg7[%swap3A, %swap3A_117], %swap3A_120 {strides = array<i32>} : memref<2x96xi32, #tpu.memory_space<vmem>>, vector<1x16xi32>,
      %while3A_121 = arith.constant 0 : i32
      scf.yield %while3A_121 : i32
    }
    %while3A_50 = arith.constant 1 : i32
    %while3A_51 = scf.for %while3A_105 = %while3A_47 to %while3A_43 step %while3A_50 iter_args(%while3A_106 = %while3A_49) -> (i32)  : i32 {
      %mul3A_107 = arith.constant 16 : i32
      %mul3A_108 = arith.muli %while3A_105, %mul3A_107 : i32
      %get3A = arith.index_cast %while3A_38 : i32 to index
      %get3A_109 = arith.index_cast %mul3A_108 : i32 to index
      %get3A_110 = tpu.vector_load %arg7[%get3A, %get3A_109] {strides = array<i32>} : memref<2x96xi32, #tpu.memory_space<vmem>>, vector<1x16xi32>,
      %get3A_111 = vector.shape_cast %get3A_110 : vector<1x16xi32> to vector<16xi32>
      %lt3A = arith.constant 10000 : i32
      %lt3A_112 = vector.broadcast %lt3A : i32 to vector<16xi32>
      %lt3A_113 = arith.cmpi slt, %get3A_111, %lt3A_112 : vector<16xi32>
      %add3A_114 = arith.constant 10000 : i32
      %add3A_115 = vector.broadcast %add3A_114 : i32 to vector<16xi32>
      %add3A_116 = arith.addi %add3A_115, %iota3A : vector<16xi32>
      %select_n3A = arith.select %lt3A_113, %get3A_111, %add3A_116 : vector<16xi1>, vector<16xi32>
      %swap3A = arith.index_cast %while3A_38 : i32 to index
      %swap3A_117 = arith.index_cast %mul3A_108 : i32 to index
      %swap3A_118 = tpu.vector_load %arg7[%swap3A, %swap3A_117] {strides = array<i32>} : memref<2x96xi32, #tpu.memory_space<vmem>>, vector<1x16xi32>,
      %swap3A_119 = vector.shape_cast %swap3A_118 : vector<1x16xi32> to vector<16xi32>
      %swap3A_120 = vector.shape_cast %select_n3A : vector<16xi32> to vector<1x16xi32>
      tpu.vector_store %arg7[%swap3A, %swap3A_117], %swap3A_120 {strides = array<i32>} : memref<2x96xi32, #tpu.memory_space<vmem>>, vector<1x16xi32>,
      %while3A_121 = arith.constant 0 : i32
      scf.yield %while3A_121 : i32
    }
    %dma_start3A = arith.constant 0 : i32
    %dma_start3A_52 = arith.constant 0 : i32
    %dma_start3A_53 = arith.constant 0 : i32
    %dma_start3A_54 = arith.constant 0 : i32
    %dma_start3A_55 = tpu.memref_slice %arg8[%dma_start3A_52, %dma_start3A_53, %dma_start3A_54] : memref<2x96x128xf32, #tpu.memory_space<vmem>> -> memref<1x96x128xf32, #tpu.memory_space<vmem>>
    %dma_start3A_56 = tpu.memref_squeeze %dma_start3A_55 : memref<1x96x128xf32, #tpu.memory_space<vmem>> -> memref<96x128xf32, #tpu.memory_space<vmem>>
    %dma_start3A_57 = arith.constant 0 : i32
    %dma_start3A_58 = tpu.memref_slice %arg6[%dma_start3A, %dma_start3A_57] : memref<105x96xi32, #tpu.memory_space<vmem>> -> memref<1x96xi32, #tpu.memory_space<vmem>>
    %dma_start3A_59 = tpu.memref_squeeze %dma_start3A_58 : memref<1x96xi32, #tpu.memory_space<vmem>> -> memref<96xi32, #tpu.memory_space<vmem>>
    %dma_start3A_60 = arith.constant 0 : i32
    %dma_start3A_61 = arith.constant 0 : i32
    %dma_start3A_62 = tpu.memref_slice %arg4[%dma_start3A_60, %dma_start3A_61] : memref<10000x128xf32, #tpu.memory_space<hbm>> -> memref<10000x128xf32, #tpu.memory_space<hbm>>
    tpu.enqueue_indirect_dma source(%dma_start3A_62 : memref<10000x128xf32, #tpu.memory_space<hbm>>) target(%dma_start3A_56 : memref<96x128xf32, #tpu.memory_space<vmem>>) offsets(%dma_start3A_59 : memref<96xi32, #tpu.memory_space<vmem>>) semaphore(%arg10 : memref<!tpu.dma_semaphore, #tpu.memory_space<semaphore_mem>>)
    %while3A_63 = arith.constant 0 : i32
    %while3A_64 = arith.constant 105 : i32
    %while3A_65 = arith.constant 0 : i32
    %while3A_66 = arith.subi %while3A_64, %while3A_63 : i32
    %while3A_67 = arith.addi %while3A_63, %while3A_66 : i32
    %while3A_68 = arith.constant 1 : i32
    %while3A_69 = arith.divsi %while3A_66, %while3A_68 : i32
    %while3A_70 = arith.muli %while3A_69, %while3A_68 : i32
    %while3A_71 = arith.addi %while3A_63, %while3A_70 : i32
    %while3A_72 = arith.constant 1 : i32
    %while3A_73 = scf.for %while3A_105 = %while3A_63 to %while3A_71 step %while3A_72 iter_args(%while3A_106 = %while3A_65) -> (i32)  : i32 {
      %and3A = arith.constant 1 : i32
      %and3A_107 = arith.andi %while3A_105, %and3A : i32
      %add3A_108 = arith.constant 1 : i32
      %add3A_109 = arith.addi %while3A_105, %add3A_108 : i32
      %and3A_110 = arith.constant 1 : i32
      %and3A_111 = arith.andi %add3A_109, %and3A_110 : i32
      %lt3A = arith.constant 105 : i32
      %lt3A_112 = arith.cmpi slt, %add3A_109, %lt3A : i32
      %convert_element_type3A = arith.extui %lt3A_112 : i1 to i32
      %cond3A = arith.constant 0 : i32
      %cond3A_113 = arith.cmpi ne, %convert_element_type3A, %cond3A : i32
      scf.if %cond3A_113 {
        %dma_start3A_129 = arith.constant 0 : i32
        %dma_start3A_130 = arith.constant 0 : i32
        %dma_start3A_131 = tpu.memref_slice %arg8[%and3A_111, %dma_start3A_129, %dma_start3A_130] : memref<2x96x128xf32, #tpu.memory_space<vmem>> -> memref<1x96x128xf32, #tpu.memory_space<vmem>>
        %dma_start3A_132 = tpu.memref_squeeze %dma_start3A_131 : memref<1x96x128xf32, #tpu.memory_space<vmem>> -> memref<96x128xf32, #tpu.memory_space<vmem>>
        %dma_start3A_133 = arith.constant 0 : i32
        %dma_start3A_134 = tpu.memref_slice %arg6[%add3A_109, %dma_start3A_133] : memref<105x96xi32, #tpu.memory_space<vmem>> -> memref<1x96xi32, #tpu.memory_space<vmem>>
        %dma_start3A_135 = tpu.memref_squeeze %dma_start3A_134 : memref<1x96xi32, #tpu.memory_space<vmem>> -> memref<96xi32, #tpu.memory_space<vmem>>
        %dma_start3A_136 = arith.constant 0 : i32
        %dma_start3A_137 = arith.constant 0 : i32
        %dma_start3A_138 = tpu.memref_slice %arg4[%dma_start3A_136, %dma_start3A_137] : memref<10000x128xf32, #tpu.memory_space<hbm>> -> memref<10000x128xf32, #tpu.memory_space<hbm>>
        tpu.enqueue_indirect_dma source(%dma_start3A_138 : memref<10000x128xf32, #tpu.memory_space<hbm>>) target(%dma_start3A_132 : memref<96x128xf32, #tpu.memory_space<vmem>>) offsets(%dma_start3A_135 : memref<96xi32, #tpu.memory_space<vmem>>) semaphore(%arg10 : memref<!tpu.dma_semaphore, #tpu.memory_space<semaphore_mem>>)
        %dma_start3A_139 = arith.constant 0 : i32
        %dma_start3A_140 = tpu.memref_slice %arg7[%and3A_111, %dma_start3A_139] : memref<2x96xi32, #tpu.memory_space<vmem>> -> memref<1x96xi32, #tpu.memory_space<vmem>>
        %dma_start3A_141 = tpu.memref_squeeze %dma_start3A_140 : memref<1x96xi32, #tpu.memory_space<vmem>> -> memref<96xi32, #tpu.memory_space<vmem>>
        %dma_start3A_142 = arith.constant 0 : i32
        %dma_start3A_143 = tpu.memref_slice %arg2[%add3A, %add3A_109, %dma_start3A_142] : memref<32x105x96xi32, #tpu.memory_space<hbm>> -> memref<1x1x96xi32, #tpu.memory_space<hbm>>
        %dma_start3A_144 = tpu.memref_squeeze %dma_start3A_143 : memref<1x1x96xi32, #tpu.memory_space<hbm>> -> memref<96xi32, #tpu.memory_space<hbm>>
        %dma_start3A_145 = arith.constant 0 : i32
        %dma_start3A_146 = tpu.memref_slice %arg7[%and3A_111, %dma_start3A_145] : memref<2x96xi32, #tpu.memory_space<vmem>> -> memref<1x96xi32, #tpu.memory_space<vmem>>
        %dma_start3A_147 = tpu.memref_squeeze %dma_start3A_146 : memref<1x96xi32, #tpu.memory_space<vmem>> -> memref<96xi32, #tpu.memory_space<vmem>>
        %dma_start3A_148 = arith.constant 0 : i32
        %dma_start3A_149 = tpu.memref_slice %arg2[%add3A, %add3A_109, %dma_start3A_148] : memref<32x105x96xi32, #tpu.memory_space<hbm>> -> memref<1x1x96xi32, #tpu.memory_space<hbm>>
        %dma_start3A_150 = tpu.memref_squeeze %dma_start3A_149 : memref<1x1x96xi32, #tpu.memory_space<hbm>> -> memref<96xi32, #tpu.memory_space<hbm>>
        tpu.enqueue_dma source(%dma_start3A_150 : memref<96xi32, #tpu.memory_space<hbm>>) target(%dma_start3A_147 : memref<96xi32, #tpu.memory_space<vmem>>) target_semaphore(%arg11 : memref<!tpu.dma_semaphore, #tpu.memory_space<semaphore_mem>>)
      } else {
      }
      %dma_wait3A = arith.constant 0 : i32
      %dma_wait3A_114 = arith.constant 0 : i32
      %dma_wait3A_115 = tpu.memref_slice %arg8[%and3A_107, %dma_wait3A, %dma_wait3A_114] : memref<2x96x128xf32, #tpu.memory_space<vmem>> -> memref<1x96x128xf32, #tpu.memory_space<vmem>>
      %dma_wait3A_116 = tpu.memref_squeeze %dma_wait3A_115 : memref<1x96x128xf32, #tpu.memory_space<vmem>> -> memref<96x128xf32, #tpu.memory_space<vmem>>
      %dma_wait3A_117 = arith.constant 0 : i32
      %dma_wait3A_118 = tpu.memref_slice %arg6[%while3A_105, %dma_wait3A_117] : memref<105x96xi32, #tpu.memory_space<vmem>> -> memref<1x96xi32, #tpu.memory_space<vmem>>
      %dma_wait3A_119 = tpu.memref_squeeze %dma_wait3A_118 : memref<1x96xi32, #tpu.memory_space<vmem>> -> memref<96xi32, #tpu.memory_space<vmem>>
      %dma_wait3A_120 = arith.constant 0 : i32
      %dma_wait3A_121 = arith.constant 0 : i32
      %dma_wait3A_122 = tpu.memref_slice %arg4[%dma_wait3A_120, %dma_wait3A_121] : memref<10000x128xf32, #tpu.memory_space<hbm>> -> memref<10000x128xf32, #tpu.memory_space<hbm>>
      tpu.wait_indirect_dma semaphore(%arg10 : memref<!tpu.dma_semaphore, #tpu.memory_space<semaphore_mem>>) src(%dma_wait3A_122 : memref<10000x128xf32, #tpu.memory_space<hbm>>) dst(%dma_wait3A_116 : memref<96x128xf32, #tpu.memory_space<vmem>>)
      "tpu.region"() ({
        %run_scoped3A_129 = tpu.sem_alloc : memref<!tpu.dma_semaphore, #tpu.memory_space<semaphore_mem>>
        %dma_start3A_130 = arith.constant 0 : i32
        %dma_start3A_131 = arith.constant 0 : i32
        %dma_start3A_132 = tpu.memref_slice %arg8[%and3A_107, %dma_start3A_130, %dma_start3A_131] : memref<2x96x128xf32, #tpu.memory_space<vmem>> -> memref<1x96x128xf32, #tpu.memory_space<vmem>>
        %dma_start3A_133 = tpu.memref_squeeze %dma_start3A_132 : memref<1x96x128xf32, #tpu.memory_space<vmem>> -> memref<96x128xf32, #tpu.memory_space<vmem>>
        %dma_start3A_134 = arith.constant 0 : i32
        %dma_start3A_135 = tpu.memref_slice %arg7[%and3A_107, %dma_start3A_134] : memref<2x96xi32, #tpu.memory_space<vmem>> -> memref<1x96xi32, #tpu.memory_space<vmem>>
        %dma_start3A_136 = tpu.memref_squeeze %dma_start3A_135 : memref<1x96xi32, #tpu.memory_space<vmem>> -> memref<96xi32, #tpu.memory_space<vmem>>
        %dma_start3A_137 = arith.constant 0 : i32
        %dma_start3A_138 = arith.constant 0 : i32
        %dma_start3A_139 = tpu.memref_slice %arg9[%dma_start3A_137, %dma_start3A_138] : memref<10112x128xf32, #tpu.memory_space<vmem_shared>> -> memref<10112x128xf32, #tpu.memory_space<vmem_shared>>
        tpu.enqueue_indirect_dma source(%dma_start3A_133 : memref<96x128xf32, #tpu.memory_space<vmem>>) target(%dma_start3A_139 : memref<10112x128xf32, #tpu.memory_space<vmem_shared>>) offsets(%dma_start3A_136 : memref<96xi32, #tpu.memory_space<vmem>>) semaphore(%run_scoped3A_129 : memref<!tpu.dma_semaphore, #tpu.memory_space<semaphore_mem>>) {add = true}
        %dma_wait3A_140 = arith.constant 0 : i32
        %dma_wait3A_141 = arith.constant 0 : i32
        %dma_wait3A_142 = tpu.memref_slice %arg8[%and3A_107, %dma_wait3A_140, %dma_wait3A_141] : memref<2x96x128xf32, #tpu.memory_space<vmem>> -> memref<1x96x128xf32, #tpu.memory_space<vmem>>
        %dma_wait3A_143 = tpu.memref_squeeze %dma_wait3A_142 : memref<1x96x128xf32, #tpu.memory_space<vmem>> -> memref<96x128xf32, #tpu.memory_space<vmem>>
        %dma_wait3A_144 = arith.constant 0 : i32
        %dma_wait3A_145 = tpu.memref_slice %arg7[%and3A_107, %dma_wait3A_144] : memref<2x96xi32, #tpu.memory_space<vmem>> -> memref<1x96xi32, #tpu.memory_space<vmem>>
        %dma_wait3A_146 = tpu.memref_squeeze %dma_wait3A_145 : memref<1x96xi32, #tpu.memory_space<vmem>> -> memref<96xi32, #tpu.memory_space<vmem>>
        %dma_wait3A_147 = arith.constant 0 : i32
        %dma_wait3A_148 = arith.constant 0 : i32
        %dma_wait3A_149 = tpu.memref_slice %arg9[%dma_wait3A_147, %dma_wait3A_148] : memref<10112x128xf32, #tpu.memory_space<vmem_shared>> -> memref<10112x128xf32, #tpu.memory_space<vmem_shared>>
        tpu.wait_indirect_dma semaphore(%run_scoped3A_129 : memref<!tpu.dma_semaphore, #tpu.memory_space<semaphore_mem>>) src(%dma_wait3A_143 : memref<96x128xf32, #tpu.memory_space<vmem>>) dst(%dma_wait3A_149 : memref<10112x128xf32, #tpu.memory_space<vmem_shared>>)
        tpu.yield
      }) : () -> ()
      %lt3A_123 = arith.constant 105 : i32
      %lt3A_124 = arith.cmpi slt, %add3A_109, %lt3A_123 : i32
      %convert_element_type3A_125 = arith.extui %lt3A_124 : i1 to i32
      %cond3A_126 = arith.constant 0 : i32
      %cond3A_127 = arith.cmpi ne, %convert_element_type3A_125, %cond3A_126 : i32
      scf.if %cond3A_127 {
        %dma_wait3A_129 = arith.constant 0 : i32
        %dma_wait3A_130 = tpu.memref_slice %arg7[%and3A_111, %dma_wait3A_129] : memref<2x96xi32, #tpu.memory_space<vmem>> -> memref<1x96xi32, #tpu.memory_space<vmem>>
        %dma_wait3A_131 = tpu.memref_squeeze %dma_wait3A_130 : memref<1x96xi32, #tpu.memory_space<vmem>> -> memref<96xi32, #tpu.memory_space<vmem>>
        %dma_wait3A_132 = arith.constant 0 : i32
        %dma_wait3A_133 = tpu.memref_slice %arg2[%add3A, %add3A_109, %dma_wait3A_132] : memref<32x105x96xi32, #tpu.memory_space<hbm>> -> memref<1x1x96xi32, #tpu.memory_space<hbm>>
        %dma_wait3A_134 = tpu.memref_squeeze %dma_wait3A_133 : memref<1x1x96xi32, #tpu.memory_space<hbm>> -> memref<96xi32, #tpu.memory_space<hbm>>
        %dma_wait3A_135 = arith.constant 0 : i32
        %dma_wait3A_136 = tpu.memref_slice %arg7[%and3A_111, %dma_wait3A_135] : memref<2x96xi32, #tpu.memory_space<vmem>> -> memref<1x96xi32, #tpu.memory_space<vmem>>
        %dma_wait3A_137 = tpu.memref_squeeze %dma_wait3A_136 : memref<1x96xi32, #tpu.memory_space<vmem>> -> memref<96xi32, #tpu.memory_space<vmem>>
        %dma_wait3A_138 = arith.constant 0 : i32
        %dma_wait3A_139 = tpu.memref_slice %arg2[%add3A, %add3A_109, %dma_wait3A_138] : memref<32x105x96xi32, #tpu.memory_space<hbm>> -> memref<1x1x96xi32, #tpu.memory_space<hbm>>
        %dma_wait3A_140 = tpu.memref_squeeze %dma_wait3A_139 : memref<1x1x96xi32, #tpu.memory_space<hbm>> -> memref<96xi32, #tpu.memory_space<hbm>>
        tpu.wait_dma2 semaphore(%arg11 : memref<!tpu.dma_semaphore, #tpu.memory_space<semaphore_mem>>) src(%dma_wait3A_140 : memref<96xi32, #tpu.memory_space<hbm>>) dst(%dma_wait3A_137 : memref<96xi32, #tpu.memory_space<vmem>>)
        %while3A_141 = arith.constant 0 : i32
        %while3A_142 = arith.constant 6 : i32
        %while3A_143 = arith.constant 0 : i32
        %while3A_144 = arith.subi %while3A_142, %while3A_141 : i32
        %while3A_145 = arith.addi %while3A_141, %while3A_144 : i32
        %while3A_146 = arith.constant 1 : i32
        %while3A_147 = arith.divsi %while3A_144, %while3A_146 : i32
        %while3A_148 = arith.muli %while3A_147, %while3A_146 : i32
        %while3A_149 = arith.addi %while3A_141, %while3A_148 : i32
        %while3A_150 = arith.constant 1 : i32
        %while3A_151 = scf.for %while3A_154 = %while3A_141 to %while3A_149 step %while3A_150 iter_args(%while3A_155 = %while3A_143) -> (i32)  : i32 {
          %mul3A_156 = arith.constant 16 : i32
          %mul3A_157 = arith.muli %while3A_154, %mul3A_156 : i32
          %get3A = arith.index_cast %and3A_111 : i32 to index
          %get3A_158 = arith.index_cast %mul3A_157 : i32 to index
          %get3A_159 = tpu.vector_load %arg7[%get3A, %get3A_158] {strides = array<i32>} : memref<2x96xi32, #tpu.memory_space<vmem>>, vector<1x16xi32>,
          %get3A_160 = vector.shape_cast %get3A_159 : vector<1x16xi32> to vector<16xi32>
          %lt3A_161 = arith.constant 10000 : i32
          %lt3A_162 = vector.broadcast %lt3A_161 : i32 to vector<16xi32>
          %lt3A_163 = arith.cmpi slt, %get3A_160, %lt3A_162 : vector<16xi32>
          %add3A_164 = arith.constant 10000 : i32
          %add3A_165 = vector.broadcast %add3A_164 : i32 to vector<16xi32>
          %add3A_166 = arith.addi %add3A_165, %iota3A : vector<16xi32>
          %select_n3A = arith.select %lt3A_163, %get3A_160, %add3A_166 : vector<16xi1>, vector<16xi32>
          %swap3A = arith.index_cast %and3A_111 : i32 to index
          %swap3A_167 = arith.index_cast %mul3A_157 : i32 to index
          %swap3A_168 = tpu.vector_load %arg7[%swap3A, %swap3A_167] {strides = array<i32>} : memref<2x96xi32, #tpu.memory_space<vmem>>, vector<1x16xi32>,
          %swap3A_169 = vector.shape_cast %swap3A_168 : vector<1x16xi32> to vector<16xi32>
          %swap3A_170 = vector.shape_cast %select_n3A : vector<16xi32> to vector<1x16xi32>
          tpu.vector_store %arg7[%swap3A, %swap3A_167], %swap3A_170 {strides = array<i32>} : memref<2x96xi32, #tpu.memory_space<vmem>>, vector<1x16xi32>,
          %while3A_171 = arith.constant 0 : i32
          scf.yield %while3A_171 : i32
        }
        %while3A_152 = arith.constant 1 : i32
        %while3A_153 = scf.for %while3A_154 = %while3A_149 to %while3A_145 step %while3A_152 iter_args(%while3A_155 = %while3A_151) -> (i32)  : i32 {
          %mul3A_156 = arith.constant 16 : i32
          %mul3A_157 = arith.muli %while3A_154, %mul3A_156 : i32
          %get3A = arith.index_cast %and3A_111 : i32 to index
          %get3A_158 = arith.index_cast %mul3A_157 : i32 to index
          %get3A_159 = tpu.vector_load %arg7[%get3A, %get3A_158] {strides = array<i32>} : memref<2x96xi32, #tpu.memory_space<vmem>>, vector<1x16xi32>,
          %get3A_160 = vector.shape_cast %get3A_159 : vector<1x16xi32> to vector<16xi32>
          %lt3A_161 = arith.constant 10000 : i32
          %lt3A_162 = vector.broadcast %lt3A_161 : i32 to vector<16xi32>
          %lt3A_163 = arith.cmpi slt, %get3A_160, %lt3A_162 : vector<16xi32>
          %add3A_164 = arith.constant 10000 : i32
          %add3A_165 = vector.broadcast %add3A_164 : i32 to vector<16xi32>
          %add3A_166 = arith.addi %add3A_165, %iota3A : vector<16xi32>
          %select_n3A = arith.select %lt3A_163, %get3A_160, %add3A_166 : vector<16xi1>, vector<16xi32>
          %swap3A = arith.index_cast %and3A_111 : i32 to index
          %swap3A_167 = arith.index_cast %mul3A_157 : i32 to index
          %swap3A_168 = tpu.vector_load %arg7[%swap3A, %swap3A_167] {strides = array<i32>} : memref<2x96xi32, #tpu.memory_space<vmem>>, vector<1x16xi32>,
          %swap3A_169 = vector.shape_cast %swap3A_168 : vector<1x16xi32> to vector<16xi32>
          %swap3A_170 = vector.shape_cast %select_n3A : vector<16xi32> to vector<1x16xi32>
          tpu.vector_store %arg7[%swap3A, %swap3A_167], %swap3A_170 {strides = array<i32>} : memref<2x96xi32, #tpu.memory_space<vmem>>, vector<1x16xi32>,
          %while3A_171 = arith.constant 0 : i32
          scf.yield %while3A_171 : i32
        }
      } else {
      }
      %while3A_128 = arith.constant 0 : i32
      scf.yield %while3A_128 : i32
    }
    %while3A_74 = arith.constant 1 : i32
    %while3A_75 = scf.for %while3A_105 = %while3A_71 to %while3A_67 step %while3A_74 iter_args(%while3A_106 = %while3A_73) -> (i32)  : i32 {
      %and3A = arith.constant 1 : i32
      %and3A_107 = arith.andi %while3A_105, %and3A : i32
      %add3A_108 = arith.constant 1 : i32
      %add3A_109 = arith.addi %while3A_105, %add3A_108 : i32
      %and3A_110 = arith.constant 1 : i32
      %and3A_111 = arith.andi %add3A_109, %and3A_110 : i32
      %lt3A = arith.constant 105 : i32
      %lt3A_112 = arith.cmpi slt, %add3A_109, %lt3A : i32
      %convert_element_type3A = arith.extui %lt3A_112 : i1 to i32
      %cond3A = arith.constant 0 : i32
      %cond3A_113 = arith.cmpi ne, %convert_element_type3A, %cond3A : i32
      scf.if %cond3A_113 {
        %dma_start3A_129 = arith.constant 0 : i32
        %dma_start3A_130 = arith.constant 0 : i32
        %dma_start3A_131 = tpu.memref_slice %arg8[%and3A_111, %dma_start3A_129, %dma_start3A_130] : memref<2x96x128xf32, #tpu.memory_space<vmem>> -> memref<1x96x128xf32, #tpu.memory_space<vmem>>
        %dma_start3A_132 = tpu.memref_squeeze %dma_start3A_131 : memref<1x96x128xf32, #tpu.memory_space<vmem>> -> memref<96x128xf32, #tpu.memory_space<vmem>>
        %dma_start3A_133 = arith.constant 0 : i32
        %dma_start3A_134 = tpu.memref_slice %arg6[%add3A_109, %dma_start3A_133] : memref<105x96xi32, #tpu.memory_space<vmem>> -> memref<1x96xi32, #tpu.memory_space<vmem>>
        %dma_start3A_135 = tpu.memref_squeeze %dma_start3A_134 : memref<1x96xi32, #tpu.memory_space<vmem>> -> memref<96xi32, #tpu.memory_space<vmem>>
        %dma_start3A_136 = arith.constant 0 : i32
        %dma_start3A_137 = arith.constant 0 : i32
        %dma_start3A_138 = tpu.memref_slice %arg4[%dma_start3A_136, %dma_start3A_137] : memref<10000x128xf32, #tpu.memory_space<hbm>> -> memref<10000x128xf32, #tpu.memory_space<hbm>>
        tpu.enqueue_indirect_dma source(%dma_start3A_138 : memref<10000x128xf32, #tpu.memory_space<hbm>>) target(%dma_start3A_132 : memref<96x128xf32, #tpu.memory_space<vmem>>) offsets(%dma_start3A_135 : memref<96xi32, #tpu.memory_space<vmem>>) semaphore(%arg10 : memref<!tpu.dma_semaphore, #tpu.memory_space<semaphore_mem>>)
        %dma_start3A_139 = arith.constant 0 : i32
        %dma_start3A_140 = tpu.memref_slice %arg7[%and3A_111, %dma_start3A_139] : memref<2x96xi32, #tpu.memory_space<vmem>> -> memref<1x96xi32, #tpu.memory_space<vmem>>
        %dma_start3A_141 = tpu.memref_squeeze %dma_start3A_140 : memref<1x96xi32, #tpu.memory_space<vmem>> -> memref<96xi32, #tpu.memory_space<vmem>>
        %dma_start3A_142 = arith.constant 0 : i32
        %dma_start3A_143 = tpu.memref_slice %arg2[%add3A, %add3A_109, %dma_start3A_142] : memref<32x105x96xi32, #tpu.memory_space<hbm>> -> memref<1x1x96xi32, #tpu.memory_space<hbm>>
        %dma_start3A_144 = tpu.memref_squeeze %dma_start3A_143 : memref<1x1x96xi32, #tpu.memory_space<hbm>> -> memref<96xi32, #tpu.memory_space<hbm>>
        %dma_start3A_145 = arith.constant 0 : i32
        %dma_start3A_146 = tpu.memref_slice %arg7[%and3A_111, %dma_start3A_145] : memref<2x96xi32, #tpu.memory_space<vmem>> -> memref<1x96xi32, #tpu.memory_space<vmem>>
        %dma_start3A_147 = tpu.memref_squeeze %dma_start3A_146 : memref<1x96xi32, #tpu.memory_space<vmem>> -> memref<96xi32, #tpu.memory_space<vmem>>
        %dma_start3A_148 = arith.constant 0 : i32
        %dma_start3A_149 = tpu.memref_slice %arg2[%add3A, %add3A_109, %dma_start3A_148] : memref<32x105x96xi32, #tpu.memory_space<hbm>> -> memref<1x1x96xi32, #tpu.memory_space<hbm>>
        %dma_start3A_150 = tpu.memref_squeeze %dma_start3A_149 : memref<1x1x96xi32, #tpu.memory_space<hbm>> -> memref<96xi32, #tpu.memory_space<hbm>>
        tpu.enqueue_dma source(%dma_start3A_150 : memref<96xi32, #tpu.memory_space<hbm>>) target(%dma_start3A_147 : memref<96xi32, #tpu.memory_space<vmem>>) target_semaphore(%arg11 : memref<!tpu.dma_semaphore, #tpu.memory_space<semaphore_mem>>)
      } else {
      }
      %dma_wait3A = arith.constant 0 : i32
      %dma_wait3A_114 = arith.constant 0 : i32
      %dma_wait3A_115 = tpu.memref_slice %arg8[%and3A_107, %dma_wait3A, %dma_wait3A_114] : memref<2x96x128xf32, #tpu.memory_space<vmem>> -> memref<1x96x128xf32, #tpu.memory_space<vmem>>
      %dma_wait3A_116 = tpu.memref_squeeze %dma_wait3A_115 : memref<1x96x128xf32, #tpu.memory_space<vmem>> -> memref<96x128xf32, #tpu.memory_space<vmem>>
      %dma_wait3A_117 = arith.constant 0 : i32
      %dma_wait3A_118 = tpu.memref_slice %arg6[%while3A_105, %dma_wait3A_117] : memref<105x96xi32, #tpu.memory_space<vmem>> -> memref<1x96xi32, #tpu.memory_space<vmem>>
      %dma_wait3A_119 = tpu.memref_squeeze %dma_wait3A_118 : memref<1x96xi32, #tpu.memory_space<vmem>> -> memref<96xi32, #tpu.memory_space<vmem>>
      %dma_wait3A_120 = arith.constant 0 : i32
      %dma_wait3A_121 = arith.constant 0 : i32
      %dma_wait3A_122 = tpu.memref_slice %arg4[%dma_wait3A_120, %dma_wait3A_121] : memref<10000x128xf32, #tpu.memory_space<hbm>> -> memref<10000x128xf32, #tpu.memory_space<hbm>>
      tpu.wait_indirect_dma semaphore(%arg10 : memref<!tpu.dma_semaphore, #tpu.memory_space<semaphore_mem>>) src(%dma_wait3A_122 : memref<10000x128xf32, #tpu.memory_space<hbm>>) dst(%dma_wait3A_116 : memref<96x128xf32, #tpu.memory_space<vmem>>)
      "tpu.region"() ({
        %run_scoped3A_129 = tpu.sem_alloc : memref<!tpu.dma_semaphore, #tpu.memory_space<semaphore_mem>>
        %dma_start3A_130 = arith.constant 0 : i32
        %dma_start3A_131 = arith.constant 0 : i32
        %dma_start3A_132 = tpu.memref_slice %arg8[%and3A_107, %dma_start3A_130, %dma_start3A_131] : memref<2x96x128xf32, #tpu.memory_space<vmem>> -> memref<1x96x128xf32, #tpu.memory_space<vmem>>
        %dma_start3A_133 = tpu.memref_squeeze %dma_start3A_132 : memref<1x96x128xf32, #tpu.memory_space<vmem>> -> memref<96x128xf32, #tpu.memory_space<vmem>>
        %dma_start3A_134 = arith.constant 0 : i32
        %dma_start3A_135 = tpu.memref_slice %arg7[%and3A_107, %dma_start3A_134] : memref<2x96xi32, #tpu.memory_space<vmem>> -> memref<1x96xi32, #tpu.memory_space<vmem>>
        %dma_start3A_136 = tpu.memref_squeeze %dma_start3A_135 : memref<1x96xi32, #tpu.memory_space<vmem>> -> memref<96xi32, #tpu.memory_space<vmem>>
        %dma_start3A_137 = arith.constant 0 : i32
        %dma_start3A_138 = arith.constant 0 : i32
        %dma_start3A_139 = tpu.memref_slice %arg9[%dma_start3A_137, %dma_start3A_138] : memref<10112x128xf32, #tpu.memory_space<vmem_shared>> -> memref<10112x128xf32, #tpu.memory_space<vmem_shared>>
        tpu.enqueue_indirect_dma source(%dma_start3A_133 : memref<96x128xf32, #tpu.memory_space<vmem>>) target(%dma_start3A_139 : memref<10112x128xf32, #tpu.memory_space<vmem_shared>>) offsets(%dma_start3A_136 : memref<96xi32, #tpu.memory_space<vmem>>) semaphore(%run_scoped3A_129 : memref<!tpu.dma_semaphore, #tpu.memory_space<semaphore_mem>>) {add = true}
        %dma_wait3A_140 = arith.constant 0 : i32
        %dma_wait3A_141 = arith.constant 0 : i32
        %dma_wait3A_142 = tpu.memref_slice %arg8[%and3A_107, %dma_wait3A_140, %dma_wait3A_141] : memref<2x96x128xf32, #tpu.memory_space<vmem>> -> memref<1x96x128xf32, #tpu.memory_space<vmem>>
        %dma_wait3A_143 = tpu.memref_squeeze %dma_wait3A_142 : memref<1x96x128xf32, #tpu.memory_space<vmem>> -> memref<96x128xf32, #tpu.memory_space<vmem>>
        %dma_wait3A_144 = arith.constant 0 : i32
        %dma_wait3A_145 = tpu.memref_slice %arg7[%and3A_107, %dma_wait3A_144] : memref<2x96xi32, #tpu.memory_space<vmem>> -> memref<1x96xi32, #tpu.memory_space<vmem>>
        %dma_wait3A_146 = tpu.memref_squeeze %dma_wait3A_145 : memref<1x96xi32, #tpu.memory_space<vmem>> -> memref<96xi32, #tpu.memory_space<vmem>>
        %dma_wait3A_147 = arith.constant 0 : i32
        %dma_wait3A_148 = arith.constant 0 : i32
        %dma_wait3A_149 = tpu.memref_slice %arg9[%dma_wait3A_147, %dma_wait3A_148] : memref<10112x128xf32, #tpu.memory_space<vmem_shared>> -> memref<10112x128xf32, #tpu.memory_space<vmem_shared>>
        tpu.wait_indirect_dma semaphore(%run_scoped3A_129 : memref<!tpu.dma_semaphore, #tpu.memory_space<semaphore_mem>>) src(%dma_wait3A_143 : memref<96x128xf32, #tpu.memory_space<vmem>>) dst(%dma_wait3A_149 : memref<10112x128xf32, #tpu.memory_space<vmem_shared>>)
        tpu.yield
      }) : () -> ()
      %lt3A_123 = arith.constant 105 : i32
      %lt3A_124 = arith.cmpi slt, %add3A_109, %lt3A_123 : i32
      %convert_element_type3A_125 = arith.extui %lt3A_124 : i1 to i32
      %cond3A_126 = arith.constant 0 : i32
      %cond3A_127 = arith.cmpi ne, %convert_element_type3A_125, %cond3A_126 : i32
      scf.if %cond3A_127 {
        %dma_wait3A_129 = arith.constant 0 : i32
        %dma_wait3A_130 = tpu.memref_slice %arg7[%and3A_111, %dma_wait3A_129] : memref<2x96xi32, #tpu.memory_space<vmem>> -> memref<1x96xi32, #tpu.memory_space<vmem>>
        %dma_wait3A_131 = tpu.memref_squeeze %dma_wait3A_130 : memref<1x96xi32, #tpu.memory_space<vmem>> -> memref<96xi32, #tpu.memory_space<vmem>>
        %dma_wait3A_132 = arith.constant 0 : i32
        %dma_wait3A_133 = tpu.memref_slice %arg2[%add3A, %add3A_109, %dma_wait3A_132] : memref<32x105x96xi32, #tpu.memory_space<hbm>> -> memref<1x1x96xi32, #tpu.memory_space<hbm>>
        %dma_wait3A_134 = tpu.memref_squeeze %dma_wait3A_133 : memref<1x1x96xi32, #tpu.memory_space<hbm>> -> memref<96xi32, #tpu.memory_space<hbm>>
        %dma_wait3A_135 = arith.constant 0 : i32
        %dma_wait3A_136 = tpu.memref_slice %arg7[%and3A_111, %dma_wait3A_135] : memref<2x96xi32, #tpu.memory_space<vmem>> -> memref<1x96xi32, #tpu.memory_space<vmem>>
        %dma_wait3A_137 = tpu.memref_squeeze %dma_wait3A_136 : memref<1x96xi32, #tpu.memory_space<vmem>> -> memref<96xi32, #tpu.memory_space<vmem>>
        %dma_wait3A_138 = arith.constant 0 : i32
        %dma_wait3A_139 = tpu.memref_slice %arg2[%add3A, %add3A_109, %dma_wait3A_138] : memref<32x105x96xi32, #tpu.memory_space<hbm>> -> memref<1x1x96xi32, #tpu.memory_space<hbm>>
        %dma_wait3A_140 = tpu.memref_squeeze %dma_wait3A_139 : memref<1x1x96xi32, #tpu.memory_space<hbm>> -> memref<96xi32, #tpu.memory_space<hbm>>
        tpu.wait_dma2 semaphore(%arg11 : memref<!tpu.dma_semaphore, #tpu.memory_space<semaphore_mem>>) src(%dma_wait3A_140 : memref<96xi32, #tpu.memory_space<hbm>>) dst(%dma_wait3A_137 : memref<96xi32, #tpu.memory_space<vmem>>)
        %while3A_141 = arith.constant 0 : i32
        %while3A_142 = arith.constant 6 : i32
        %while3A_143 = arith.constant 0 : i32
        %while3A_144 = arith.subi %while3A_142, %while3A_141 : i32
        %while3A_145 = arith.addi %while3A_141, %while3A_144 : i32
        %while3A_146 = arith.constant 1 : i32
        %while3A_147 = arith.divsi %while3A_144, %while3A_146 : i32
        %while3A_148 = arith.muli %while3A_147, %while3A_146 : i32
        %while3A_149 = arith.addi %while3A_141, %while3A_148 : i32
        %while3A_150 = arith.constant 1 : i32
        %while3A_151 = scf.for %while3A_154 = %while3A_141 to %while3A_149 step %while3A_150 iter_args(%while3A_155 = %while3A_143) -> (i32)  : i32 {
          %mul3A_156 = arith.constant 16 : i32
          %mul3A_157 = arith.muli %while3A_154, %mul3A_156 : i32
          %get3A = arith.index_cast %and3A_111 : i32 to index
          %get3A_158 = arith.index_cast %mul3A_157 : i32 to index
          %get3A_159 = tpu.vector_load %arg7[%get3A, %get3A_158] {strides = array<i32>} : memref<2x96xi32, #tpu.memory_space<vmem>>, vector<1x16xi32>,
          %get3A_160 = vector.shape_cast %get3A_159 : vector<1x16xi32> to vector<16xi32>
          %lt3A_161 = arith.constant 10000 : i32
          %lt3A_162 = vector.broadcast %lt3A_161 : i32 to vector<16xi32>
          %lt3A_163 = arith.cmpi slt, %get3A_160, %lt3A_162 : vector<16xi32>
          %add3A_164 = arith.constant 10000 : i32
          %add3A_165 = vector.broadcast %add3A_164 : i32 to vector<16xi32>
          %add3A_166 = arith.addi %add3A_165, %iota3A : vector<16xi32>
          %select_n3A = arith.select %lt3A_163, %get3A_160, %add3A_166 : vector<16xi1>, vector<16xi32>
          %swap3A = arith.index_cast %and3A_111 : i32 to index
          %swap3A_167 = arith.index_cast %mul3A_157 : i32 to index
          %swap3A_168 = tpu.vector_load %arg7[%swap3A, %swap3A_167] {strides = array<i32>} : memref<2x96xi32, #tpu.memory_space<vmem>>, vector<1x16xi32>,
          %swap3A_169 = vector.shape_cast %swap3A_168 : vector<1x16xi32> to vector<16xi32>
          %swap3A_170 = vector.shape_cast %select_n3A : vector<16xi32> to vector<1x16xi32>
          tpu.vector_store %arg7[%swap3A, %swap3A_167], %swap3A_170 {strides = array<i32>} : memref<2x96xi32, #tpu.memory_space<vmem>>, vector<1x16xi32>,
          %while3A_171 = arith.constant 0 : i32
          scf.yield %while3A_171 : i32
        }
        %while3A_152 = arith.constant 1 : i32
        %while3A_153 = scf.for %while3A_154 = %while3A_149 to %while3A_145 step %while3A_152 iter_args(%while3A_155 = %while3A_151) -> (i32)  : i32 {
          %mul3A_156 = arith.constant 16 : i32
          %mul3A_157 = arith.muli %while3A_154, %mul3A_156 : i32
          %get3A = arith.index_cast %and3A_111 : i32 to index
          %get3A_158 = arith.index_cast %mul3A_157 : i32 to index
          %get3A_159 = tpu.vector_load %arg7[%get3A, %get3A_158] {strides = array<i32>} : memref<2x96xi32, #tpu.memory_space<vmem>>, vector<1x16xi32>,
          %get3A_160 = vector.shape_cast %get3A_159 : vector<1x16xi32> to vector<16xi32>
          %lt3A_161 = arith.constant 10000 : i32
          %lt3A_162 = vector.broadcast %lt3A_161 : i32 to vector<16xi32>
          %lt3A_163 = arith.cmpi slt, %get3A_160, %lt3A_162 : vector<16xi32>
          %add3A_164 = arith.constant 10000 : i32
          %add3A_165 = vector.broadcast %add3A_164 : i32 to vector<16xi32>
          %add3A_166 = arith.addi %add3A_165, %iota3A : vector<16xi32>
          %select_n3A = arith.select %lt3A_163, %get3A_160, %add3A_166 : vector<16xi1>, vector<16xi32>
          %swap3A = arith.index_cast %and3A_111 : i32 to index
          %swap3A_167 = arith.index_cast %mul3A_157 : i32 to index
          %swap3A_168 = tpu.vector_load %arg7[%swap3A, %swap3A_167] {strides = array<i32>} : memref<2x96xi32, #tpu.memory_space<vmem>>, vector<1x16xi32>,
          %swap3A_169 = vector.shape_cast %swap3A_168 : vector<1x16xi32> to vector<16xi32>
          %swap3A_170 = vector.shape_cast %select_n3A : vector<16xi32> to vector<1x16xi32>
          tpu.vector_store %arg7[%swap3A, %swap3A_167], %swap3A_170 {strides = array<i32>} : memref<2x96xi32, #tpu.memory_space<vmem>>, vector<1x16xi32>,
          %while3A_171 = arith.constant 0 : i32
          scf.yield %while3A_171 : i32
        }
      } else {
      }
      %while3A_128 = arith.constant 0 : i32
      scf.yield %while3A_128 : i32
    }
    %barrier3A_76 = arith.constant 0 : index
    tpu.barrier barrier_id(%barrier3A_76)
    %add3A_77 = arith.constant 0 : i32
    %add3A_78 = arith.addi %mul3A_15, %add3A_77 : i32
    %add3A_79 = arith.constant 0 : i32
    %add3A_80 = arith.addi %mul3A_15, %add3A_79 : i32
    "tpu.region"() ({
      %run_scoped3A_105 = tpu.sem_alloc : memref<!tpu.dma_semaphore, #tpu.memory_space<semaphore_mem>>
      %dma_start3A_106 = arith.constant 0 : i32
      %dma_start3A_107 = tpu.memref_slice %arg5[%arg0, %add3A_80, %dma_start3A_106] : memref<2x10112x128xf32, #tpu.memory_space<hbm>> -> memref<1x96x128xf32, #tpu.memory_space<hbm>>
      %dma_start3A_108 = tpu.memref_squeeze %dma_start3A_107 : memref<1x96x128xf32, #tpu.memory_space<hbm>> -> memref<96x128xf32, #tpu.memory_space<hbm>>
      %dma_start3A_109 = arith.constant 0 : i32
      %dma_start3A_110 = tpu.memref_slice %arg9[%add3A_78, %dma_start3A_109] : memref<10112x128xf32, #tpu.memory_space<vmem_shared>> -> memref<96x128xf32, #tpu.memory_space<vmem_shared>>
      tpu.enqueue_dma source(%dma_start3A_110 : memref<96x128xf32, #tpu.memory_space<vmem_shared>>) target(%dma_start3A_108 : memref<96x128xf32, #tpu.memory_space<hbm>>) target_semaphore(%run_scoped3A_105 : memref<!tpu.dma_semaphore, #tpu.memory_space<semaphore_mem>>)
      %dma_wait3A = arith.constant 0 : i32
      %dma_wait3A_111 = tpu.memref_slice %arg5[%arg0, %add3A_80, %dma_wait3A] : memref<2x10112x128xf32, #tpu.memory_space<hbm>> -> memref<1x96x128xf32, #tpu.memory_space<hbm>>
      %dma_wait3A_112 = tpu.memref_squeeze %dma_wait3A_111 : memref<1x96x128xf32, #tpu.memory_space<hbm>> -> memref<96x128xf32, #tpu.memory_space<hbm>>
      %dma_wait3A_113 = arith.constant 0 : i32
      %dma_wait3A_114 = tpu.memref_slice %arg9[%add3A_78, %dma_wait3A_113] : memref<10112x128xf32, #tpu.memory_space<vmem_shared>> -> memref<96x128xf32, #tpu.memory_space<vmem_shared>>
      tpu.wait_dma2 semaphore(%run_scoped3A_105 : memref<!tpu.dma_semaphore, #tpu.memory_space<semaphore_mem>>) src(%dma_wait3A_114 : memref<96x128xf32, #tpu.memory_space<vmem_shared>>) dst(%dma_wait3A_112 : memref<96x128xf32, #tpu.memory_space<hbm>>)
      tpu.yield
    }) : () -> ()
    %add3A_81 = arith.constant 96 : i32
    %add3A_82 = arith.addi %mul3A_15, %add3A_81 : i32
    %add3A_83 = arith.constant 96 : i32
    %add3A_84 = arith.addi %mul3A_15, %add3A_83 : i32
    "tpu.region"() ({
      %run_scoped3A_105 = tpu.sem_alloc : memref<!tpu.dma_semaphore, #tpu.memory_space<semaphore_mem>>
      %dma_start3A_106 = arith.constant 0 : i32
      %dma_start3A_107 = tpu.memref_slice %arg5[%arg0, %add3A_84, %dma_start3A_106] : memref<2x10112x128xf32, #tpu.memory_space<hbm>> -> memref<1x96x128xf32, #tpu.memory_space<hbm>>
      %dma_start3A_108 = tpu.memref_squeeze %dma_start3A_107 : memref<1x96x128xf32, #tpu.memory_space<hbm>> -> memref<96x128xf32, #tpu.memory_space<hbm>>
      %dma_start3A_109 = arith.constant 0 : i32
      %dma_start3A_110 = tpu.memref_slice %arg9[%add3A_82, %dma_start3A_109] : memref<10112x128xf32, #tpu.memory_space<vmem_shared>> -> memref<96x128xf32, #tpu.memory_space<vmem_shared>>
      tpu.enqueue_dma source(%dma_start3A_110 : memref<96x128xf32, #tpu.memory_space<vmem_shared>>) target(%dma_start3A_108 : memref<96x128xf32, #tpu.memory_space<hbm>>) target_semaphore(%run_scoped3A_105 : memref<!tpu.dma_semaphore, #tpu.memory_space<semaphore_mem>>)
      %dma_wait3A = arith.constant 0 : i32
      %dma_wait3A_111 = tpu.memref_slice %arg5[%arg0, %add3A_84, %dma_wait3A] : memref<2x10112x128xf32, #tpu.memory_space<hbm>> -> memref<1x96x128xf32, #tpu.memory_space<hbm>>
      %dma_wait3A_112 = tpu.memref_squeeze %dma_wait3A_111 : memref<1x96x128xf32, #tpu.memory_space<hbm>> -> memref<96x128xf32, #tpu.memory_space<hbm>>
      %dma_wait3A_113 = arith.constant 0 : i32
      %dma_wait3A_114 = tpu.memref_slice %arg9[%add3A_82, %dma_wait3A_113] : memref<10112x128xf32, #tpu.memory_space<vmem_shared>> -> memref<96x128xf32, #tpu.memory_space<vmem_shared>>
      tpu.wait_dma2 semaphore(%run_scoped3A_105 : memref<!tpu.dma_semaphore, #tpu.memory_space<semaphore_mem>>) src(%dma_wait3A_114 : memref<96x128xf32, #tpu.memory_space<vmem_shared>>) dst(%dma_wait3A_112 : memref<96x128xf32, #tpu.memory_space<hbm>>)
      tpu.yield
    }) : () -> ()
    %add3A_85 = arith.constant 192 : i32
    %add3A_86 = arith.addi %mul3A_15, %add3A_85 : i32
    %add3A_87 = arith.constant 192 : i32
    %add3A_88 = arith.addi %mul3A_15, %add3A_87 : i32
    "tpu.region"() ({
      %run_scoped3A_105 = tpu.sem_alloc : memref<!tpu.dma_semaphore, #tpu.memory_space<semaphore_mem>>
      %dma_start3A_106 = arith.constant 0 : i32
      %dma_start3A_107 = tpu.memref_slice %arg5[%arg0, %add3A_88, %dma_start3A_106] : memref<2x10112x128xf32, #tpu.memory_space<hbm>> -> memref<1x96x128xf32, #tpu.memory_space<hbm>>
      %dma_start3A_108 = tpu.memref_squeeze %dma_start3A_107 : memref<1x96x128xf32, #tpu.memory_space<hbm>> -> memref<96x128xf32, #tpu.memory_space<hbm>>
      %dma_start3A_109 = arith.constant 0 : i32
      %dma_start3A_110 = tpu.memref_slice %arg9[%add3A_86, %dma_start3A_109] : memref<10112x128xf32, #tpu.memory_space<vmem_shared>> -> memref<96x128xf32, #tpu.memory_space<vmem_shared>>
      tpu.enqueue_dma source(%dma_start3A_110 : memref<96x128xf32, #tpu.memory_space<vmem_shared>>) target(%dma_start3A_108 : memref<96x128xf32, #tpu.memory_space<hbm>>) target_semaphore(%run_scoped3A_105 : memref<!tpu.dma_semaphore, #tpu.memory_space<semaphore_mem>>)
      %dma_wait3A = arith.constant 0 : i32
      %dma_wait3A_111 = tpu.memref_slice %arg5[%arg0, %add3A_88, %dma_wait3A] : memref<2x10112x128xf32, #tpu.memory_space<hbm>> -> memref<1x96x128xf32, #tpu.memory_space<hbm>>
      %dma_wait3A_112 = tpu.memref_squeeze %dma_wait3A_111 : memref<1x96x128xf32, #tpu.memory_space<hbm>> -> memref<96x128xf32, #tpu.memory_space<hbm>>
      %dma_wait3A_113 = arith.constant 0 : i32
      %dma_wait3A_114 = tpu.memref_slice %arg9[%add3A_86, %dma_wait3A_113] : memref<10112x128xf32, #tpu.memory_space<vmem_shared>> -> memref<96x128xf32, #tpu.memory_space<vmem_shared>>
      tpu.wait_dma2 semaphore(%run_scoped3A_105 : memref<!tpu.dma_semaphore, #tpu.memory_space<semaphore_mem>>) src(%dma_wait3A_114 : memref<96x128xf32, #tpu.memory_space<vmem_shared>>) dst(%dma_wait3A_112 : memref<96x128xf32, #tpu.memory_space<hbm>>)
      tpu.yield
    }) : () -> ()
    %add3A_89 = arith.constant 288 : i32
    %add3A_90 = arith.addi %mul3A_15, %add3A_89 : i32
    %add3A_91 = arith.constant 288 : i32
    %add3A_92 = arith.addi %mul3A_15, %add3A_91 : i32
    "tpu.region"() ({
      %run_scoped3A_105 = tpu.sem_alloc : memref<!tpu.dma_semaphore, #tpu.memory_space<semaphore_mem>>
      %dma_start3A_106 = arith.constant 0 : i32
      %dma_start3A_107 = tpu.memref_slice %arg5[%arg0, %add3A_92, %dma_start3A_106] : memref<2x10112x128xf32, #tpu.memory_space<hbm>> -> memref<1x96x128xf32, #tpu.memory_space<hbm>>
      %dma_start3A_108 = tpu.memref_squeeze %dma_start3A_107 : memref<1x96x128xf32, #tpu.memory_space<hbm>> -> memref<96x128xf32, #tpu.memory_space<hbm>>
      %dma_start3A_109 = arith.constant 0 : i32
      %dma_start3A_110 = tpu.memref_slice %arg9[%add3A_90, %dma_start3A_109] : memref<10112x128xf32, #tpu.memory_space<vmem_shared>> -> memref<96x128xf32, #tpu.memory_space<vmem_shared>>
      tpu.enqueue_dma source(%dma_start3A_110 : memref<96x128xf32, #tpu.memory_space<vmem_shared>>) target(%dma_start3A_108 : memref<96x128xf32, #tpu.memory_space<hbm>>) target_semaphore(%run_scoped3A_105 : memref<!tpu.dma_semaphore, #tpu.memory_space<semaphore_mem>>)
      %dma_wait3A = arith.constant 0 : i32
      %dma_wait3A_111 = tpu.memref_slice %arg5[%arg0, %add3A_92, %dma_wait3A] : memref<2x10112x128xf32, #tpu.memory_space<hbm>> -> memref<1x96x128xf32, #tpu.memory_space<hbm>>
      %dma_wait3A_112 = tpu.memref_squeeze %dma_wait3A_111 : memref<1x96x128xf32, #tpu.memory_space<hbm>> -> memref<96x128xf32, #tpu.memory_space<hbm>>
      %dma_wait3A_113 = arith.constant 0 : i32
      %dma_wait3A_114 = tpu.memref_slice %arg9[%add3A_90, %dma_wait3A_113] : memref<10112x128xf32, #tpu.memory_space<vmem_shared>> -> memref<96x128xf32, #tpu.memory_space<vmem_shared>>
      tpu.wait_dma2 semaphore(%run_scoped3A_105 : memref<!tpu.dma_semaphore, #tpu.memory_space<semaphore_mem>>) src(%dma_wait3A_114 : memref<96x128xf32, #tpu.memory_space<vmem_shared>>) dst(%dma_wait3A_112 : memref<96x128xf32, #tpu.memory_space<hbm>>)
      tpu.yield
    }) : () -> ()
    %add3A_93 = arith.constant 384 : i32
    %add3A_94 = arith.addi %mul3A_15, %add3A_93 : i32
    %add3A_95 = arith.constant 384 : i32
    %add3A_96 = arith.addi %mul3A_15, %add3A_95 : i32
    "tpu.region"() ({
      %run_scoped3A_105 = tpu.sem_alloc : memref<!tpu.dma_semaphore, #tpu.memory_space<semaphore_mem>>
      %dma_start3A_106 = arith.constant 0 : i32
      %dma_start3A_107 = tpu.memref_slice %arg5[%arg0, %add3A_96, %dma_start3A_106] : memref<2x10112x128xf32, #tpu.memory_space<hbm>> -> memref<1x96x128xf32, #tpu.memory_space<hbm>>
      %dma_start3A_108 = tpu.memref_squeeze %dma_start3A_107 : memref<1x96x128xf32, #tpu.memory_space<hbm>> -> memref<96x128xf32, #tpu.memory_space<hbm>>
      %dma_start3A_109 = arith.constant 0 : i32
      %dma_start3A_110 = tpu.memref_slice %arg9[%add3A_94, %dma_start3A_109] : memref<10112x128xf32, #tpu.memory_space<vmem_shared>> -> memref<96x128xf32, #tpu.memory_space<vmem_shared>>
      tpu.enqueue_dma source(%dma_start3A_110 : memref<96x128xf32, #tpu.memory_space<vmem_shared>>) target(%dma_start3A_108 : memref<96x128xf32, #tpu.memory_space<hbm>>) target_semaphore(%run_scoped3A_105 : memref<!tpu.dma_semaphore, #tpu.memory_space<semaphore_mem>>)
      %dma_wait3A = arith.constant 0 : i32
      %dma_wait3A_111 = tpu.memref_slice %arg5[%arg0, %add3A_96, %dma_wait3A] : memref<2x10112x128xf32, #tpu.memory_space<hbm>> -> memref<1x96x128xf32, #tpu.memory_space<hbm>>
      %dma_wait3A_112 = tpu.memref_squeeze %dma_wait3A_111 : memref<1x96x128xf32, #tpu.memory_space<hbm>> -> memref<96x128xf32, #tpu.memory_space<hbm>>
      %dma_wait3A_113 = arith.constant 0 : i32
      %dma_wait3A_114 = tpu.memref_slice %arg9[%add3A_94, %dma_wait3A_113] : memref<10112x128xf32, #tpu.memory_space<vmem_shared>> -> memref<96x128xf32, #tpu.memory_space<vmem_shared>>
      tpu.wait_dma2 semaphore(%run_scoped3A_105 : memref<!tpu.dma_semaphore, #tpu.memory_space<semaphore_mem>>) src(%dma_wait3A_114 : memref<96x128xf32, #tpu.memory_space<vmem_shared>>) dst(%dma_wait3A_112 : memref<96x128xf32, #tpu.memory_space<hbm>>)
      tpu.yield
    }) : () -> ()
    %add3A_97 = arith.constant 480 : i32
    %add3A_98 = arith.addi %mul3A_15, %add3A_97 : i32
    %add3A_99 = arith.constant 480 : i32
    %add3A_100 = arith.addi %mul3A_15, %add3A_99 : i32
    "tpu.region"() ({
      %run_scoped3A_105 = tpu.sem_alloc : memref<!tpu.dma_semaphore, #tpu.memory_space<semaphore_mem>>
      %dma_start3A_106 = arith.constant 0 : i32
      %dma_start3A_107 = tpu.memref_slice %arg5[%arg0, %add3A_100, %dma_start3A_106] : memref<2x10112x128xf32, #tpu.memory_space<hbm>> -> memref<1x96x128xf32, #tpu.memory_space<hbm>>
      %dma_start3A_108 = tpu.memref_squeeze %dma_start3A_107 : memref<1x96x128xf32, #tpu.memory_space<hbm>> -> memref<96x128xf32, #tpu.memory_space<hbm>>
      %dma_start3A_109 = arith.constant 0 : i32
      %dma_start3A_110 = tpu.memref_slice %arg9[%add3A_98, %dma_start3A_109] : memref<10112x128xf32, #tpu.memory_space<vmem_shared>> -> memref<96x128xf32, #tpu.memory_space<vmem_shared>>
      tpu.enqueue_dma source(%dma_start3A_110 : memref<96x128xf32, #tpu.memory_space<vmem_shared>>) target(%dma_start3A_108 : memref<96x128xf32, #tpu.memory_space<hbm>>) target_semaphore(%run_scoped3A_105 : memref<!tpu.dma_semaphore, #tpu.memory_space<semaphore_mem>>)
      %dma_wait3A = arith.constant 0 : i32
      %dma_wait3A_111 = tpu.memref_slice %arg5[%arg0, %add3A_100, %dma_wait3A] : memref<2x10112x128xf32, #tpu.memory_space<hbm>> -> memref<1x96x128xf32, #tpu.memory_space<hbm>>
      %dma_wait3A_112 = tpu.memref_squeeze %dma_wait3A_111 : memref<1x96x128xf32, #tpu.memory_space<hbm>> -> memref<96x128xf32, #tpu.memory_space<hbm>>
      %dma_wait3A_113 = arith.constant 0 : i32
      %dma_wait3A_114 = tpu.memref_slice %arg9[%add3A_98, %dma_wait3A_113] : memref<10112x128xf32, #tpu.memory_space<vmem_shared>> -> memref<96x128xf32, #tpu.memory_space<vmem_shared>>
      tpu.wait_dma2 semaphore(%run_scoped3A_105 : memref<!tpu.dma_semaphore, #tpu.memory_space<semaphore_mem>>) src(%dma_wait3A_114 : memref<96x128xf32, #tpu.memory_space<vmem_shared>>) dst(%dma_wait3A_112 : memref<96x128xf32, #tpu.memory_space<hbm>>)
      tpu.yield
    }) : () -> ()
    %add3A_101 = arith.constant 576 : i32
    %add3A_102 = arith.addi %mul3A_15, %add3A_101 : i32
    %add3A_103 = arith.constant 576 : i32
    %add3A_104 = arith.addi %mul3A_15, %add3A_103 : i32
    "tpu.region"() ({
      %run_scoped3A_105 = tpu.sem_alloc : memref<!tpu.dma_semaphore, #tpu.memory_space<semaphore_mem>>
      %dma_start3A_106 = arith.constant 0 : i32
      %dma_start3A_107 = tpu.memref_slice %arg5[%arg0, %add3A_104, %dma_start3A_106] : memref<2x10112x128xf32, #tpu.memory_space<hbm>> -> memref<1x56x128xf32, #tpu.memory_space<hbm>>
      %dma_start3A_108 = tpu.memref_squeeze %dma_start3A_107 : memref<1x56x128xf32, #tpu.memory_space<hbm>> -> memref<56x128xf32, #tpu.memory_space<hbm>>
      %dma_start3A_109 = arith.constant 0 : i32
      %dma_start3A_110 = tpu.memref_slice %arg9[%add3A_102, %dma_start3A_109] : memref<10112x128xf32, #tpu.memory_space<vmem_shared>> -> memref<56x128xf32, #tpu.memory_space<vmem_shared>>
      tpu.enqueue_dma source(%dma_start3A_110 : memref<56x128xf32, #tpu.memory_space<vmem_shared>>) target(%dma_start3A_108 : memref<56x128xf32, #tpu.memory_space<hbm>>) target_semaphore(%run_scoped3A_105 : memref<!tpu.dma_semaphore, #tpu.memory_space<semaphore_mem>>)
      %dma_wait3A = arith.constant 0 : i32
      %dma_wait3A_111 = tpu.memref_slice %arg5[%arg0, %add3A_104, %dma_wait3A] : memref<2x10112x128xf32, #tpu.memory_space<hbm>> -> memref<1x56x128xf32, #tpu.memory_space<hbm>>
      %dma_wait3A_112 = tpu.memref_squeeze %dma_wait3A_111 : memref<1x56x128xf32, #tpu.memory_space<hbm>> -> memref<56x128xf32, #tpu.memory_space<hbm>>
      %dma_wait3A_113 = arith.constant 0 : i32
      %dma_wait3A_114 = tpu.memref_slice %arg9[%add3A_102, %dma_wait3A_113] : memref<10112x128xf32, #tpu.memory_space<vmem_shared>> -> memref<56x128xf32, #tpu.memory_space<vmem_shared>>
      tpu.wait_dma2 semaphore(%run_scoped3A_105 : memref<!tpu.dma_semaphore, #tpu.memory_space<semaphore_mem>>) src(%dma_wait3A_114 : memref<56x128xf32, #tpu.memory_space<vmem_shared>>) dst(%dma_wait3A_112 : memref<56x128xf32, #tpu.memory_space<hbm>>)
      tpu.yield
    }) : () -> ()
    return
  }
}

module attributes {stable_mosaic.version = 14 : i64} {
  func.func @_k3_body(%arg0: i32, %arg1: memref<1000x2xf32, #tpu.memory_space<vmem>>, %arg2: memref<1000x128xf32, #tpu.memory_space<vmem>>, %arg3: memref<1000x128xf32, #tpu.memory_space<vmem>>, %arg4: memref<1000x128xf32, #tpu.memory_space<vmem>>) attributes {dimension_semantics = [#tpu.dimension_semantics<arbitrary>], iteration_bounds = array<i64: 10>, scalar_prefetch = 0 : i64, scratch_operands = 0 : i64, tpu.core_type = #tpu.core_type<tc>, window_params = [{transform_indices = @transform_0, window_bounds = array<i64: 1000, 2>}, {transform_indices = @transform_1, window_bounds = array<i64: 1000, 128>}, {transform_indices = @transform_2, window_bounds = array<i64: 1000, 128>}, {transform_indices = @transform_3, window_bounds = array<i64: 1000, 128>}]} {
    %get3A = arith.constant 0 : index
    %get3A_0 = arith.constant 0 : index
    %get3A_1 = vector.load %arg1[%get3A, %get3A_0] : memref<1000x2xf32, #tpu.memory_space<vmem>>, vector<1000x2xf32>
    %slice3A = vector.extract_strided_slice %get3A_1 {offsets = [0, 0], sizes = [1000, 1], strides = [1, 1]} : vector<1000x2xf32> to vector<1000x1xf32>
    %add3A = arith.constant 1.000000e+00 : f32
    %add3A_2 = vector.broadcast %add3A : f32 to vector<1000x1xf32>
    %add3A_3 = arith.addf %add3A_2, %slice3A : vector<1000x1xf32>
    %slice3A_4 = vector.extract_strided_slice %get3A_1 {offsets = [0, 1], sizes = [1000, 1], strides = [1, 1]} : vector<1000x2xf32> to vector<1000x1xf32>
    %add3A_5 = arith.addf %add3A_3, %slice3A_4 : vector<1000x1xf32>
    %rsqrt3A = math.rsqrt %add3A_5 : vector<1000x1xf32>
    %broadcast_in_dim3A = vector.shape_cast %rsqrt3A : vector<1000x1xf32> to vector<1000x1xf32>
    %broadcast_in_dim3A_6 = vector.broadcast %broadcast_in_dim3A : vector<1000x1xf32> to vector<1000x128xf32>
    %swap3A = arith.constant 0 : index
    %swap3A_7 = arith.constant 0 : index
    %swap3A_8 = vector.load %arg4[%swap3A, %swap3A_7] : memref<1000x128xf32, #tpu.memory_space<vmem>>, vector<1000x128xf32>
    tpu.vector_store %arg4[%swap3A, %swap3A_7], %broadcast_in_dim3A_6 {strides = array<i32>} : memref<1000x128xf32, #tpu.memory_space<vmem>>, vector<1000x128xf32>,
    %get3A_9 = arith.constant 0 : index
    %get3A_10 = arith.constant 0 : index
    %get3A_11 = vector.load %arg2[%get3A_9, %get3A_10] : memref<1000x128xf32, #tpu.memory_space<vmem>>, vector<1000x128xf32>
    %mul3A = vector.broadcast %rsqrt3A : vector<1000x1xf32> to vector<1000x128xf32>
    %mul3A_12 = arith.mulf %mul3A, %get3A_11 : vector<1000x128xf32>
    %swap3A_13 = arith.constant 0 : index
    %swap3A_14 = arith.constant 0 : index
    %swap3A_15 = vector.load %arg3[%swap3A_13, %swap3A_14] : memref<1000x128xf32, #tpu.memory_space<vmem>>, vector<1000x128xf32>
    tpu.vector_store %arg3[%swap3A_13, %swap3A_14], %mul3A_12 {strides = array<i32>} : memref<1000x128xf32, #tpu.memory_space<vmem>>, vector<1000x128xf32>,
    return
  }
  func.func @transform_0(%arg0: i32) -> (i32, i32) {
    %c0_i32 = arith.constant 0 : i32
    %c0_i32_0 = arith.constant 0 : i32
    return %arg0, %c0_i32 : i32, i32
  }
  func.func @transform_1(%arg0: i32) -> (i32, i32) {
    %c0_i32 = arith.constant 0 : i32
    %c0_i32_0 = arith.constant 0 : i32
    return %arg0, %c0_i32 : i32, i32
  }
  func.func @transform_2(%arg0: i32) -> (i32, i32) {
    %c0_i32 = arith.constant 0 : i32
    %c0_i32_0 = arith.constant 0 : i32
    return %arg0, %c0_i32 : i32, i32
  }
  func.func @transform_3(%arg0: i32) -> (i32, i32) {
    %c0_i32 = arith.constant 0 : i32
    %c0_i32_0 = arith.constant 0 : i32
    return %arg0, %c0_i32 : i32, i32
  }
}

module attributes {stable_mosaic.version = 14 : i64} {
  func.func @_k5_body(%arg0: i32, %arg1: memref<2x1000x128xf32, #tpu.memory_space<vmem>>, %arg2: memref<1000x128xf32, #tpu.memory_space<vmem>>, %arg3: memref<1000x128xf32, #tpu.memory_space<vmem>>, %arg4: memref<1x2xf32, #tpu.memory_space<vmem>>, %arg5: memref<128x128xf32, #tpu.memory_space<vmem>>, %arg6: memref<1x128xf32, #tpu.memory_space<vmem>>, %arg7: memref<128x128xf32, #tpu.memory_space<vmem>>, %arg8: memref<1x128xf32, #tpu.memory_space<vmem>>, %arg9: memref<1000x128xf32, #tpu.memory_space<vmem>>) attributes {dimension_semantics = [#tpu.dimension_semantics<arbitrary>], iteration_bounds = array<i64: 10>, scalar_prefetch = 0 : i64, scratch_operands = 0 : i64, tpu.core_type = #tpu.core_type<tc>, window_params = [{transform_indices = @transform_0, window_bounds = array<i64: 2, 1000, 128>}, {transform_indices = @transform_1, window_bounds = array<i64: 1000, 128>}, {transform_indices = @transform_2, window_bounds = array<i64: 1000, 128>}, {pipeline_mode = #tpu.pipeline_mode<synchronous>, transform_indices = @transform_3, window_bounds = array<i64: 1, 2>}, {pipeline_mode = #tpu.pipeline_mode<synchronous>, transform_indices = @transform_4, window_bounds = array<i64: 128, 128>}, {pipeline_mode = #tpu.pipeline_mode<synchronous>, transform_indices = @transform_5, window_bounds = array<i64: 1, 128>}, {pipeline_mode = #tpu.pipeline_mode<synchronous>, transform_indices = @transform_6, window_bounds = array<i64: 128, 128>}, {pipeline_mode = #tpu.pipeline_mode<synchronous>, transform_indices = @transform_7, window_bounds = array<i64: 1, 128>}, {transform_indices = @transform_8, window_bounds = array<i64: 1000, 128>}]} {
    %get3A = arith.constant 0 : index
    %get3A_0 = arith.constant 0 : index
    %get3A_1 = arith.constant 0 : index
    %get3A_2 = vector.load %arg1[%get3A, %get3A_0, %get3A_1] : memref<2x1000x128xf32, #tpu.memory_space<vmem>>, vector<2x1000x128xf32>
    %slice3A = vector.extract_strided_slice %get3A_2 {offsets = [0, 0, 0], sizes = [1, 1000, 128], strides = [1, 1, 1]} : vector<2x1000x128xf32> to vector<1x1000x128xf32>
    %squeeze3A = vector.shape_cast %slice3A : vector<1x1000x128xf32> to vector<1000x128xf32>
    %slice3A_3 = vector.extract_strided_slice %get3A_2 {offsets = [1, 0, 0], sizes = [1, 1000, 128], strides = [1, 1, 1]} : vector<2x1000x128xf32> to vector<1x1000x128xf32>
    %squeeze3A_4 = vector.shape_cast %slice3A_3 : vector<1x1000x128xf32> to vector<1000x128xf32>
    %add3A = arith.addf %squeeze3A, %squeeze3A_4 : vector<1000x128xf32>
    %get3A_5 = arith.constant 0 : index
    %get3A_6 = arith.constant 0 : index
    %get3A_7 = vector.load %arg4[%get3A_5, %get3A_6] : memref<1x2xf32, #tpu.memory_space<vmem>>, vector<1x1xf32>
    %get3A_8 = vector.extract %get3A_7[0, 0] : f32 from vector<1x1xf32>
    %get3A_9 = arith.constant 0 : index
    %get3A_10 = arith.constant 1 : index
    %get3A_11 = vector.load %arg4[%get3A_9, %get3A_10] : memref<1x2xf32, #tpu.memory_space<vmem>>, vector<1x1xf32>
    %get3A_12 = vector.extract %get3A_11[0, 0] : f32 from vector<1x1xf32>
    %get3A_13 = arith.constant 0 : index
    %get3A_14 = arith.constant 0 : index
    %get3A_15 = vector.load %arg2[%get3A_13, %get3A_14] : memref<1000x128xf32, #tpu.memory_space<vmem>>, vector<1000x128xf32>
    %mul3A = vector.broadcast %get3A_12 : f32 to vector<1000x128xf32>
    %mul3A_16 = arith.mulf %mul3A, %add3A : vector<1000x128xf32>
    %get3A_17 = arith.constant 0 : index
    %get3A_18 = arith.constant 0 : index
    %get3A_19 = vector.load %arg3[%get3A_17, %get3A_18] : memref<1000x128xf32, #tpu.memory_space<vmem>>, vector<1000x128xf32>
    %mul3A_20 = vector.broadcast %get3A_8 : f32 to vector<1000x128xf32>
    %mul3A_21 = arith.mulf %mul3A_20, %get3A_19 : vector<1000x128xf32>
    %add3A_22 = arith.addf %mul3A_16, %mul3A_21 : vector<1000x128xf32>
    %mul3A_23 = arith.mulf %get3A_15, %add3A_22 : vector<1000x128xf32>
    %get3A_24 = arith.constant 0 : index
    %get3A_25 = arith.constant 0 : index
    %get3A_26 = vector.load %arg5[%get3A_24, %get3A_25] : memref<128x128xf32, #tpu.memory_space<vmem>>, vector<128x128xf32>
    %dot_general3A = arith.constant dense<0.000000e+00> : vector<1000x128xf32>
    %dot_general3A_27 = tpu.matmul %mul3A_23, %get3A_26, %dot_general3A {dimension_numbers = #tpu.dot_dimension_numbers<[1], [1], [0], [0], [0, 0, 1, 0], [], []>, transpose_lhs_hint = false} : vector<1000x128xf32>, vector<128x128xf32>, vector<1000x128xf32> -> vector<1000x128xf32>
    %get3A_28 = arith.constant 0 : index
    %get3A_29 = arith.constant 0 : index
    %get3A_30 = vector.load %arg6[%get3A_28, %get3A_29] : memref<1x128xf32, #tpu.memory_space<vmem>>, vector<1x128xf32>
    %add3A_31 = vector.broadcast %get3A_30 : vector<1x128xf32> to vector<1000x128xf32>
    %add3A_32 = arith.addf %dot_general3A_27, %add3A_31 : vector<1000x128xf32>
    %gt3A = arith.constant 0.000000e+00 : f32
    %gt3A_33 = vector.broadcast %gt3A : f32 to vector<1000x128xf32>
    %gt3A_34 = arith.cmpf ogt, %add3A_32, %gt3A_33 : vector<1000x128xf32>
    %exp3A = math.exp %add3A_32 : vector<1000x128xf32>
    %sub3A = arith.constant 1.000000e+00 : f32
    %sub3A_35 = vector.broadcast %sub3A : f32 to vector<1000x128xf32>
    %sub3A_36 = arith.subf %exp3A, %sub3A_35 : vector<1000x128xf32>
    %select_n3A = arith.select %gt3A_34, %add3A_32, %sub3A_36 : vector<1000x128xi1>, vector<1000x128xf32>
    %get3A_37 = arith.constant 0 : index
    %get3A_38 = arith.constant 0 : index
    %get3A_39 = vector.load %arg7[%get3A_37, %get3A_38] : memref<128x128xf32, #tpu.memory_space<vmem>>, vector<128x128xf32>
    %dot_general3A_40 = arith.constant dense<0.000000e+00> : vector<1000x128xf32>
    %dot_general3A_41 = tpu.matmul %select_n3A, %get3A_39, %dot_general3A_40 {dimension_numbers = #tpu.dot_dimension_numbers<[1], [1], [0], [0], [0, 0, 1, 0], [], []>, transpose_lhs_hint = false} : vector<1000x128xf32>, vector<128x128xf32>, vector<1000x128xf32> -> vector<1000x128xf32>
    %get3A_42 = arith.constant 0 : index
    %get3A_43 = arith.constant 0 : index
    %get3A_44 = vector.load %arg8[%get3A_42, %get3A_43] : memref<1x128xf32, #tpu.memory_space<vmem>>, vector<1x128xf32>
    %add3A_45 = vector.broadcast %get3A_44 : vector<1x128xf32> to vector<1000x128xf32>
    %add3A_46 = arith.addf %dot_general3A_41, %add3A_45 : vector<1000x128xf32>
    %swap3A = arith.constant 0 : index
    %swap3A_47 = arith.constant 0 : index
    %swap3A_48 = vector.load %arg9[%swap3A, %swap3A_47] : memref<1000x128xf32, #tpu.memory_space<vmem>>, vector<1000x128xf32>
    tpu.vector_store %arg9[%swap3A, %swap3A_47], %add3A_46 {strides = array<i32>} : memref<1000x128xf32, #tpu.memory_space<vmem>>, vector<1000x128xf32>,
    return
  }
  func.func @transform_0(%arg0: i32) -> (i32, i32, i32) {
    %c0_i32 = arith.constant 0 : i32
    %c0_i32_0 = arith.constant 0 : i32
    %c0_i32_1 = arith.constant 0 : i32
    return %c0_i32, %arg0, %c0_i32_0 : i32, i32, i32
  }
  func.func @transform_1(%arg0: i32) -> (i32, i32) {
    %c0_i32 = arith.constant 0 : i32
    %c0_i32_0 = arith.constant 0 : i32
    return %arg0, %c0_i32 : i32, i32
  }
  func.func @transform_2(%arg0: i32) -> (i32, i32) {
    %c0_i32 = arith.constant 0 : i32
    %c0_i32_0 = arith.constant 0 : i32
    return %arg0, %c0_i32 : i32, i32
  }
  func.func @transform_3(%arg0: i32) -> (i32, i32) {
    %c0_i32 = arith.constant 0 : i32
    %c0_i32_0 = arith.constant 0 : i32
    %c0_i32_1 = arith.constant 0 : i32
    return %c0_i32, %c0_i32_0 : i32, i32
  }
  func.func @transform_4(%arg0: i32) -> (i32, i32) {
    %c0_i32 = arith.constant 0 : i32
    %c0_i32_0 = arith.constant 0 : i32
    %c0_i32_1 = arith.constant 0 : i32
    return %c0_i32, %c0_i32_0 : i32, i32
  }
  func.func @transform_5(%arg0: i32) -> (i32, i32) {
    %c0_i32 = arith.constant 0 : i32
    %c0_i32_0 = arith.constant 0 : i32
    %c0_i32_1 = arith.constant 0 : i32
    return %c0_i32, %c0_i32_0 : i32, i32
  }
  func.func @transform_6(%arg0: i32) -> (i32, i32) {
    %c0_i32 = arith.constant 0 : i32
    %c0_i32_0 = arith.constant 0 : i32
    %c0_i32_1 = arith.constant 0 : i32
    return %c0_i32, %c0_i32_0 : i32, i32
  }
  func.func @transform_7(%arg0: i32) -> (i32, i32) {
    %c0_i32 = arith.constant 0 : i32
    %c0_i32_0 = arith.constant 0 : i32
    %c0_i32_1 = arith.constant 0 : i32
    return %c0_i32, %c0_i32_0 : i32, i32
  }
  func.func @transform_8(%arg0: i32) -> (i32, i32) {
    %c0_i32 = arith.constant 0 : i32
    %c0_i32_0 = arith.constant 0 : i32
    return %arg0, %c0_i32 : i32, i32
  }
}

</mosaic_0001>

<sc_bundles>
// kernel: kernel.10.cloned.1.call-start
scs
__scs_entry_jumppad:
0x0: {  	(pc) =	sbr.rel $0x88, $3  }
0x1: {  	(tag) =	ssettag $0x0;
	lr =	simm.s32 $0x1  }
0x2: {  	[smem:$0x3F9A] =	sst lr;
	_ =	strace $0xD0000000  }
0x3: {  	_ = 	snop  }
0x4: {  	_ = 	snop  }
0x5: {  	_ = 	snop  }
0x6: {  	_ = 	snop  }
0x7: {  	_ = 	snop  }
__scs_overlays_trampoline_lowered:
0x8: {  	[smem:$0x3FA9] =	sst s0  }
0x9: {  	[smem:$0x3FAA] =	sst s1  }
0xa: {  	[smem:$0x3FAB] =	sst s2  }
0xb: {  	[smem:$0x3FAC] =	sst s3  }
0xc: {  	[smem:$0x3FAD] =	sst s4  }
0xd: {  	[smem:$0x3FAE] =	sst s5  }
0xe: {  	[smem:$0x3FAF] =	sst s6  }
0xf: {  	[smem:$0x3FB0] =	sst s7  }
0x10: {  	[smem:$0x3FB1] =	sst s8  }
0x11: {  	[smem:$0x3FB2] =	sst s9;
	s0 =	simm.s32 @!p0 $0x0  }
0x12: {  	s1 =	sld [smem:$0x3F98];
	s0 =	simm.s32 @p0 $0x1  }
0x13: {  	[smem:$0x3FB3] =	sst s0;
	s0 =	simm.s32 @!p1 $0x0  }
0x14: {  	s2 =	sld [smem:$0x3F97];
	s0 =	simm.s32 @p1 $0x1  }
0x15: {  	[smem:$0x3FB4] =	sst s0;
	s0 =	simm.s32 @!p2 $0x0  }
0x16: {  	s3 =	sld [smem:$0x3FDB];
	s0 =	simm.s32 @p2 $0x1  }
0x17: {  	s4 =	simm.s32 $0x1BF5;
	[smem:$0x3FB6] =	sst s0  }
0x18: {  	s0 =	sld [smem:$0x3F99];
	_ =	swait.ge [sflag:s4], $0x0  }
0x19: {  	s7 =	sld [smem:$0x3F9A]  }
0x1a: {  	s8 =	sadd.s32 $0xFFFFE003, lr  }
0x1b: {  	s9 =	sadd.s32 $0xFFFFFEF7, lr;
	s5 =	simm.s32 $0xFFFFFFFF;
	p2 =	slt.u32 s8, $0xFFFFF086  }
0x1c: {  	p1 =	slt.u32 s9, $0xF7A;
	s5 =	simm.s32 @!p2 $0x0  }
0x1d: {  	s5 =	simm.s32 @p1 $0x1;
	p0 =	seq.s32 s7, s2  }
0x1e: {  	s7 =	smul.u32 @!p0 $0xF7A, s2;
	p2 =	seq.s32 @!p0 s5, $0x0  }
0x1f: {  	s9 =	smul.u32 $0xF7A, s1;
	s8 =	simm.s32 @!p0 $0x1BF5;
	p2 =	por !p2, p0  }
0x20: {  	[sflag:s8] =	ssyncset.s32 @!p0 $0xFFFFF086;
	s6 =	sadd.s32 @!p0 s3, s7;
	s7 =	simm.s32 @!p0 $0x108  }
0x21: {  	s3 =	sadd.s32 s3, s9;
	s6 =	sadd.s32 @!p0 $0x88, s6;
	s7 =	simm.s32 @p2 $0x1082  }
0x22: {  	[simem:s7], [sflag:s8] =	dma.local @!p0 [hbm:s6], $0xF7A  }
0x23: {  	s9 =	sor.u32 $0xD0000000, s2;
	s6 =	simm.s32 $0x108;
	_ =	swait.ge @!p0 [sflag:s8], $0x0  }
0x24: {  	s3 =	sadd.s32 $0x88, s3;
	s6 =	simm.s32 @!p1 $0x1082;
	[sflag:s4] =	ssyncset.s32 $0xFFFFF086  }
0x25: {  	[simem:s6], [sflag:s4] =	dma.local [hbm:s3], $0xF7A  }
0x26: {  	[smem:$0x3F9A] =	sst s1;
	(tag) =	ssettag s2;
	_ =	strace s9  }
0x27: {  	s1 =	sld [smem:$0x3FAA]  }
0x28: {  	s2 =	sld [smem:$0x3FAB]  }
0x29: {  	s4 =	sld [smem:$0x3FAD]  }
0x2a: {  	p0 =	seq.s32 s5, $0x0;
	s5 =	sld [smem:$0x3FAE]  }
0x2b: {  	s6 =	sld [smem:$0x3FAF]  }
0x2c: {  	s7 =	sld [smem:$0x3FB0]  }
0x2d: {  	s3 =	simm.s32 $0x108;
	s8 =	sld [smem:$0x3FB1]  }
0x2e: {  	s3 =	simm.s32 @!p0 $0x1082;
	s9 =	sld [smem:$0x3FB2]  }
0x2f: {  	lr =	sadd.s32 s0, s3;
	s0 =	sld [smem:$0x3FA9]  }
0x30: {  	s3 =	sld [smem:$0x3FAC]  }
0x31: {  	[smem:$0x3FB5] =	sst s10  }
0x32: {  	s10 =	sld [smem:$0x3FB3];
	_ =	sdelay $0x3  }
0x33: {  	p0 =	seq.s32 s10, $0x1;
	s10 =	sld [smem:$0x3FB5];
	_ =	sdelay $0x3  }
0x34: {  	[smem:$0x3FB5] =	sst s10  }
0x35: {  	s10 =	sld [smem:$0x3FB4];
	_ =	sdelay $0x3  }
0x36: {  	p1 =	seq.s32 s10, $0x1;
	s10 =	sld [smem:$0x3FB5];
	_ =	sdelay $0x3  }
0x37: {  	[smem:$0x3FB5] =	sst s10  }
0x38: {  	s10 =	sld [smem:$0x3FB6]  }
0x39: {  	_ = 	snop;
	(pc) =	sbr.ind lr, $3  }
0x3a: {  	_ = 	snop  }
0x3b: {  	_ = 	snop  }
0x3c: {  	p2 =	seq.s32 s10, $0x1;
	s10 =	sld [smem:$0x3FB5]  }
0x3d: {  	_ =	shalt  }
0x3e: {  	_ =	shalt  }
0x3f: {  	_ =	shalt  }
0x40: {  	_ =	shalt  }
0x41: {  	_ =	shalt  }
0x42: {  	_ =	shalt  }
0x43: {  	_ =	shalt  }
0x44: {  	_ =	shalt  }
0x45: {  	_ =	shalt  }
0x46: {  	_ =	shalt  }
0x47: {  	_ =	shalt  }
0x48: {  	_ =	shalt  }
0x49: {  	_ =	shalt  }
0x4a: {  	_ =	shalt  }
0x4b: {  	_ =	shalt  }
0x4c: {  	_ =	shalt  }
0x4d: {  	_ =	shalt  }
0x4e: {  	_ =	shalt  }
0x4f: {  	_ =	shalt  }
0x50: {  	_ =	shalt  }
0x51: {  	_ =	shalt  }
0x52: {  	_ =	shalt  }
0x53: {  	_ =	shalt  }
0x54: {  	_ =	shalt  }
0x55: {  	_ =	shalt  }
0x56: {  	_ =	shalt  }
0x57: {  	_ =	shalt  }
0x58: {  	_ =	shalt  }
0x59: {  	_ =	shalt  }
0x5a: {  	_ =	shalt  }
0x5b: {  	_ =	shalt  }
0x5c: {  	_ =	shalt  }
0x5d: {  	_ =	shalt  }
0x5e: {  	_ =	shalt  }
0x5f: {  	_ =	shalt  }
0x60: {  	_ =	shalt  }
0x61: {  	_ =	shalt  }
0x62: {  	_ =	shalt  }
0x63: {  	_ =	shalt  }
0x64: {  	_ =	shalt  }
0x65: {  	_ =	shalt  }
0x66: {  	_ =	shalt  }
0x67: {  	_ =	shalt  }
0x68: {  	_ =	shalt  }
0x69: {  	_ =	shalt  }
0x6a: {  	_ =	shalt  }
0x6b: {  	_ =	shalt  }
0x6c: {  	_ =	shalt  }
0x6d: {  	_ =	shalt  }
0x6e: {  	_ =	shalt  }
0x6f: {  	_ =	shalt  }
0x70: {  	_ =	shalt  }
0x71: {  	_ =	shalt  }
0x72: {  	_ =	shalt  }
0x73: {  	_ =	shalt  }
0x74: {  	_ =	shalt  }
0x75: {  	_ =	shalt  }
0x76: {  	_ =	shalt  }
0x77: {  	_ =	shalt  }
0x78: {  	_ =	shalt  }
0x79: {  	_ =	shalt  }
0x7a: {  	_ =	shalt  }
0x7b: {  	_ =	shalt  }
0x7c: {  	_ =	shalt  }
0x7d: {  	_ =	shalt  }
0x7e: {  	_ =	shalt  }
0x7f: {  	_ =	shalt  }
0x80: {  	_ =	shalt  }
0x81: {  	_ =	shalt  }
0x82: {  	_ =	shalt  }
0x83: {  	_ =	shalt  }
0x84: {  	_ =	shalt  }
0x85: {  	_ =	shalt  }
0x86: {  	_ =	shalt  }
0x87: {  	_ =	shalt  }
.Lfunc_end0:
.L_simem_size_0:
called_computation.1_lowered:
.L_overlay_start_0:
0x88: {  	s2 =	sld [smem:$0x3FD9]  }
0x89: {  	s3 =	sld [smem:$0x3FFE];
	_ =	sdelay $0x1  }
0x8a: {  	s1 =	srdreg.scid  }
0x8b: {  	s0 =	sand.u32 $0x1, s1  }
0x8c: {  	s17 =	sshll.u32 s0, $0xA;
	s2 =	sadd.s32 s3, s2  }
0x8d: {  	s2 =	sadd.s32 s2, s17  }
0x8e: {  	[smem:$0x3FC1] =	sst s2  }
0x8f: {  	_ = 	snop  }
0x90: {  	s2 =	sld [smem:$0x3FD0];
	(tm) =	ssettm $0x1  }
0x91: {  	s18 =	sld [smem:$0x3FFB];
	_ =	sdelay $0x3  }
0x92: {  	_ =	strace s18  }
0x93: {  	s3 =	sld [smem:$0x3FFC];
	_ =	sdelay $0x3  }
0x94: {  	_ =	strace s3  }
0x95: {  	s3 =	sld [smem:$0x3FFD];
	_ =	sdelay $0x3  }
0x96: {  	_ =	strace s3  }
0x97: {  	_ =	strace $0x8FFFFFFF  }
0x98: {  	s19 =	sld [smem:$0x3FDB];
	_ =	sdelay $0x1  }
0x99: {  	s4 =	simm.s32 $_scs_section_size  }
0x9a: {  	s5 =	simm.s32 $_size__tile_overlayer_lowered;
	s6 =	simm.s32 $_tile_overlayer_lowered  }
0x9b: {  	s22 =	simm.s32 $0x1BFF;
	s21 =	sshll.u32 s6, $0x1;
	s3 =	sadd.s32 s4, s19  }
0x9c: {  	s7 =	simm.s32 $0x0;
	s20 =	sshll.u32 s5, $0x1;
	s5 =	sadd.s32 s21, s3  }
0x9d: {  	[timem:s7], [sflag:s22] =	dma.local [hbm:s5], s20  }
0x9e: {  	_ =	swait.ge [sflag:s22], s20  }
0x9f: {  	s4 =	ssub.s32 $0x0, s20;
	[sflag:s22] =	ssyncset.done $0x0  }
0xa0: {  	[sflag:s22] =	ssyncadd.s32 s4;
	_ =	sdelay $0x1  }
0xa1: {  	s23 =	simm.s32 $0x1B8B  }
0xa2: {  	_ =	swait.ge [sflag:s23], $0x1  }
0xa3: {  	[sflag:s23] =	ssyncset.done $0x0  }
0xa4: {  	s25 =	simm.s32 $0x1B8E;
	s24 =	sld [smem:$0x3FFE];
	[sflag:s23] =	ssyncadd.s32 $0xFFFFFFFF  }
0xa5: {  	s26 =	simm.s32 $execute0_lowered;
	[smem:$0x3FD2] =	sst s25  }
0xa6: {  	s5 =	sshll.u32 s26, $0x1;
	_ =	strace $0x80000049;
	[dreg:$0x1] =	wrdreg $0xFFFFFFFF  }
0xa7: {  	s28 =	simm.s32 $_size_execute0_lowered;
	s3 =	sadd.s32 s3, s5;
	[dreg:$0x0] =	wrdreg $0x0  }
0xa8: {  	s5 =	sshll.u32 s28, $0x1;
	[dreg:$0x2] =	wrdreg s3  }
0xa9: {  	[dreg:$0x3] =	wrdreg s5  }
0xaa: {  	[dreg:$0x4] =	wrdreg $0xC0  }
0xab: {  	_ =	task [dreg:s7], $0x5FFFF  }
0xac: {  	[dreg:$0x1] =	wrdreg $0xFFFFFFFF  }
0xad: {  	[dreg:$0x0] =	wrdreg $0x60  }
0xae: {  	[dreg:$0x2] =	wrdreg s2  }
0xaf: {  	[dreg:$0x3] =	wrdreg s24  }
0xb0: {  	[dreg:$0x4] =	wrdreg $0xEF800  }
0xb1: {  	[dreg:$0x5] =	wrdreg $0x9  }
0xb2: {  	_ =	task.clear_ibuf [dreg:s7], $0x6FFFF;
	_ =	strace $0x90000049  }
0xb3: {  	s29 =	simm.s32 $0x9;
	_ =	strace $0x8000004B  }
0xb4: {  	_ =	swait.ge [sflag:s29], $0x1  }
0xb5: {  	[sflag:s29] =	ssyncadd.s32 $0xFFFFFFFF  }
0xb6: {  	_ =	strace $0x9000004B  }
0xb7: {  	_ =	sfence  }
0xb8: {  	s30 =	sld [smem:$0x0];
	_ =	sdelay $0x2  }
0xb9: {  	s31 =	sshll.u32 s1, $0xD;
	s1 =	sshrl.u32 s1, $0x2  }
0xba: {  	s3 =	sand.u32 $0x4000, s31;
	s1 =	sadd.s32 s1, s30  }
0xbb: {  	s0 =	sor.u32 s3, s0;
	s1 =	sshll.u32 s1, $0x11  }
0xbc: {  	s0 =	sor.u32 s1, s0  }
0xbd: {  	s0 =	sadd.s32 $0x8F2B, s0  }
0xbe: {  	[sflag:s0] =	ssyncadd.remote.s32 $0x1  }
0xbf: {  	_ =	sfence.sel $0xFFFF  }
0xc0: {  	[dreg:$0x0] =	wrdreg $0xFFFFFFFF;
	(pc) =	sbr.abs _section_cstart, $3  }
0xc1: {  	[dreg:$0x1] =	wrdreg $0xFFFFFFFF  }
0xc2: {  	_ =	task.clear_ibuf [dreg:s7], $0x2FFFF;
	_ =	strace $0x9FFFFFFF  }
0xc3: {  	(tm) =	ssettm $0x7FFFFFFF  }
tec
execute0_lowered:
.L_overlay_start_1:
0x0: {  	(tag) =	ssettag $0x1  }
0x1: {  	s1 =	srdreg.scid;
	s5 =	rddreg [dreg:$0x0]  }
0x2: {  	s0 =	stileid.u32;
	s8 =	rddreg [dreg:$0x1];
	s3 =	simm.s32 $0x0  }
0x3: {  	s14 =	simm.s32 $0x2780;
	s15 =	simm.s32 $0x2760;
	s16 =	simm.s32 $0x4F00  }
0x4: {  	s17 =	simm.s32 $0xC580;
	s18 =	simm.s32 $0xED00;
	s19 =	simm.s32 $0x1  }
0x5: {  	s20 =	simm.s32 $0x9E00;
	s21 =	simm.s32 $0x7680;
	s23 =	simm.s32 $0x20  }
0x6: {  	s24 =	simm.s32 $0x10;
	s6 =	sand.u32 $0x1, s1;
	s10 =	smul.u32 $0x500, s0  }
0x7: {  	s25 =	sshrl.u32 s0, $0x2;
	s1 =	rddreg [dreg:$0x3];
	s13 =	smul.u32 $0xA00, s0  }
0x8: {  	s2 =	sshll.u32 s0, $0x8;
	[smem:$0x7FF] =	sst s3;
	s29 =	smul.u32 $0x4EC0, s0  }
0x9: {  	s22 =	sshll.u32 s0, $0x6;
	s7 =	sshll.u32 s6, $0x7;
	s4 =	smul.u32 $0x13C00, s25  }
0xa: {  	s28 =	ssub.s32 $0x2, s6;
	s31 =	smul.u32 $0x2760, s6;
	s22 =	sor.u32 $0x1C02, s22  }
0xb: {  	s25 =	simm.s32 $0x0;
	s26 =	sor.u32 s7, s2;
	s2 =	rddreg [dreg:$0x2]  }
0xc: {  	_ =	strace $0x8000004A;
	s7 =	sor.u32 s7, s10;
	s12 =	sshrl.u32 s28, $0x1  }
0xd: {  	s30 =	sshrl.u32 s13, $0x2;
	s13 =	simm.s32 $0x2;
	s9 =	sand.u32 $0x380, s26  }
0xe: {  	s7 =	sshrl.u32 s7, $0x3;
	s10 =	ssub.s32 s28, s12;
	s4 =	sor.u32 s4, s9  }
0xf: {  	s12 =	simm.s32 $0x400;
	s9 =	sshrl.u32 s4, $0x3;
	s4 =	sadd.s32 $0x20200, s8  }
0x10: {  	s11 =	sadd.s32 s9, s8;
	s8 =	sadd.s32 s7, s8;
	s5 =	sadd.s32 s5, s9  }
0x11: {  	s7 =	sadd.s32 s30, s2;
	s9 =	smax.u32 s10, $0x1;
	s10 =	sadd.s32 s31, s29  }
0x12: {  	v0 =	vimm.f32 $0.0e+00;
	v1 =	vlaneseq.u32;
	s6 =	sadd.s32 $0xC600, s11;
	s8 =	sadd.s32 $0xC0C000, s8;
	s11 =	simm.s32 $0x80  }
.LBB2_1:
0x13: {  	[tilespmem:s3], [sflag:$0x2] =	stream.strided.gather [hbm4b:s5+s11], $0x2780, s12, s11, $0x38;
	[tilespmem:$0xF200] =	vst v63  }
0x14: {  	_ =	swait.ge [sflag:s13], $0x2780  }
0x15: {  	[sflag:s13] =	ssyncset.done $0x0  }
0x16: {  	[sflag:s13] =	ssyncadd.s32 $0xFFFFD880  }
0x17: {  	[tilespmem:s14], [sflag:$0x2] =	stream.strided.gather [hbm4b:s6+s11], $0x2780, s12, s11, $0x38;
	[tilespmem:$0xF200] =	vst v63  }
0x18: {  	_ =	swait.ge [sflag:s13], $0x2780  }
0x19: {  	[sflag:s13] =	ssyncset.done $0x0  }
0x1a: {  	s26 =	simm.s32 $0x0;
	[sflag:s13] =	ssyncadd.s32 $0xFFFFD880  }
0x1b: {  	v2 =	vld [tilespmem:s26+$0x0]  }
0x1c: {  	s28 =	simm.s32 $0x40;
	v3 =	vld [tilespmem:s26+$0x2780]  }
.LBB2_2:
0x1d: {  	_ = 	snop  }
0x1e: {  	p0 =	sne.s32 s28, $0x9D40  }
.Ltmp0:
0x1f: {  	_ = 	snop;
	(pc) =	sbr.rel @p0 .LBB2_2-.Ltmp0, $4  }
0x20: {  	v4 =	vmul.u32 $0x2710, v2  }
0x21: {  	s29 =	sshra.s32 s28, $0x2  }
0x22: {  	v2 =	vld [tilespmem:s29+$0x0];
	v4 =	vadd.s32 v3, v4  }
0x23: {  	s28 =	sadd.s32 $0x40, s28;
	v3 =	vld [tilespmem:s29+$0x2780];
	[tilespmem:s26+$0x4F00] =	vst v4;
	s26 =	smov.u32 s29  }
0x24: {  	_ =	sdelay $0x2  }
0x25: {  	v2 =	vmul.u32 $0x2710, v2;
	_ =	sdelay $0x1  }
0x26: {  	v2 =	vadd.s32 v3, v2  }
0x27: {  	[tilespmem:s26+$0x4F00] =	vst v2  }
0x28: {  	[tilespmem:s17], [sflag:$0x1] =	stream.indirect.gather [hbm4b:s4+s15], $0x1, s16, s15, $0xb8;
	[tilespmem:$0xF200] =	vst v63  }
0x29: {  	[tilespmem:$0xED00] =	vst v0  }
0x2a: {  	[tilespmem:$0xED10] =	vst v0  }
0x2b: {  	[tilespmem:$0xED20] =	vst v0  }
0x2c: {  	[tilespmem:$0xED30] =	vst v0  }
0x2d: {  	[tilespmem:$0xED40] =	vst v0  }
0x2e: {  	[tilespmem:$0xED50] =	vst v0  }
0x2f: {  	[tilespmem:$0xED60] =	vst v0  }
0x30: {  	[tilespmem:$0xED70] =	vst v0  }
0x31: {  	[tilespmem:$0xED80] =	vst v0  }
0x32: {  	[tilespmem:$0xED90] =	vst v0  }
0x33: {  	[tilespmem:$0xEDA0] =	vst v0  }
0x34: {  	[tilespmem:$0xEDB0] =	vst v0  }
0x35: {  	[tilespmem:$0xEDC0] =	vst v0  }
0x36: {  	[tilespmem:$0xEDD0] =	vst v0  }
0x37: {  	[tilespmem:$0xEDE0] =	vst v0  }
0x38: {  	[tilespmem:$0xEDF0] =	vst v0  }
0x39: {  	[tilespmem:$0xEE00] =	vst v0  }
0x3a: {  	[tilespmem:$0xEE10] =	vst v0  }
0x3b: {  	[tilespmem:$0xEE20] =	vst v0  }
0x3c: {  	[tilespmem:$0xEE30] =	vst v0  }
0x3d: {  	[tilespmem:$0xEE40] =	vst v0  }
0x3e: {  	[tilespmem:$0xEE50] =	vst v0  }
0x3f: {  	[tilespmem:$0xEE60] =	vst v0  }
0x40: {  	[tilespmem:$0xEE70] =	vst v0  }
0x41: {  	[tilespmem:$0xEE80] =	vst v0  }
0x42: {  	[tilespmem:$0xEE90] =	vst v0  }
0x43: {  	[tilespmem:$0xEEA0] =	vst v0  }
0x44: {  	[tilespmem:$0xEEB0] =	vst v0  }
0x45: {  	[tilespmem:$0xEEC0] =	vst v0  }
0x46: {  	[tilespmem:$0xEED0] =	vst v0  }
0x47: {  	[tilespmem:$0xEEE0] =	vst v0  }
0x48: {  	[tilespmem:$0xEEF0] =	vst v0  }
0x49: {  	[tilespmem:$0xEF00] =	vst v0  }
0x4a: {  	[tilespmem:$0xEF10] =	vst v0  }
0x4b: {  	[tilespmem:$0xEF20] =	vst v0  }
0x4c: {  	[tilespmem:$0xEF30] =	vst v0  }
0x4d: {  	[tilespmem:$0xEF40] =	vst v0  }
0x4e: {  	[tilespmem:$0xEF50] =	vst v0  }
0x4f: {  	[tilespmem:$0xEF60] =	vst v0  }
0x50: {  	[tilespmem:$0xEF70] =	vst v0  }
0x51: {  	[spmem:s7] =	stream.linear.scatter [tilespmem:s18], [sflag:$0x2], $0x280, $0x38;
	[tilespmem:$0xF200] =	vst v63  }
0x52: {  	_ =	swait.ge [sflag:s13], $0x280  }
0x53: {  	[sflag:s13] =	ssyncset.done $0x0  }
0x54: {  	[sflag:s13] =	ssyncadd.s32 $0xFFFFFD80  }
0x55: {  	_ =	swait.ge [sflag:s19], $0x2760  }
0x56: {  	[sflag:s19] =	ssyncset.done $0x0  }
0x57: {  	[sflag:s19] =	ssyncadd.s32 $0xFFFFD8A0  }
0x58: {  	s28 =	simm.s32 $0x0;
	[bflag:$0x0] =	sbarrier.arrive $0xFFFF  }
0x59: {  	v5 =	vld [tilespmem:s28+$0x0]  }
0x5a: {  	v3 =	vld [tilespmem:s28+$0x2780]  }
0x5b: {  	v4 =	vld [tilespmem:s28+$0xC580];
	_ =	sdelay $0x3  }
0x5c: {  	v6 =	vor.u32 s10, v1;
	s26 =	simm.s32 $0x10  }
0x5d: {  	v2 =	vld [tilespmem:s26+$0x0];
	vm0 =	veq.s32 v4, v6;
	vm1 =	vne.s32 v5, v3  }
0x5e: {  	v3 =	vld [tilespmem:s26+$0x2780];
	vm2 =	vlt.s32 v5, $0x2710;
	vm0 =	vmand vm1, vm0  }
0x5f: {  	v4 =	vld [tilespmem:s26+$0xC580];
	v6 =	vnsel vm2, $0x0, v5;
	vm0 =	vmand vm2, vm0  }
0x60: {  	s29 =	simm.s32 $0x80;
	s30 =	smov.u32 s10;
	[tilespmem:s28+$0x9E00] =	vst v6;
	v5 =	vsel vm0, $0x3F800000, v0  }
.LBB2_4:
0x61: {  	s30 =	sadd.s32 $0x10, s30  }
0x62: {  	[tilespmem:s28+$0x7680] =	vst v5;
	v5 =	vmov v2;
	s28 =	smov.u32 s26;
	s26 =	sshra.s32 s29, $0x2;
	p0 =	sne.s32 s29, $0x9D40  }
.Ltmp1:
0x63: {  	v2 =	vld [tilespmem:s26+$0x0];
	v6 =	vor.u32 s30, v1;
	(pc) =	sbr.rel @p0 .LBB2_4-.Ltmp1, $4  }
0x64: {  	s29 =	sadd.s32 $0x40, s29;
	vm1 =	vne.s32 v5, v3;
	vm0 =	veq.s32 v4, v6;
	v3 =	vld [tilespmem:s26+$0x2780]  }
0x65: {  	vm2 =	vlt.s32 v5, $0x2710;
	v4 =	vld [tilespmem:s26+$0xC580];
	vm0 =	vmand vm1, vm0  }
0x66: {  	v6 =	vnsel vm2, $0x0, v5;
	vm0 =	vmand vm2, vm0  }
0x67: {  	v5 =	vsel vm0, $0x3F800000, v0;
	[tilespmem:s28+$0x9E00] =	vst v6  }
0x68: {  	s29 =	sadd.s32 $0x10, s30  }
0x69: {  	v6 =	vor.u32 s29, v1  }
0x6a: {  	vm1 =	vne.s32 v2, v3;
	vm0 =	veq.s32 v4, v6  }
0x6b: {  	vm15 =	vlt.s32 v2, $0x2710;
	vm0 =	vmand vm1, vm0  }
0x6c: {  	[tilespmem:s28+$0x7680] =	vst v5;
	v2 =	vnsel vm15, $0x0, v2;
	vm0 =	vmand vm15, vm0  }
0x6d: {  	[tilespmem:s26+$0x9E00] =	vst v2;
	v3 =	vsel vm0, $0x3F800000, v0  }
0x6e: {  	[tilespmem:s26+$0x7680] =	vst v3  }
0x6f: {  	[spmem:s2] =	stream.indirect.scatter.add.f32 [tilespmem:s21], [sflag:$0x2], $0x1, s20, s15, $0xb8;
	[tilespmem:$0xF200] =	vst v63  }
0x70: {  	_ =	swait.ge [sflag:s13], $0x2760  }
0x71: {  	s25 =	sadd.s32 $0x1, s25;
	[sflag:s13] =	ssyncset.done $0x0  }
0x72: {  	p0 =	sne.s32 s25, s9;
	[sflag:s13] =	ssyncadd.s32 $0xFFFFD8A0  }
.Ltmp2:
0x73: {  	s31 =	sshrl.u32 s7, $0x3;
	[bflag:$0x0] =	sbarrier.arrive $0xFFFF;
	(pc) =	sbr.rel @p0 .LBB2_1-.Ltmp2, $4  }
0x74: {  	[hbm:s8@s23], [sflag:s22] =	dma.strided [spmem:s31@s24], $0x50, s19, $0x10   }
0x75: {  	_ =	swait.ge [sflag:s13], $0x50  }
0x76: {  	[sflag:s13] =	ssyncset.done $0x0  }
0x77: {  	[sflag:s13] =	ssyncadd.s32 $0xFFFFFFB0  }
0x78: {  	_ =	sfence.sel $0x180000  }
0x79: {  	[bflag:$0x0] =	sbarrier.arrive $0xFFFF  }
0x7a: {  	p0 =	sne.s32 s0, $0x0;
	_ =	strace $0x9000004A  }
0x7b: {  	s0 =	sadd.s32 @!p0 $0x100000, s1;
	[bflag:$0x2] =	sbarrier.arrive $0xFFFF  }
0x7c: {  	[sflag:s0] =	ssyncadd.tile.s32 @!p0 $0x1;
	_ =	shalt  }
.Lfunc_end2:
_tile_overlayer_lowered:
.L_overlay_start_2:
0x7d: {  	(tag) =	ssettag $0x2  }
0x7e: {  	s0 =	rddreg [dreg:$0x0];
	s2 =	stileid.u32  }
0x7f: {  	s1 =	rddreg [dreg:$0x1];
	p0 =	sne.s32 s2, $0x0  }
0x80: {  	s3 =	rddreg [dreg:$0x2];
	[bflag:$0x3] =	sbarrier.arrive $0xFFFF;
	s2 =	simm.s32 @!p0 $0x1C02  }
0x81: {  	[timem:s3], [sflag:s2] =	dma.local @!p0 [hbm:s0], s1  }
0x82: {  	s0 =	simm.s32 @!p0 $0x2  }
0x83: {  	_ =	swait.ge @!p0 [sflag:s0], s1  }
0x84: {  	s1 =	ssub.s32 @!p0 $0x0, s1;
	[sflag:s0] =	ssyncset.done @!p0 $0x0  }
0x85: {  	[sflag:s0] =	ssyncadd.s32 @!p0 s1  }
0x86: {  	[bflag:$0x3] =	sbarrier.arrive $0xFFFF  }
0x87: {  	_ =	shalt  }

// kernel: kernel.13.cloned.1.call-start
scs
__scs_entry_jumppad:
0x0: {  	(pc) =	sbr.rel $0x88, $3  }
0x1: {  	(tag) =	ssettag $0x0;
	lr =	simm.s32 $0x1  }
0x2: {  	[smem:$0x3F9A] =	sst lr;
	_ =	strace $0xD0000000  }
0x3: {  	_ = 	snop  }
0x4: {  	_ = 	snop  }
0x5: {  	_ = 	snop  }
0x6: {  	_ = 	snop  }
0x7: {  	_ = 	snop  }
__scs_overlays_trampoline_lowered:
0x8: {  	[smem:$0x3FA9] =	sst s0  }
0x9: {  	[smem:$0x3FAA] =	sst s1  }
0xa: {  	[smem:$0x3FAB] =	sst s2  }
0xb: {  	[smem:$0x3FAC] =	sst s3  }
0xc: {  	[smem:$0x3FAD] =	sst s4  }
0xd: {  	[smem:$0x3FAE] =	sst s5  }
0xe: {  	[smem:$0x3FAF] =	sst s6  }
0xf: {  	[smem:$0x3FB0] =	sst s7  }
0x10: {  	[smem:$0x3FB1] =	sst s8  }
0x11: {  	[smem:$0x3FB2] =	sst s9;
	s0 =	simm.s32 @!p0 $0x0  }
0x12: {  	s1 =	sld [smem:$0x3F98];
	s0 =	simm.s32 @p0 $0x1  }
0x13: {  	[smem:$0x3FB3] =	sst s0;
	s0 =	simm.s32 @!p1 $0x0  }
0x14: {  	s2 =	sld [smem:$0x3F97];
	s0 =	simm.s32 @p1 $0x1  }
0x15: {  	[smem:$0x3FB4] =	sst s0;
	s0 =	simm.s32 @!p2 $0x0  }
0x16: {  	s3 =	sld [smem:$0x3FDB];
	s0 =	simm.s32 @p2 $0x1  }
0x17: {  	s4 =	simm.s32 $0x1BF5;
	[smem:$0x3FB6] =	sst s0  }
0x18: {  	s0 =	sld [smem:$0x3F99];
	_ =	swait.ge [sflag:s4], $0x0  }
0x19: {  	s7 =	sld [smem:$0x3F9A]  }
0x1a: {  	s8 =	sadd.s32 $0xFFFFE003, lr  }
0x1b: {  	s9 =	sadd.s32 $0xFFFFFEF7, lr;
	s5 =	simm.s32 $0xFFFFFFFF;
	p2 =	slt.u32 s8, $0xFFFFF086  }
0x1c: {  	p1 =	slt.u32 s9, $0xF7A;
	s5 =	simm.s32 @!p2 $0x0  }
0x1d: {  	s5 =	simm.s32 @p1 $0x1;
	p0 =	seq.s32 s7, s2  }
0x1e: {  	s7 =	smul.u32 @!p0 $0xF7A, s2;
	p2 =	seq.s32 @!p0 s5, $0x0  }
0x1f: {  	s9 =	smul.u32 $0xF7A, s1;
	s8 =	simm.s32 @!p0 $0x1BF5;
	p2 =	por !p2, p0  }
0x20: {  	[sflag:s8] =	ssyncset.s32 @!p0 $0xFFFFF086;
	s6 =	sadd.s32 @!p0 s3, s7;
	s7 =	simm.s32 @!p0 $0x108  }
0x21: {  	s3 =	sadd.s32 s3, s9;
	s6 =	sadd.s32 @!p0 $0x88, s6;
	s7 =	simm.s32 @p2 $0x1082  }
0x22: {  	[simem:s7], [sflag:s8] =	dma.local @!p0 [hbm:s6], $0xF7A  }
0x23: {  	s9 =	sor.u32 $0xD0000000, s2;
	s6 =	simm.s32 $0x108;
	_ =	swait.ge @!p0 [sflag:s8], $0x0  }
0x24: {  	s3 =	sadd.s32 $0x88, s3;
	s6 =	simm.s32 @!p1 $0x1082;
	[sflag:s4] =	ssyncset.s32 $0xFFFFF086  }
0x25: {  	[simem:s6], [sflag:s4] =	dma.local [hbm:s3], $0xF7A  }
0x26: {  	[smem:$0x3F9A] =	sst s1;
	(tag) =	ssettag s2;
	_ =	strace s9  }
0x27: {  	s1 =	sld [smem:$0x3FAA]  }
0x28: {  	s2 =	sld [smem:$0x3FAB]  }
0x29: {  	s4 =	sld [smem:$0x3FAD]  }
0x2a: {  	p0 =	seq.s32 s5, $0x0;
	s5 =	sld [smem:$0x3FAE]  }
0x2b: {  	s6 =	sld [smem:$0x3FAF]  }
0x2c: {  	s7 =	sld [smem:$0x3FB0]  }
0x2d: {  	s3 =	simm.s32 $0x108;
	s8 =	sld [smem:$0x3FB1]  }
0x2e: {  	s3 =	simm.s32 @!p0 $0x1082;
	s9 =	sld [smem:$0x3FB2]  }
0x2f: {  	lr =	sadd.s32 s0, s3;
	s0 =	sld [smem:$0x3FA9]  }
0x30: {  	s3 =	sld [smem:$0x3FAC]  }
0x31: {  	[smem:$0x3FB5] =	sst s10  }
0x32: {  	s10 =	sld [smem:$0x3FB3];
	_ =	sdelay $0x3  }
0x33: {  	p0 =	seq.s32 s10, $0x1;
	s10 =	sld [smem:$0x3FB5];
	_ =	sdelay $0x3  }
0x34: {  	[smem:$0x3FB5] =	sst s10  }
0x35: {  	s10 =	sld [smem:$0x3FB4];
	_ =	sdelay $0x3  }
0x36: {  	p1 =	seq.s32 s10, $0x1;
	s10 =	sld [smem:$0x3FB5];
	_ =	sdelay $0x3  }
0x37: {  	[smem:$0x3FB5] =	sst s10  }
0x38: {  	s10 =	sld [smem:$0x3FB6]  }
0x39: {  	_ = 	snop;
	(pc) =	sbr.ind lr, $3  }
0x3a: {  	_ = 	snop  }
0x3b: {  	_ = 	snop  }
0x3c: {  	p2 =	seq.s32 s10, $0x1;
	s10 =	sld [smem:$0x3FB5]  }
0x3d: {  	_ =	shalt  }
0x3e: {  	_ =	shalt  }
0x3f: {  	_ =	shalt  }
0x40: {  	_ =	shalt  }
0x41: {  	_ =	shalt  }
0x42: {  	_ =	shalt  }
0x43: {  	_ =	shalt  }
0x44: {  	_ =	shalt  }
0x45: {  	_ =	shalt  }
0x46: {  	_ =	shalt  }
0x47: {  	_ =	shalt  }
0x48: {  	_ =	shalt  }
0x49: {  	_ =	shalt  }
0x4a: {  	_ =	shalt  }
0x4b: {  	_ =	shalt  }
0x4c: {  	_ =	shalt  }
0x4d: {  	_ =	shalt  }
0x4e: {  	_ =	shalt  }
0x4f: {  	_ =	shalt  }
0x50: {  	_ =	shalt  }
0x51: {  	_ =	shalt  }
0x52: {  	_ =	shalt  }
0x53: {  	_ =	shalt  }
0x54: {  	_ =	shalt  }
0x55: {  	_ =	shalt  }
0x56: {  	_ =	shalt  }
0x57: {  	_ =	shalt  }
0x58: {  	_ =	shalt  }
0x59: {  	_ =	shalt  }
0x5a: {  	_ =	shalt  }
0x5b: {  	_ =	shalt  }
0x5c: {  	_ =	shalt  }
0x5d: {  	_ =	shalt  }
0x5e: {  	_ =	shalt  }
0x5f: {  	_ =	shalt  }
0x60: {  	_ =	shalt  }
0x61: {  	_ =	shalt  }
0x62: {  	_ =	shalt  }
0x63: {  	_ =	shalt  }
0x64: {  	_ =	shalt  }
0x65: {  	_ =	shalt  }
0x66: {  	_ =	shalt  }
0x67: {  	_ =	shalt  }
0x68: {  	_ =	shalt  }
0x69: {  	_ =	shalt  }
0x6a: {  	_ =	shalt  }
0x6b: {  	_ =	shalt  }
0x6c: {  	_ =	shalt  }
0x6d: {  	_ =	shalt  }
0x6e: {  	_ =	shalt  }
0x6f: {  	_ =	shalt  }
0x70: {  	_ =	shalt  }
0x71: {  	_ =	shalt  }
0x72: {  	_ =	shalt  }
0x73: {  	_ =	shalt  }
0x74: {  	_ =	shalt  }
0x75: {  	_ =	shalt  }
0x76: {  	_ =	shalt  }
0x77: {  	_ =	shalt  }
0x78: {  	_ =	shalt  }
0x79: {  	_ =	shalt  }
0x7a: {  	_ =	shalt  }
0x7b: {  	_ =	shalt  }
0x7c: {  	_ =	shalt  }
0x7d: {  	_ =	shalt  }
0x7e: {  	_ =	shalt  }
0x7f: {  	_ =	shalt  }
0x80: {  	_ =	shalt  }
0x81: {  	_ =	shalt  }
0x82: {  	_ =	shalt  }
0x83: {  	_ =	shalt  }
0x84: {  	_ =	shalt  }
0x85: {  	_ =	shalt  }
0x86: {  	_ =	shalt  }
0x87: {  	_ =	shalt  }
.Lfunc_end0:
.L_simem_size_0:
called_computation.2_lowered:
.L_overlay_start_0:
0x88: {  	s2 =	sld [smem:$0x3FD9]  }
0x89: {  	s3 =	sld [smem:$0x3FFE];
	_ =	sdelay $0x1  }
0x8a: {  	s1 =	srdreg.scid  }
0x8b: {  	s0 =	sand.u32 $0x1, s1  }
0x8c: {  	s17 =	sshll.u32 s0, $0xA;
	s2 =	sadd.s32 s3, s2  }
0x8d: {  	s2 =	sadd.s32 s2, s17  }
0x8e: {  	[smem:$0x3FC1] =	sst s2  }
0x8f: {  	_ = 	snop  }
0x90: {  	s2 =	sld [smem:$0x3FD0];
	(tm) =	ssettm $0x1  }
0x91: {  	s18 =	sld [smem:$0x3FFB];
	_ =	sdelay $0x3  }
0x92: {  	_ =	strace s18  }
0x93: {  	s3 =	sld [smem:$0x3FFC];
	_ =	sdelay $0x3  }
0x94: {  	_ =	strace s3  }
0x95: {  	s3 =	sld [smem:$0x3FFD];
	_ =	sdelay $0x3  }
0x96: {  	_ =	strace s3  }
0x97: {  	_ =	strace $0x8FFFFFFF  }
0x98: {  	s19 =	sld [smem:$0x3FDB];
	_ =	sdelay $0x1  }
0x99: {  	s4 =	simm.s32 $_scs_section_size  }
0x9a: {  	s5 =	simm.s32 $_size__tile_overlayer_lowered;
	s6 =	simm.s32 $_tile_overlayer_lowered  }
0x9b: {  	s22 =	simm.s32 $0x1BFF;
	s21 =	sshll.u32 s6, $0x1;
	s3 =	sadd.s32 s4, s19  }
0x9c: {  	s7 =	simm.s32 $0x0;
	s20 =	sshll.u32 s5, $0x1;
	s5 =	sadd.s32 s21, s3  }
0x9d: {  	[timem:s7], [sflag:s22] =	dma.local [hbm:s5], s20  }
0x9e: {  	_ =	swait.ge [sflag:s22], s20  }
0x9f: {  	s4 =	ssub.s32 $0x0, s20;
	[sflag:s22] =	ssyncset.done $0x0  }
0xa0: {  	[sflag:s22] =	ssyncadd.s32 s4;
	_ =	sdelay $0x1  }
0xa1: {  	s23 =	simm.s32 $0x1B8B  }
0xa2: {  	_ =	swait.ge [sflag:s23], $0x1  }
0xa3: {  	[sflag:s23] =	ssyncset.done $0x0  }
0xa4: {  	s25 =	simm.s32 $0x1B8E;
	s24 =	sld [smem:$0x3FFE];
	[sflag:s23] =	ssyncadd.s32 $0xFFFFFFFF  }
0xa5: {  	s26 =	simm.s32 $execute0_lowered;
	[smem:$0x3FD2] =	sst s25  }
0xa6: {  	s5 =	sshll.u32 s26, $0x1;
	_ =	strace $0x8000004C;
	[dreg:$0x1] =	wrdreg $0xFFFFFFFF  }
0xa7: {  	s28 =	simm.s32 $_size_execute0_lowered;
	s3 =	sadd.s32 s3, s5;
	[dreg:$0x0] =	wrdreg $0x0  }
0xa8: {  	s5 =	sshll.u32 s28, $0x1;
	[dreg:$0x2] =	wrdreg s3  }
0xa9: {  	[dreg:$0x3] =	wrdreg s5  }
0xaa: {  	[dreg:$0x4] =	wrdreg $0xC0  }
0xab: {  	_ =	task [dreg:s7], $0x5FFFF  }
0xac: {  	[dreg:$0x1] =	wrdreg $0xFFFFFFFF  }
0xad: {  	[dreg:$0x0] =	wrdreg $0x60  }
0xae: {  	[dreg:$0x2] =	wrdreg s24  }
0xaf: {  	[dreg:$0x3] =	wrdreg s2  }
0xb0: {  	[dreg:$0x4] =	wrdreg $0x99000  }
0xb1: {  	[dreg:$0x5] =	wrdreg $0x9  }
0xb2: {  	_ =	task.clear_ibuf [dreg:s7], $0x6FFFF;
	_ =	strace $0x9000004C  }
0xb3: {  	s29 =	simm.s32 $0x9;
	_ =	strace $0x8000004E  }
0xb4: {  	_ =	swait.ge [sflag:s29], $0x1  }
0xb5: {  	[sflag:s29] =	ssyncadd.s32 $0xFFFFFFFF  }
0xb6: {  	_ =	strace $0x9000004E  }
0xb7: {  	_ =	sfence  }
0xb8: {  	s30 =	sld [smem:$0x0];
	_ =	sdelay $0x2  }
0xb9: {  	s31 =	sshll.u32 s1, $0xD;
	s1 =	sshrl.u32 s1, $0x2  }
0xba: {  	s3 =	sand.u32 $0x4000, s31;
	s1 =	sadd.s32 s1, s30  }
0xbb: {  	s0 =	sor.u32 s3, s0;
	s1 =	sshll.u32 s1, $0x11  }
0xbc: {  	s0 =	sor.u32 s1, s0  }
0xbd: {  	s0 =	sadd.s32 $0x8F2B, s0  }
0xbe: {  	[sflag:s0] =	ssyncadd.remote.s32 $0x1  }
0xbf: {  	_ =	sfence.sel $0xFFFF  }
0xc0: {  	[dreg:$0x0] =	wrdreg $0xFFFFFFFF;
	(pc) =	sbr.abs _section_cstart, $3  }
0xc1: {  	[dreg:$0x1] =	wrdreg $0xFFFFFFFF  }
0xc2: {  	_ =	task.clear_ibuf [dreg:s7], $0x2FFFF;
	_ =	strace $0x9FFFFFFF  }
0xc3: {  	(tm) =	ssettm $0x7FFFFFFF  }
tec
execute0_lowered:
.L_overlay_start_1:
0x0: {  	(tag) =	ssettag $0x1  }
0x1: {  	s0 =	rddreg [dreg:$0x0]  }
0x2: {  	s2 =	rddreg [dreg:$0x1];
	s1 =	srdreg.scid  }
0x3: {  	s12 =	stileid.u32;
	s3 =	rddreg [dreg:$0x2]  }
0x4: {  	s4 =	simm.s32 $0x0;
	s28 =	simm.s32 $0x60;
	s29 =	simm.s32 $0x1  }
0x5: {  	s30 =	simm.s32 $0x2;
	s31 =	simm.s32 $0x0;
	s1 =	sand.u32 $0x1, s1  }
0x6: {  	s5 =	sshll.u32 s12, $0x1;
	[smem:$0x7FF] =	sst s4;
	s9 =	smul.u32 $0x4F000, s12  }
0x7: {  	s6 =	sadd.s32 $0xC1AA00, s0;
	s14 =	smul.u32 $0x13C00, s12;
	s5 =	sor.u32 s1, s5  }
0x8: {  	_ =	strace $0x8000004D;
	s8 =	ssub.s32 $0x2, s1;
	s1 =	smul.u32 $0x13C000, s1  }
0x9: {  	s5 =	smul.u32 $0x3800, s5;
	s11 =	sshrl.u32 s8, $0x1;
	s13 =	sshrl.u32 s9, $0x2  }
0xa: {  	s17 =	sadd.s32 $0x3000, s14;
	s18 =	sadd.s32 $0x6000, s14;
	s19 =	sadd.s32 $0x9000, s14  }
0xb: {  	s20 =	sadd.s32 $0xC000, s14;
	s21 =	sadd.s32 $0xF000, s14;
	s22 =	sadd.s32 $0x12000, s14  }
0xc: {  	s15 =	ssub.s32 s8, s11;
	s8 =	sadd.s32 s13, s3;
	s9 =	sadd.s32 s17, s3  }
0xd: {  	s11 =	sadd.s32 s19, s3;
	s13 =	sadd.s32 s21, s3;
	s16 =	sadd.s32 s14, s1  }
0xe: {  	s14 =	sadd.s32 s22, s3;
	s17 =	sadd.s32 s1, s17;
	s19 =	sadd.s32 s1, s19  }
0xf: {  	s25 =	sadd.s32 s1, s20;
	s26 =	sadd.s32 s1, s21;
	s7 =	sshrl.u32 s5, $0x3  }
0x10: {  	s16 =	sshrl.u32 s16, $0x3;
	s24 =	sshrl.u32 s19, $0x3;
	s21 =	sshrl.u32 s26, $0x3  }
0x11: {  	s26 =	simm.s32 $0x3800;
	s10 =	sadd.s32 s7, s0;
	s0 =	sadd.s32 $0x2800, s0  }
0x12: {  	s7 =	sadd.s32 s6, s7;
	s12 =	sadd.s32 $0xC0CA00, s10;
	s10 =	sadd.s32 s18, s3  }
0x13: {  	[dreg:$0x5] =	wrdreg s7;
	s7 =	sadd.s32 s0, s16;
	s18 =	sadd.s32 s1, s18  }
0x14: {  	s1 =	sadd.s32 s1, s22;
	s21 =	sadd.s32 s0, s21;
	[dreg:$0x4] =	wrdreg s12  }
0x15: {  	s12 =	sadd.s32 s20, s3;
	[dreg:$0x6] =	wrdreg s7;
	s7 =	sshrl.u32 s17, $0x3  }
0x16: {  	s18 =	sshrl.u32 s18, $0x3;
	s1 =	sshrl.u32 s1, $0x3;
	s7 =	sadd.s32 s0, s7  }
0x17: {  	s23 =	sadd.s32 s0, s18;
	[dreg:$0x7] =	wrdreg s7;
	s7 =	sadd.s32 s0, s24  }
0x18: {  	s22 =	sadd.s32 s0, s1;
	[dreg:$0x9] =	wrdreg s7;
	s7 =	sshrl.u32 s25, $0x3  }
0x19: {  	v1 =	vlaneseq.u32;
	[dreg:$0x8] =	wrdreg s23;
	s23 =	smax.u32 s15, $0x1;
	s7 =	sadd.s32 s0, s7  }
0x1a: {  	v0 =	vimm.f32 $0.0e+00;
	v1 =	vor.u32 $0x2710, v1;
	s24 =	simm.s32 $0x3;
	s25 =	simm.s32 $0x3900;
	[dreg:$0xa] =	wrdreg s7  }
.LBB2_1:
0x1b: {  	s0 =	rddreg [dreg:$0x4]  }
0x1c: {  	[tilespmem:s4], [sflag:$0x3] =	stream.linear.gather [hbm4b:s0+s4], $0x3480, $0x38;
	[tilespmem:$0x1D500] =	vst v63  }
0x1d: {  	_ =	swait.ge [sflag:s24], $0x3480  }
0x1e: {  	[sflag:s24] =	ssyncset.done $0x0  }
0x1f: {  	s1 =	simm.s32 $0x3C0;
	s0 =	simm.s32 $0x70;
	[sflag:s24] =	ssyncadd.s32 $0xFFFFCB80  }
.LBB2_2:
0x20: {  	p0 =	sne.s32 s1, $0xBFC0;
	[tilespmem:s0+$0x3900] =	vst v0  }
0x21: {  	[tilespmem:s0+$0x3890] =	vst v0  }
0x22: {  	[tilespmem:s0+$0x38A0] =	vst v0  }
.Ltmp0:
0x23: {  	[tilespmem:s0+$0x38B0] =	vst v0;
	(pc) =	sbr.rel @p0 .LBB2_2-.Ltmp0, $4  }
0x24: {  	[tilespmem:s0+$0x38C0] =	vst v0  }
0x25: {  	[tilespmem:s0+$0x38D0] =	vst v0  }
0x26: {  	[tilespmem:s0+$0x38E0] =	vst v0  }
0x27: {  	[tilespmem:s0+$0x38F0] =	vst v0;
	s0 =	sshra.s32 s1, $0x2;
	s1 =	sadd.s32 $0x200, s1  }
0x28: {  	[tilespmem:s0+$0x3900] =	vst v0  }
0x29: {  	[tilespmem:s0+$0x3890] =	vst v0  }
0x2a: {  	[tilespmem:s0+$0x38A0] =	vst v0  }
0x2b: {  	[tilespmem:s0+$0x38B0] =	vst v0  }
0x2c: {  	[tilespmem:s0+$0x38C0] =	vst v0  }
0x2d: {  	[tilespmem:s0+$0x38D0] =	vst v0  }
0x2e: {  	[tilespmem:s0+$0x38E0] =	vst v0  }
0x2f: {  	[tilespmem:s0+$0x38F0] =	vst v0  }
0x30: {  	[spmem:s8] =	stream.linear.scatter [tilespmem:s25], [sflag:$0x3], $0x3000, $0x38;
	[tilespmem:$0x1D500] =	vst v63  }
0x31: {  	_ =	swait.ge [sflag:s24], $0x3000  }
0x32: {  	[sflag:s24] =	ssyncset.done $0x0  }
0x33: {  	[sflag:s24] =	ssyncadd.s32 $0xFFFFD000  }
0x34: {  	[spmem:s9] =	stream.linear.scatter [tilespmem:s25], [sflag:$0x3], $0x3000, $0x38;
	[tilespmem:$0x1D500] =	vst v63  }
0x35: {  	_ =	swait.ge [sflag:s24], $0x3000  }
0x36: {  	[sflag:s24] =	ssyncset.done $0x0  }
0x37: {  	[sflag:s24] =	ssyncadd.s32 $0xFFFFD000  }
0x38: {  	[spmem:s10] =	stream.linear.scatter [tilespmem:s25], [sflag:$0x3], $0x3000, $0x38;
	[tilespmem:$0x1D500] =	vst v63  }
0x39: {  	_ =	swait.ge [sflag:s24], $0x3000  }
0x3a: {  	[sflag:s24] =	ssyncset.done $0x0  }
0x3b: {  	[sflag:s24] =	ssyncadd.s32 $0xFFFFD000  }
0x3c: {  	[spmem:s11] =	stream.linear.scatter [tilespmem:s25], [sflag:$0x3], $0x3000, $0x38;
	[tilespmem:$0x1D500] =	vst v63  }
0x3d: {  	_ =	swait.ge [sflag:s24], $0x3000  }
0x3e: {  	[sflag:s24] =	ssyncset.done $0x0  }
0x3f: {  	[sflag:s24] =	ssyncadd.s32 $0xFFFFD000  }
0x40: {  	[spmem:s12] =	stream.linear.scatter [tilespmem:s25], [sflag:$0x3], $0x3000, $0x38;
	[tilespmem:$0x1D500] =	vst v63  }
0x41: {  	_ =	swait.ge [sflag:s24], $0x3000  }
0x42: {  	[sflag:s24] =	ssyncset.done $0x0  }
0x43: {  	[sflag:s24] =	ssyncadd.s32 $0xFFFFD000  }
0x44: {  	[spmem:s13] =	stream.linear.scatter [tilespmem:s25], [sflag:$0x3], $0x3000, $0x38;
	[tilespmem:$0x1D500] =	vst v63  }
0x45: {  	_ =	swait.ge [sflag:s24], $0x3000  }
0x46: {  	[sflag:s24] =	ssyncset.done $0x0  }
0x47: {  	[sflag:s24] =	ssyncadd.s32 $0xFFFFD000  }
0x48: {  	[spmem:s14] =	stream.linear.scatter [tilespmem:s25], [sflag:$0x3], $0x1C00, $0x38;
	[tilespmem:$0x1D500] =	vst v63  }
0x49: {  	_ =	swait.ge [sflag:s24], $0x1C00  }
0x4a: {  	[sflag:s24] =	ssyncset.done $0x0  }
0x4b: {  	[sflag:s24] =	ssyncadd.s32 $0xFFFFE400  }
0x4c: {  	[bflag:$0x0] =	sbarrier.arrive $0xFFFF  }
0x4d: {  	s15 =	rddreg [dreg:$0x5]  }
0x4e: {  	[tilespmem:s26], [sflag:$0x3] =	stream.linear.gather [hbm4b:s15+s4], $0x80, $0x38;
	[tilespmem:$0x1D500] =	vst v63  }
0x4f: {  	_ =	swait.ge [sflag:s24], $0x80  }
0x50: {  	[sflag:s24] =	ssyncset.done $0x0  }
0x51: {  	[sflag:s24] =	ssyncadd.s32 $0xFFFFFF80  }
0x52: {  	v2 =	vld [tilespmem:$0x3800]  }
0x53: {  	v3 =	vld [tilespmem:$0x3810]  }
0x54: {  	v4 =	vld [tilespmem:$0x3820]  }
0x55: {  	v5 =	vld [tilespmem:$0x3830]  }
0x56: {  	v6 =	vld [tilespmem:$0x3840]  }
0x57: {  	v7 =	vld [tilespmem:$0x3850];
	vm0 =	vlt.s32 v2, $0x2710  }
0x58: {  	vm11 =	vlt.s32 v3, $0x2710;
	v2 =	vsel vm0, v2, v1  }
0x59: {  	vm12 =	vlt.s32 v4, $0x2710;
	[tilespmem:$0x3800] =	vst v2;
	v2 =	vsel vm11, v3, v1  }
0x5a: {  	s16 =	simm.s32 $0x1;
	vm13 =	vlt.s32 v5, $0x2710;
	[tilespmem:$0x3810] =	vst v2;
	v2 =	vsel vm12, v4, v1  }
0x5b: {  	s0 =	simm.s32 $0x80;
	s1 =	sand.u32 $0x1, s16;
	vm14 =	vlt.s32 v6, $0x2710;
	[tilespmem:$0x3820] =	vst v2;
	v2 =	vsel vm13, v5, v1  }
0x5c: {  	s7 =	smul.u32 $0xC000, s1;
	s15 =	sand.u32 $0x7C00, s0;
	vm15 =	vlt.s32 v7, $0x2710;
	[tilespmem:$0x3830] =	vst v2;
	v2 =	vsel vm14, v6, v1  }
0x5d: {  	s17 =	simm.s32 $0x0;
	s16 =	sand.u32 $0x380, s0;
	s15 =	sadd.s32 s5, s15;
	[tilespmem:$0x3840] =	vst v2;
	v2 =	vsel vm15, v7, v1  }
0x5e: {  	s1 =	sshll.u32 s1, $0x7;
	s7 =	sshrl.u32 s7, $0x2;
	s15 =	sor.u32 s16, s15;
	[tilespmem:$0x3850] =	vst v2  }
0x5f: {  	[tilespmem:s25], [sflag:$0x1] =	stream.indirect.gather [hbm4b:s2+s28], $0x80, s4, s28, $0xb8;
	[tilespmem:$0x1D500] =	vst v63  }
0x60: {  	s7 =	sadd.s32 $0x3900, s7;
	s16 =	sand.u32 $0x1, s17;
	s15 =	sshrl.u32 s15, $0x3  }
0x61: {  	[tilespmem:s7], [sflag:$0x1] =	stream.indirect.gather [hbm4b:s2+s28], $0x80, s0, s28, $0xb8;
	[tilespmem:$0x1D500] =	vst v63  }
0x62: {  	s18 =	sor.u32 $0x3800, s1;
	s17 =	smul.u32 $0xC000, s16;
	s15 =	sadd.s32 s6, s15  }
0x63: {  	[tilespmem:s18], [sflag:$0x2] =	stream.linear.gather [hbm4b:s15+s4], $0x80, $0x38;
	[tilespmem:$0x1D500] =	vst v63  }
0x64: {  	_ =	swait.ge [sflag:s29], $0x3000  }
0x65: {  	s20 =	sshll.u32 s16, $0x7;
	s19 =	sshrl.u32 s17, $0x2;
	[sflag:s29] =	ssyncset.done $0x0  }
0x66: {  	s7 =	sadd.s32 $0x3900, s19;
	s15 =	sor.u32 $0x3800, s20;
	[sflag:s29] =	ssyncadd.s32 $0xFFFFD000  }
0x67: {  	[spmem:s3] =	stream.indirect.scatter.add.f32 [tilespmem:s7], [sflag:$0x3], $0x80, s15, s28, $0xb8;
	[tilespmem:$0x1D500] =	vst v63  }
0x68: {  	_ =	swait.ge [sflag:s24], $0x3000  }
0x69: {  	[sflag:s24] =	ssyncset.done $0x0  }
0x6a: {  	[sflag:s24] =	ssyncadd.s32 $0xFFFFD000  }
0x6b: {  	_ =	swait.ge [sflag:s30], $0x80  }
0x6c: {  	[sflag:s30] =	ssyncset.done $0x0  }
0x6d: {  	[sflag:s30] =	ssyncadd.s32 $0xFFFFFF80  }
0x6e: {  	v4 =	vld [tilespmem:s1+$0x3820]  }
0x6f: {  	v3 =	vld [tilespmem:s1+$0x3810]  }
0x70: {  	s7 =	simm.s32 $0x2;
	s15 =	simm.s32 $0x80;
	v2 =	vld [tilespmem:s1+$0x3850]  }
.LBB2_4:
0x71: {  	p0 =	sne.s32 s7, $0x68;
	v5 =	vld [tilespmem:s1+$0x3830];
	s0 =	sadd.s32 $0x80, s0;
	s15 =	sadd.s32 $0x80, s15  }
0x72: {  	s16 =	sand.u32 $0x1, s7;
	s17 =	smov.u32 s7;
	s7 =	sadd.s32 $0x1, s7;
	v6 =	vld [tilespmem:s1+$0x3840]  }
0x73: {  	s18 =	smul.u32 $0xC000, s16;
	v7 =	vld [tilespmem:s1+$0x3800];
	vm0 =	vlt.s32 v4, $0x2710  }
0x74: {  	s19 =	sand.u32 $0x7C00, s15;
	vm1 =	vlt.s32 v3, $0x2710;
	v4 =	vsel vm0, v4, v1  }
0x75: {  	s20 =	sand.u32 $0x380, s15;
	s19 =	sadd.s32 s5, s19;
	s18 =	sshrl.u32 s18, $0x2;
	v3 =	vsel vm1, v3, v1;
	[tilespmem:s1+$0x3820] =	vst v4;
	vm0 =	vlt.s32 v2, $0x2710  }
0x76: {  	s19 =	sor.u32 s20, s19;
	s18 =	sadd.s32 $0x3900, s18;
	[tilespmem:s1+$0x3810] =	vst v3;
	vm1 =	vlt.s32 v5, $0x2710;
	v2 =	vsel vm0, v2, v1  }
0x77: {  	s16 =	sshll.u32 s16, $0x7;
	s19 =	sshrl.u32 s19, $0x3;
	v3 =	vsel vm1, v5, v1;
	vm0 =	vlt.s32 v6, $0x2710;
	[tilespmem:s1+$0x3850] =	vst v2  }
0x78: {  	vm1 =	vlt.s32 v7, $0x2710;
	[tilespmem:s1+$0x3830] =	vst v3;
	v2 =	vsel vm0, v6, v1  }
0x79: {  	s17 =	sadd.s32 $0xFFFFFFFF, s17;
	v3 =	vsel vm1, v7, v1;
	[tilespmem:s1+$0x3840] =	vst v2  }
0x7a: {  	s17 =	sand.u32 $0x1, s17;
	[tilespmem:s1+$0x3800] =	vst v3;
	s1 =	smov.u32 s16  }
0x7b: {  	[tilespmem:s18], [sflag:$0x1] =	stream.indirect.gather [hbm4b:s2+s28], $0x80, s0, s28, $0xb8;
	[tilespmem:$0x1D500] =	vst v63  }
0x7c: {  	s16 =	sor.u32 $0x3800, s1;
	s18 =	sadd.s32 s6, s19;
	s19 =	smul.u32 $0xC000, s17  }
0x7d: {  	[tilespmem:s16], [sflag:$0x2] =	stream.linear.gather [hbm4b:s18+s4], $0x80, $0x38;
	[tilespmem:$0x1D500] =	vst v63  }
0x7e: {  	_ =	swait.ge [sflag:s29], $0x3000  }
0x7f: {  	s17 =	sshll.u32 s17, $0x7;
	s16 =	sshrl.u32 s19, $0x2;
	[sflag:s29] =	ssyncset.done $0x0  }
0x80: {  	s17 =	sor.u32 $0x3800, s17;
	s16 =	sadd.s32 $0x3900, s16;
	[sflag:s29] =	ssyncadd.s32 $0xFFFFD000  }
0x81: {  	[spmem:s3] =	stream.indirect.scatter.add.f32 [tilespmem:s16], [sflag:$0x3], $0x80, s17, s28, $0xb8;
	[tilespmem:$0x1D500] =	vst v63  }
0x82: {  	_ =	swait.ge [sflag:s24], $0x3000  }
0x83: {  	[sflag:s24] =	ssyncset.done $0x0  }
0x84: {  	[sflag:s24] =	ssyncadd.s32 $0xFFFFD000  }
0x85: {  	_ =	swait.ge [sflag:s30], $0x80  }
.Ltmp1:
0x86: {  	[sflag:s30] =	ssyncset.done $0x0;
	(pc) =	sbr.rel @p0 .LBB2_4-.Ltmp1, $4  }
0x87: {  	[sflag:s30] =	ssyncadd.s32 $0xFFFFFF80  }
0x88: {  	v4 =	vld [tilespmem:s1+$0x3820]  }
0x89: {  	v3 =	vld [tilespmem:s1+$0x3810]  }
0x8a: {  	v2 =	vld [tilespmem:s1+$0x3850]  }
0x8b: {  	v5 =	vld [tilespmem:s1+$0x3830]  }
0x8c: {  	v6 =	vld [tilespmem:s1+$0x3840]  }
0x8d: {  	v7 =	vld [tilespmem:s1+$0x3800];
	vm0 =	vlt.s32 v4, $0x2710  }
0x8e: {  	vm1 =	vlt.s32 v3, $0x2710;
	v4 =	vsel vm0, v4, v1  }
0x8f: {  	v3 =	vsel vm1, v3, v1;
	[tilespmem:s1+$0x3820] =	vst v4;
	vm12 =	vlt.s32 v2, $0x2710  }
0x90: {  	[tilespmem:s1+$0x3810] =	vst v3;
	vm13 =	vlt.s32 v5, $0x2710;
	v2 =	vsel vm12, v2, v1  }
0x91: {  	vm14 =	vlt.s32 v6, $0x2710;
	v3 =	vsel vm13, v5, v1;
	[tilespmem:s1+$0x3850] =	vst v2  }
0x92: {  	vm15 =	vlt.s32 v7, $0x2710;
	v2 =	vsel vm14, v6, v1;
	[tilespmem:s1+$0x3830] =	vst v3  }
0x93: {  	v3 =	vsel vm15, v7, v1;
	[tilespmem:s1+$0x3840] =	vst v2  }
0x94: {  	[tilespmem:s1+$0x3800] =	vst v3  }
0x95: {  	_ =	swait.ge [sflag:s29], $0x3000  }
0x96: {  	[sflag:s29] =	ssyncset.done $0x0  }
0x97: {  	[sflag:s29] =	ssyncadd.s32 $0xFFFFD000  }
0x98: {  	[spmem:s3] =	stream.indirect.scatter.add.f32 [tilespmem:s25], [sflag:$0x3], $0x80, s26, s28, $0xb8;
	[tilespmem:$0x1D500] =	vst v63  }
0x99: {  	_ =	swait.ge [sflag:s24], $0x3000  }
0x9a: {  	[sflag:s24] =	ssyncset.done $0x0  }
0x9b: {  	s0 =	stileid.u32;
	[sflag:s24] =	ssyncadd.s32 $0xFFFFD000  }
0x9c: {  	s0 =	sshll.u32 s0, $0x6;
	[bflag:$0x0] =	sbarrier.arrive $0xFFFF  }
0x9d: {  	s16 =	sshrl.u32 s8, $0x3;
	s0 =	sor.u32 $0x1C03, s0;
	s7 =	rddreg [dreg:$0x6]  }
0x9e: {  	[hbm:s7], [sflag:s0] =	dma.local [spmem:s16], $0x600  }
0x9f: {  	_ =	swait.ge [sflag:s24], $0x600  }
0xa0: {  	[sflag:s24] =	ssyncset.done $0x0  }
0xa1: {  	s17 =	sshrl.u32 s9, $0x3;
	s18 =	rddreg [dreg:$0x7];
	[sflag:s24] =	ssyncadd.s32 $0xFFFFFA00  }
0xa2: {  	[hbm:s18], [sflag:s0] =	dma.local [spmem:s17], $0x600  }
0xa3: {  	_ =	swait.ge [sflag:s24], $0x600  }
0xa4: {  	[sflag:s24] =	ssyncset.done $0x0  }
0xa5: {  	s19 =	sshrl.u32 s10, $0x3;
	s20 =	rddreg [dreg:$0x8];
	[sflag:s24] =	ssyncadd.s32 $0xFFFFFA00  }
0xa6: {  	[hbm:s20], [sflag:s0] =	dma.local [spmem:s19], $0x600  }
0xa7: {  	_ =	swait.ge [sflag:s24], $0x600  }
0xa8: {  	[sflag:s24] =	ssyncset.done $0x0  }
0xa9: {  	s15 =	sshrl.u32 s11, $0x3;
	s16 =	rddreg [dreg:$0x9];
	[sflag:s24] =	ssyncadd.s32 $0xFFFFFA00  }
0xaa: {  	[hbm:s16], [sflag:s0] =	dma.local [spmem:s15], $0x600  }
0xab: {  	_ =	swait.ge [sflag:s24], $0x600  }
0xac: {  	[sflag:s24] =	ssyncset.done $0x0  }
0xad: {  	s17 =	sshrl.u32 s12, $0x3;
	s18 =	rddreg [dreg:$0xa];
	[sflag:s24] =	ssyncadd.s32 $0xFFFFFA00  }
0xae: {  	[hbm:s18], [sflag:s0] =	dma.local [spmem:s17], $0x600  }
0xaf: {  	_ =	swait.ge [sflag:s24], $0x600  }
0xb0: {  	[sflag:s24] =	ssyncset.done $0x0  }
0xb1: {  	s19 =	sshrl.u32 s13, $0x3;
	[sflag:s24] =	ssyncadd.s32 $0xFFFFFA00  }
0xb2: {  	[hbm:s21], [sflag:s0] =	dma.local [spmem:s19], $0x600  }
0xb3: {  	s31 =	sadd.s32 $0x1, s31;
	_ =	swait.ge [sflag:s24], $0x600  }
0xb4: {  	p0 =	sne.s32 s31, s23;
	[sflag:s24] =	ssyncset.done $0x0  }
.Ltmp2:
0xb5: {  	s20 =	sshrl.u32 s14, $0x3;
	[sflag:s24] =	ssyncadd.s32 $0xFFFFFA00;
	(pc) =	sbr.rel @p0 .LBB2_1-.Ltmp2, $4  }
0xb6: {  	[hbm:s22], [sflag:s0] =	dma.local [spmem:s20], $0x380  }
0xb7: {  	_ =	swait.ge [sflag:s24], $0x380  }
0xb8: {  	[sflag:s24] =	ssyncset.done $0x0  }
0xb9: {  	[sflag:s24] =	ssyncadd.s32 $0xFFFFFC80  }
0xba: {  	_ =	sfence.sel $0x180000  }
0xbb: {  	[bflag:$0x0] =	sbarrier.arrive $0xFFFF  }
0xbc: {  	_ =	strace $0x9000004D  }
0xbd: {  	s0 =	stileid.u32;
	[bflag:$0x2] =	sbarrier.arrive $0xFFFF  }
0xbe: {  	p0 =	sne.s32 s0, $0x0;
	s0 =	rddreg [dreg:$0x3]  }
0xbf: {  	s0 =	sadd.s32 @!p0 $0x100000, s0  }
0xc0: {  	[sflag:s0] =	ssyncadd.tile.s32 @!p0 $0x1;
	_ =	shalt  }
.Lfunc_end2:
_tile_overlayer_lowered:
.L_overlay_start_2:
0xc1: {  	(tag) =	ssettag $0x2  }
0xc2: {  	s0 =	rddreg [dreg:$0x0];
	s2 =	stileid.u32  }
0xc3: {  	s1 =	rddreg [dreg:$0x1];
	p0 =	sne.s32 s2, $0x0  }
0xc4: {  	s3 =	rddreg [dreg:$0x2];
	[bflag:$0x3] =	sbarrier.arrive $0xFFFF;
	s2 =	simm.s32 @!p0 $0x1C03  }
0xc5: {  	[timem:s3], [sflag:s2] =	dma.local @!p0 [hbm:s0], s1  }
0xc6: {  	s0 =	simm.s32 @!p0 $0x3  }
0xc7: {  	_ =	swait.ge @!p0 [sflag:s0], s1  }
0xc8: {  	s1 =	ssub.s32 @!p0 $0x0, s1;
	[sflag:s0] =	ssyncset.done @!p0 $0x0  }
0xc9: {  	[sflag:s0] =	ssyncadd.s32 @!p0 s1  }
0xca: {  	[bflag:$0x3] =	sbarrier.arrive $0xFFFF  }
0xcb: {  	_ =	shalt  }

// kernel: kernel.7.cloned.1.call-start
scs
__scs_entry_jumppad:
0x0: {  	(pc) =	sbr.rel $0x88, $3  }
0x1: {  	(tag) =	ssettag $0x0;
	lr =	simm.s32 $0x1  }
0x2: {  	[smem:$0x3F9A] =	sst lr;
	_ =	strace $0xD0000000  }
0x3: {  	_ = 	snop  }
0x4: {  	_ = 	snop  }
0x5: {  	_ = 	snop  }
0x6: {  	_ = 	snop  }
0x7: {  	_ = 	snop  }
__scs_overlays_trampoline_lowered:
0x8: {  	[smem:$0x3FA9] =	sst s0  }
0x9: {  	[smem:$0x3FAA] =	sst s1  }
0xa: {  	[smem:$0x3FAB] =	sst s2  }
0xb: {  	[smem:$0x3FAC] =	sst s3  }
0xc: {  	[smem:$0x3FAD] =	sst s4  }
0xd: {  	[smem:$0x3FAE] =	sst s5  }
0xe: {  	[smem:$0x3FAF] =	sst s6  }
0xf: {  	[smem:$0x3FB0] =	sst s7  }
0x10: {  	[smem:$0x3FB1] =	sst s8  }
0x11: {  	[smem:$0x3FB2] =	sst s9;
	s0 =	simm.s32 @!p0 $0x0  }
0x12: {  	s1 =	sld [smem:$0x3F98];
	s0 =	simm.s32 @p0 $0x1  }
0x13: {  	[smem:$0x3FB3] =	sst s0;
	s0 =	simm.s32 @!p1 $0x0  }
0x14: {  	s2 =	sld [smem:$0x3F97];
	s0 =	simm.s32 @p1 $0x1  }
0x15: {  	[smem:$0x3FB4] =	sst s0;
	s0 =	simm.s32 @!p2 $0x0  }
0x16: {  	s3 =	sld [smem:$0x3FDB];
	s0 =	simm.s32 @p2 $0x1  }
0x17: {  	s4 =	simm.s32 $0x1BF5;
	[smem:$0x3FB6] =	sst s0  }
0x18: {  	s0 =	sld [smem:$0x3F99];
	_ =	swait.ge [sflag:s4], $0x0  }
0x19: {  	s7 =	sld [smem:$0x3F9A]  }
0x1a: {  	s8 =	sadd.s32 $0xFFFFE003, lr  }
0x1b: {  	s9 =	sadd.s32 $0xFFFFFEF7, lr;
	s5 =	simm.s32 $0xFFFFFFFF;
	p2 =	slt.u32 s8, $0xFFFFF086  }
0x1c: {  	p1 =	slt.u32 s9, $0xF7A;
	s5 =	simm.s32 @!p2 $0x0  }
0x1d: {  	s5 =	simm.s32 @p1 $0x1;
	p0 =	seq.s32 s7, s2  }
0x1e: {  	s7 =	smul.u32 @!p0 $0xF7A, s2;
	p2 =	seq.s32 @!p0 s5, $0x0  }
0x1f: {  	s9 =	smul.u32 $0xF7A, s1;
	s8 =	simm.s32 @!p0 $0x1BF5;
	p2 =	por !p2, p0  }
0x20: {  	[sflag:s8] =	ssyncset.s32 @!p0 $0xFFFFF086;
	s6 =	sadd.s32 @!p0 s3, s7;
	s7 =	simm.s32 @!p0 $0x108  }
0x21: {  	s3 =	sadd.s32 s3, s9;
	s6 =	sadd.s32 @!p0 $0x88, s6;
	s7 =	simm.s32 @p2 $0x1082  }
0x22: {  	[simem:s7], [sflag:s8] =	dma.local @!p0 [hbm:s6], $0xF7A  }
0x23: {  	s9 =	sor.u32 $0xD0000000, s2;
	s6 =	simm.s32 $0x108;
	_ =	swait.ge @!p0 [sflag:s8], $0x0  }
0x24: {  	s3 =	sadd.s32 $0x88, s3;
	s6 =	simm.s32 @!p1 $0x1082;
	[sflag:s4] =	ssyncset.s32 $0xFFFFF086  }
0x25: {  	[simem:s6], [sflag:s4] =	dma.local [hbm:s3], $0xF7A  }
0x26: {  	[smem:$0x3F9A] =	sst s1;
	(tag) =	ssettag s2;
	_ =	strace s9  }
0x27: {  	s1 =	sld [smem:$0x3FAA]  }
0x28: {  	s2 =	sld [smem:$0x3FAB]  }
0x29: {  	s4 =	sld [smem:$0x3FAD]  }
0x2a: {  	p0 =	seq.s32 s5, $0x0;
	s5 =	sld [smem:$0x3FAE]  }
0x2b: {  	s6 =	sld [smem:$0x3FAF]  }
0x2c: {  	s7 =	sld [smem:$0x3FB0]  }
0x2d: {  	s3 =	simm.s32 $0x108;
	s8 =	sld [smem:$0x3FB1]  }
0x2e: {  	s3 =	simm.s32 @!p0 $0x1082;
	s9 =	sld [smem:$0x3FB2]  }
0x2f: {  	lr =	sadd.s32 s0, s3;
	s0 =	sld [smem:$0x3FA9]  }
0x30: {  	s3 =	sld [smem:$0x3FAC]  }
0x31: {  	[smem:$0x3FB5] =	sst s10  }
0x32: {  	s10 =	sld [smem:$0x3FB3];
	_ =	sdelay $0x3  }
0x33: {  	p0 =	seq.s32 s10, $0x1;
	s10 =	sld [smem:$0x3FB5];
	_ =	sdelay $0x3  }
0x34: {  	[smem:$0x3FB5] =	sst s10  }
0x35: {  	s10 =	sld [smem:$0x3FB4];
	_ =	sdelay $0x3  }
0x36: {  	p1 =	seq.s32 s10, $0x1;
	s10 =	sld [smem:$0x3FB5];
	_ =	sdelay $0x3  }
0x37: {  	[smem:$0x3FB5] =	sst s10  }
0x38: {  	s10 =	sld [smem:$0x3FB6]  }
0x39: {  	_ = 	snop;
	(pc) =	sbr.ind lr, $3  }
0x3a: {  	_ = 	snop  }
0x3b: {  	_ = 	snop  }
0x3c: {  	p2 =	seq.s32 s10, $0x1;
	s10 =	sld [smem:$0x3FB5]  }
0x3d: {  	_ =	shalt  }
0x3e: {  	_ =	shalt  }
0x3f: {  	_ =	shalt  }
0x40: {  	_ =	shalt  }
0x41: {  	_ =	shalt  }
0x42: {  	_ =	shalt  }
0x43: {  	_ =	shalt  }
0x44: {  	_ =	shalt  }
0x45: {  	_ =	shalt  }
0x46: {  	_ =	shalt  }
0x47: {  	_ =	shalt  }
0x48: {  	_ =	shalt  }
0x49: {  	_ =	shalt  }
0x4a: {  	_ =	shalt  }
0x4b: {  	_ =	shalt  }
0x4c: {  	_ =	shalt  }
0x4d: {  	_ =	shalt  }
0x4e: {  	_ =	shalt  }
0x4f: {  	_ =	shalt  }
0x50: {  	_ =	shalt  }
0x51: {  	_ =	shalt  }
0x52: {  	_ =	shalt  }
0x53: {  	_ =	shalt  }
0x54: {  	_ =	shalt  }
0x55: {  	_ =	shalt  }
0x56: {  	_ =	shalt  }
0x57: {  	_ =	shalt  }
0x58: {  	_ =	shalt  }
0x59: {  	_ =	shalt  }
0x5a: {  	_ =	shalt  }
0x5b: {  	_ =	shalt  }
0x5c: {  	_ =	shalt  }
0x5d: {  	_ =	shalt  }
0x5e: {  	_ =	shalt  }
0x5f: {  	_ =	shalt  }
0x60: {  	_ =	shalt  }
0x61: {  	_ =	shalt  }
0x62: {  	_ =	shalt  }
0x63: {  	_ =	shalt  }
0x64: {  	_ =	shalt  }
0x65: {  	_ =	shalt  }
0x66: {  	_ =	shalt  }
0x67: {  	_ =	shalt  }
0x68: {  	_ =	shalt  }
0x69: {  	_ =	shalt  }
0x6a: {  	_ =	shalt  }
0x6b: {  	_ =	shalt  }
0x6c: {  	_ =	shalt  }
0x6d: {  	_ =	shalt  }
0x6e: {  	_ =	shalt  }
0x6f: {  	_ =	shalt  }
0x70: {  	_ =	shalt  }
0x71: {  	_ =	shalt  }
0x72: {  	_ =	shalt  }
0x73: {  	_ =	shalt  }
0x74: {  	_ =	shalt  }
0x75: {  	_ =	shalt  }
0x76: {  	_ =	shalt  }
0x77: {  	_ =	shalt  }
0x78: {  	_ =	shalt  }
0x79: {  	_ =	shalt  }
0x7a: {  	_ =	shalt  }
0x7b: {  	_ =	shalt  }
0x7c: {  	_ =	shalt  }
0x7d: {  	_ =	shalt  }
0x7e: {  	_ =	shalt  }
0x7f: {  	_ =	shalt  }
0x80: {  	_ =	shalt  }
0x81: {  	_ =	shalt  }
0x82: {  	_ =	shalt  }
0x83: {  	_ =	shalt  }
0x84: {  	_ =	shalt  }
0x85: {  	_ =	shalt  }
0x86: {  	_ =	shalt  }
0x87: {  	_ =	shalt  }
.Lfunc_end0:
.L_simem_size_0:
called_computation_lowered:
.L_overlay_start_0:
0x88: {  	s2 =	sld [smem:$0x3FD9]  }
0x89: {  	s3 =	sld [smem:$0x3FFE];
	_ =	sdelay $0x1  }
0x8a: {  	s1 =	srdreg.scid  }
0x8b: {  	s0 =	sand.u32 $0x1, s1  }
0x8c: {  	s17 =	sshll.u32 s0, $0xA;
	s2 =	sadd.s32 s3, s2  }
0x8d: {  	s2 =	sadd.s32 s2, s17  }
0x8e: {  	[smem:$0x3FC1] =	sst s2  }
0x8f: {  	_ = 	snop  }
0x90: {  	s2 =	sld [smem:$0x3FD0];
	(tm) =	ssettm $0x1  }
0x91: {  	s18 =	sld [smem:$0x3FFB];
	_ =	sdelay $0x3  }
0x92: {  	_ =	strace s18  }
0x93: {  	s3 =	sld [smem:$0x3FFC];
	_ =	sdelay $0x3  }
0x94: {  	_ =	strace s3  }
0x95: {  	s3 =	sld [smem:$0x3FFD];
	_ =	sdelay $0x3  }
0x96: {  	_ =	strace s3  }
0x97: {  	_ =	strace $0x8FFFFFFF  }
0x98: {  	s19 =	sld [smem:$0x3FDB];
	_ =	sdelay $0x1  }
0x99: {  	s4 =	simm.s32 $_scs_section_size  }
0x9a: {  	s5 =	simm.s32 $_size__tile_overlayer_lowered;
	s6 =	simm.s32 $_tile_overlayer_lowered  }
0x9b: {  	s22 =	simm.s32 $0x1BFF;
	s21 =	sshll.u32 s6, $0x1;
	s3 =	sadd.s32 s4, s19  }
0x9c: {  	s7 =	simm.s32 $0x0;
	s20 =	sshll.u32 s5, $0x1;
	s5 =	sadd.s32 s21, s3  }
0x9d: {  	[timem:s7], [sflag:s22] =	dma.local [hbm:s5], s20  }
0x9e: {  	_ =	swait.ge [sflag:s22], s20  }
0x9f: {  	s4 =	ssub.s32 $0x0, s20;
	[sflag:s22] =	ssyncset.done $0x0  }
0xa0: {  	[sflag:s22] =	ssyncadd.s32 s4;
	_ =	sdelay $0x1  }
0xa1: {  	s23 =	simm.s32 $0x1B8B  }
0xa2: {  	_ =	swait.ge [sflag:s23], $0x1  }
0xa3: {  	[sflag:s23] =	ssyncset.done $0x0  }
0xa4: {  	s25 =	simm.s32 $0x1B8E;
	s24 =	sld [smem:$0x3FFE];
	[sflag:s23] =	ssyncadd.s32 $0xFFFFFFFF  }
0xa5: {  	s26 =	simm.s32 $execute0_lowered;
	[smem:$0x3FD2] =	sst s25  }
0xa6: {  	s5 =	sshll.u32 s26, $0x1;
	_ =	strace $0x80000046;
	[dreg:$0x1] =	wrdreg $0xFFFFFFFF  }
0xa7: {  	s28 =	simm.s32 $_size_execute0_lowered;
	s3 =	sadd.s32 s3, s5;
	[dreg:$0x0] =	wrdreg $0x0  }
0xa8: {  	s5 =	sshll.u32 s28, $0x1;
	[dreg:$0x2] =	wrdreg s3  }
0xa9: {  	[dreg:$0x3] =	wrdreg s5  }
0xaa: {  	[dreg:$0x4] =	wrdreg $0xC0  }
0xab: {  	_ =	task [dreg:s7], $0x5FFFF  }
0xac: {  	[dreg:$0x1] =	wrdreg $0xFFFFFFFF  }
0xad: {  	[dreg:$0x0] =	wrdreg $0x60  }
0xae: {  	[dreg:$0x2] =	wrdreg s2  }
0xaf: {  	[dreg:$0x3] =	wrdreg s24  }
0xb0: {  	[dreg:$0x4] =	wrdreg $0x9  }
0xb1: {  	_ =	task.clear_ibuf [dreg:s7], $0x5FFFF;
	_ =	strace $0x90000046  }
0xb2: {  	s29 =	simm.s32 $0x9;
	_ =	strace $0x80000048  }
0xb3: {  	_ =	swait.ge [sflag:s29], $0x1  }
0xb4: {  	[sflag:s29] =	ssyncadd.s32 $0xFFFFFFFF  }
0xb5: {  	_ =	strace $0x90000048  }
0xb6: {  	_ =	sfence  }
0xb7: {  	s30 =	sld [smem:$0x0];
	_ =	sdelay $0x2  }
0xb8: {  	s31 =	sshll.u32 s1, $0xD;
	s1 =	sshrl.u32 s1, $0x2  }
0xb9: {  	s3 =	sand.u32 $0x4000, s31;
	s1 =	sadd.s32 s1, s30  }
0xba: {  	s0 =	sor.u32 s3, s0;
	s1 =	sshll.u32 s1, $0x11  }
0xbb: {  	s0 =	sor.u32 s1, s0  }
0xbc: {  	s0 =	sadd.s32 $0x8F2B, s0  }
0xbd: {  	[sflag:s0] =	ssyncadd.remote.s32 $0x1  }
0xbe: {  	_ =	sfence.sel $0xFFFF  }
0xbf: {  	[dreg:$0x0] =	wrdreg $0xFFFFFFFF;
	(pc) =	sbr.abs _section_cstart, $3  }
0xc0: {  	[dreg:$0x1] =	wrdreg $0xFFFFFFFF  }
0xc1: {  	_ =	task.clear_ibuf [dreg:s7], $0x2FFFF;
	_ =	strace $0x9FFFFFFF  }
0xc2: {  	(tm) =	ssettm $0x7FFFFFFF  }
0xc3: {  	_ =	shalt  }
tec
execute0_lowered:
.L_overlay_start_1:
0x0: {  	(tag) =	ssettag $0x1  }
0x1: {  	s0 =	rddreg [dreg:$0x0]  }
0x2: {  	s1 =	rddreg [dreg:$0x1];
	s2 =	srdreg.scid  }
0x3: {  	s6 =	stileid.u32;
	s7 =	simm.s32 $0x0;
	s14 =	simm.s32 $0x80  }
0x4: {  	s15 =	simm.s32 $0x400;
	s16 =	simm.s32 $0x2;
	s18 =	simm.s32 $0x5A0  }
0x5: {  	s28 =	simm.s32 $0x7F00;
	s29 =	simm.s32 $0x8500;
	s30 =	simm.s32 $0x8B00  }
0x6: {  	s31 =	simm.s32 $0x9100;
	s17 =	simm.s32 $0x0;
	s2 =	sand.u32 $0x1, s2  }
0x7: {  	s3 =	sshrl.u32 s6, $0x2;
	s4 =	sshll.u32 s6, $0x8;
	s24 =	smul.u32 $0x4EC0, s6  }
0x8: {  	[smem:$0x7FF] =	sst s7;
	s5 =	sshll.u32 s2, $0x7;
	s3 =	smul.u32 $0x13C00, s3  }
0x9: {  	s23 =	ssub.s32 $0x2, s2;
	s2 =	smul.u32 $0x2760, s2;
	s4 =	sor.u32 s5, s4  }
0xa: {  	_ =	strace $0x80000047;
	s8 =	sshrl.u32 s23, $0x1;
	s4 =	sand.u32 $0x380, s4  }
0xb: {  	s26 =	ssub.s32 s23, s8;
	s7 =	sadd.s32 s2, s24;
	s24 =	simm.s32 $0x6D00  }
0xc: {  	s2 =	simm.s32 $0x1;
	s3 =	sor.u32 s3, s4;
	s6 =	smax.u32 s26, $0x1  }
0xd: {  	s8 =	sadd.s32 $0x5A0, s7;
	s9 =	sadd.s32 $0xB40, s7;
	s10 =	sadd.s32 $0x10E0, s7  }
0xe: {  	s11 =	sadd.s32 $0x1680, s7;
	s12 =	sadd.s32 $0x1C20, s7;
	s13 =	sadd.s32 $0x21C0, s7  }
0xf: {  	s26 =	simm.s32 $0x7900;
	s4 =	sshrl.u32 s3, $0x3;
	s3 =	sadd.s32 $0x20200, s1  }
0x10: {  	s25 =	sadd.s32 s4, s1;
	s4 =	sadd.s32 s0, s4;
	s0 =	simm.s32 $0x9700  }
0x11: {  	v0 =	vlaneseq.u32;
	s1 =	simm.s32 $0x9D00;
	s5 =	sadd.s32 $0xC600, s25;
	s25 =	simm.s32 $0x7300  }
.LBB2_1:
0x12: {  	s19 =	simm.s32 $0x0  }
0x13: {  	[tilespmem:s19], [sflag:$0x2] =	stream.strided.gather [hbm4b:s4+s14], $0x2780, s15, s14, $0x38;
	[tilespmem:$0xA300] =	vst v63  }
0x14: {  	_ =	swait.ge [sflag:s16], $0x2780  }
0x15: {  	[sflag:s16] =	ssyncset.done $0x0  }
0x16: {  	s23 =	simm.s32 $0x2780;
	[sflag:s16] =	ssyncadd.s32 $0xFFFFD880  }
0x17: {  	[tilespmem:s23], [sflag:$0x2] =	stream.strided.gather [hbm4b:s5+s14], $0x2780, s15, s14, $0x38;
	[tilespmem:$0xA300] =	vst v63  }
0x18: {  	_ =	swait.ge [sflag:s16], $0x2780  }
0x19: {  	[sflag:s16] =	ssyncset.done $0x0  }
0x1a: {  	s19 =	simm.s32 $0x0;
	[sflag:s16] =	ssyncadd.s32 $0xFFFFD880  }
0x1b: {  	v1 =	vld [tilespmem:s19+$0x0]  }
0x1c: {  	v2 =	vor.u32 s7, v0  }
0x1d: {  	[tilespmem:s19+$0x5500] =	vst v2;
	v2 =	vld [tilespmem:s19+$0x2780];
	_ =	sdelay $0x1  }
0x1e: {  	s20 =	simm.s32 $0x40;
	s21 =	sadd.s32 $0x10, s7  }
.LBB2_2:
0x1f: {  	s22 =	sshra.s32 s20, $0x2;
	v3 =	vor.u32 s21, v0;
	p0 =	sne.s32 s20, $0x1640;
	s20 =	sadd.s32 $0x40, s20;
	v4 =	vmul.u32 $0x2710, v1  }
.Ltmp0:
0x20: {  	v1 =	vld [tilespmem:s22+$0x0];
	[tilespmem:s22+$0x5500] =	vst v3;
	(pc) =	sbr.rel @p0 .LBB2_2-.Ltmp0, $3  }
0x21: {  	v3 =	vadd.s32 v2, v4  }
0x22: {  	v2 =	vld [tilespmem:s22+$0x2780];
	[tilespmem:s19+$0x4F00] =	vst v3;
	s19 =	smov.u32 s22;
	_ =	sdelay $0x1  }
0x23: {  	s21 =	sadd.s32 $0x10, s21  }
0x24: {  	v1 =	vmul.u32 $0x2710, v1;
	_ =	sdelay $0x1  }
0x25: {  	v1 =	vadd.s32 v2, v1  }
0x26: {  	s23 =	simm.s32 $0x4F00;
	s20 =	simm.s32 $0x5500;
	[tilespmem:s19+$0x4F00] =	vst v1;
	s19 =	simm.s32 $0x0  }
0x27: {  	[hbm4b:s3+s18] =	stream.indirect.scatter [tilespmem:s20], [sflag:$0x1], $0x1, s23, s18, $0xb8;
	[tilespmem:$0xA300] =	vst v63  }
0x28: {  	v1 =	vld [tilespmem:s19+$0x5A0]  }
0x29: {  	v2 =	vor.u32 s8, v0  }
0x2a: {  	[tilespmem:s19+$0x6100] =	vst v2;
	v2 =	vld [tilespmem:s19+$0x2D20];
	_ =	sdelay $0x1  }
0x2b: {  	s21 =	sadd.s32 $0x10, s8;
	s20 =	simm.s32 $0x40  }
.LBB2_4:
0x2c: {  	s22 =	sshra.s32 s20, $0x2;
	v3 =	vor.u32 s21, v0;
	p0 =	sne.s32 s20, $0x1640;
	s20 =	sadd.s32 $0x40, s20;
	v4 =	vmul.u32 $0x2710, v1  }
.Ltmp1:
0x2d: {  	v1 =	vld [tilespmem:s22+$0x5A0];
	[tilespmem:s22+$0x6100] =	vst v3;
	(pc) =	sbr.rel @p0 .LBB2_4-.Ltmp1, $3  }
0x2e: {  	v3 =	vadd.s32 v2, v4  }
0x2f: {  	v2 =	vld [tilespmem:s22+$0x2D20];
	[tilespmem:s19+$0x5B00] =	vst v3;
	s19 =	smov.u32 s22;
	_ =	sdelay $0x1  }
0x30: {  	s21 =	sadd.s32 $0x10, s21  }
0x31: {  	v1 =	vmul.u32 $0x2710, v1;
	_ =	sdelay $0x1  }
0x32: {  	v1 =	vadd.s32 v2, v1  }
0x33: {  	s23 =	simm.s32 $0x5B00;
	s20 =	simm.s32 $0x6100;
	[tilespmem:s19+$0x5B00] =	vst v1;
	s19 =	simm.s32 $0x0  }
0x34: {  	[hbm4b:s3+s18] =	stream.indirect.scatter [tilespmem:s20], [sflag:$0x1], $0x1, s23, s18, $0xb8;
	[tilespmem:$0xA300] =	vst v63  }
0x35: {  	v1 =	vld [tilespmem:s19+$0xB40]  }
0x36: {  	v2 =	vor.u32 s9, v0  }
0x37: {  	[tilespmem:s19+$0x6D00] =	vst v2;
	v2 =	vld [tilespmem:s19+$0x32C0];
	_ =	sdelay $0x1  }
0x38: {  	s21 =	sadd.s32 $0x10, s9;
	s20 =	simm.s32 $0x40  }
.LBB2_6:
0x39: {  	s22 =	sshra.s32 s20, $0x2;
	v3 =	vor.u32 s21, v0;
	p0 =	sne.s32 s20, $0x1640;
	s20 =	sadd.s32 $0x40, s20;
	v4 =	vmul.u32 $0x2710, v1  }
.Ltmp2:
0x3a: {  	v1 =	vld [tilespmem:s22+$0xB40];
	[tilespmem:s22+$0x6D00] =	vst v3;
	(pc) =	sbr.rel @p0 .LBB2_6-.Ltmp2, $3  }
0x3b: {  	v3 =	vadd.s32 v2, v4  }
0x3c: {  	v2 =	vld [tilespmem:s22+$0x32C0];
	[tilespmem:s19+$0x6700] =	vst v3;
	s19 =	smov.u32 s22;
	_ =	sdelay $0x1  }
0x3d: {  	s21 =	sadd.s32 $0x10, s21  }
0x3e: {  	v1 =	vmul.u32 $0x2710, v1;
	_ =	sdelay $0x1  }
0x3f: {  	v1 =	vadd.s32 v2, v1  }
0x40: {  	s23 =	simm.s32 $0x6700;
	[tilespmem:s19+$0x6700] =	vst v1;
	s19 =	simm.s32 $0x0  }
0x41: {  	[hbm4b:s3+s18] =	stream.indirect.scatter [tilespmem:s24], [sflag:$0x1], $0x1, s23, s18, $0xb8;
	[tilespmem:$0xA300] =	vst v63  }
0x42: {  	v1 =	vld [tilespmem:s19+$0x10E0]  }
0x43: {  	v2 =	vor.u32 s10, v0  }
0x44: {  	[tilespmem:s19+$0x7900] =	vst v2;
	v2 =	vld [tilespmem:s19+$0x3860];
	_ =	sdelay $0x1  }
0x45: {  	s20 =	simm.s32 $0x40;
	s21 =	sadd.s32 $0x10, s10  }
.LBB2_8:
0x46: {  	s22 =	sshra.s32 s20, $0x2;
	v3 =	vor.u32 s21, v0;
	p0 =	sne.s32 s20, $0x1640;
	s20 =	sadd.s32 $0x40, s20;
	v4 =	vmul.u32 $0x2710, v1  }
.Ltmp3:
0x47: {  	v1 =	vld [tilespmem:s22+$0x10E0];
	[tilespmem:s22+$0x7900] =	vst v3;
	(pc) =	sbr.rel @p0 .LBB2_8-.Ltmp3, $3  }
0x48: {  	v3 =	vadd.s32 v2, v4  }
0x49: {  	v2 =	vld [tilespmem:s22+$0x3860];
	[tilespmem:s19+$0x7300] =	vst v3;
	s19 =	smov.u32 s22;
	_ =	sdelay $0x1  }
0x4a: {  	s21 =	sadd.s32 $0x10, s21  }
0x4b: {  	v1 =	vmul.u32 $0x2710, v1;
	_ =	sdelay $0x1  }
0x4c: {  	s23 =	simm.s32 $0x0;
	v1 =	vadd.s32 v2, v1  }
0x4d: {  	[tilespmem:s19+$0x7300] =	vst v1;
	s19 =	sand.u32 $0x7F0, s23  }
0x4e: {  	[hbm4b:s3+s18] =	stream.indirect.scatter [tilespmem:s26], [sflag:$0x1], $0x1, s25, s18, $0xb8;
	[tilespmem:$0xA300] =	vst v63  }
0x4f: {  	v1 =	vld [tilespmem:s19+$0x1680];
	_ =	sdelay $0x1  }
0x50: {  	v2 =	vld [tilespmem:s19+$0x3E00];
	_ =	sdelay $0x2  }
0x51: {  	v1 =	vmul.u32 $0x2710, v1;
	_ =	sdelay $0x1  }
0x52: {  	s22 =	sadd.s32 $0x0, s11;
	s19 =	simm.s32 $0x7F00;
	v1 =	vadd.s32 v2, v1  }
0x53: {  	s20 =	simm.s32 $0x8500;
	s21 =	simm.s32 $0x10;
	[tilespmem:s19+$0x0] =	vst v1;
	v1 =	vor.u32 s22, v0  }
0x54: {  	s23 =	sand.u32 $0x7F0, s21;
	[tilespmem:s20+$0x0] =	vst v1  }
0x55: {  	s22 =	simm.s32 $0x20;
	v1 =	vld [tilespmem:s23+$0x1680]  }
.LBB2_10:
0x56: {  	p0 =	sne.s32 s22, $0x590  }
0x57: {  	v2 =	vld [tilespmem:s23+$0x3E00];
	_ =	sdelay $0x2  }
0x58: {  	v1 =	vmul.u32 $0x2710, v1  }
.Ltmp4:
0x59: {  	(pc) =	sbr.rel @p0 .LBB2_10-.Ltmp4, $4  }
0x5a: {  	s19 =	sadd.s32 $0x10, s19;
	s23 =	sadd.s32 s21, s11;
	s21 =	smov.u32 s22;
	v1 =	vadd.s32 v2, v1  }
0x5b: {  	s20 =	sadd.s32 $0x10, s20;
	[tilespmem:s19+$0x0] =	vst v1;
	v1 =	vor.u32 s23, v0  }
0x5c: {  	s23 =	sand.u32 $0x7F0, s22;
	[tilespmem:s20+$0x0] =	vst v1  }
0x5d: {  	s22 =	sadd.s32 $0x10, s22;
	v1 =	vld [tilespmem:s23+$0x1680]  }
0x5e: {  	_ = 	snop  }
0x5f: {  	v2 =	vld [tilespmem:s23+$0x3E00];
	_ =	sdelay $0x2  }
0x60: {  	v1 =	vmul.u32 $0x2710, v1;
	_ =	sdelay $0x1  }
0x61: {  	s21 =	sadd.s32 s21, s11;
	s19 =	sadd.s32 $0x10, s19;
	v1 =	vadd.s32 v2, v1  }
0x62: {  	s23 =	sadd.s32 $0x10, s20;
	[tilespmem:s19+$0x0] =	vst v1;
	v1 =	vor.u32 s21, v0  }
0x63: {  	s19 =	simm.s32 $0x0;
	[tilespmem:s23+$0x0] =	vst v1  }
0x64: {  	[hbm4b:s3+s18] =	stream.indirect.scatter [tilespmem:s29], [sflag:$0x1], $0x1, s28, s18, $0xb8;
	[tilespmem:$0xA300] =	vst v63  }
0x65: {  	v1 =	vld [tilespmem:s19+$0x1C20]  }
0x66: {  	v2 =	vor.u32 s12, v0  }
0x67: {  	[tilespmem:s19+$0x9100] =	vst v2;
	v2 =	vld [tilespmem:s19+$0x43A0];
	_ =	sdelay $0x1  }
0x68: {  	s20 =	simm.s32 $0x40;
	s21 =	sadd.s32 $0x10, s12  }
.LBB2_12:
0x69: {  	s22 =	sshra.s32 s20, $0x2;
	v3 =	vor.u32 s21, v0;
	p0 =	sne.s32 s20, $0x1640;
	s20 =	sadd.s32 $0x40, s20;
	v4 =	vmul.u32 $0x2710, v1  }
.Ltmp5:
0x6a: {  	v1 =	vld [tilespmem:s22+$0x1C20];
	[tilespmem:s22+$0x9100] =	vst v3;
	(pc) =	sbr.rel @p0 .LBB2_12-.Ltmp5, $3  }
0x6b: {  	v3 =	vadd.s32 v2, v4  }
0x6c: {  	v2 =	vld [tilespmem:s22+$0x43A0];
	[tilespmem:s19+$0x8B00] =	vst v3;
	s19 =	smov.u32 s22;
	_ =	sdelay $0x1  }
0x6d: {  	s21 =	sadd.s32 $0x10, s21  }
0x6e: {  	v1 =	vmul.u32 $0x2710, v1;
	_ =	sdelay $0x1  }
0x6f: {  	v1 =	vadd.s32 v2, v1  }
0x70: {  	[tilespmem:s19+$0x8B00] =	vst v1;
	s19 =	simm.s32 $0x0  }
0x71: {  	[hbm4b:s3+s18] =	stream.indirect.scatter [tilespmem:s31], [sflag:$0x1], $0x1, s30, s18, $0xb8;
	[tilespmem:$0xA300] =	vst v63  }
0x72: {  	v1 =	vld [tilespmem:s19+$0x21C0]  }
0x73: {  	v2 =	vor.u32 s13, v0  }
0x74: {  	[tilespmem:s19+$0x9D00] =	vst v2;
	v2 =	vld [tilespmem:s19+$0x4940];
	_ =	sdelay $0x1  }
0x75: {  	s20 =	simm.s32 $0x40;
	s21 =	sadd.s32 $0x10, s13  }
.LBB2_14:
0x76: {  	s22 =	sshra.s32 s20, $0x2;
	v3 =	vor.u32 s21, v0;
	p0 =	sne.s32 s20, $0x1640;
	s20 =	sadd.s32 $0x40, s20;
	v4 =	vmul.u32 $0x2710, v1  }
.Ltmp6:
0x77: {  	v1 =	vld [tilespmem:s22+$0x21C0];
	[tilespmem:s22+$0x9D00] =	vst v3;
	(pc) =	sbr.rel @p0 .LBB2_14-.Ltmp6, $3  }
0x78: {  	v3 =	vadd.s32 v2, v4  }
0x79: {  	v2 =	vld [tilespmem:s22+$0x4940];
	[tilespmem:s19+$0x9700] =	vst v3;
	s19 =	smov.u32 s22;
	_ =	sdelay $0x1  }
0x7a: {  	s21 =	sadd.s32 $0x10, s21  }
0x7b: {  	v1 =	vmul.u32 $0x2710, v1;
	_ =	sdelay $0x1  }
0x7c: {  	v1 =	vadd.s32 v2, v1  }
0x7d: {  	[tilespmem:s19+$0x9700] =	vst v1  }
0x7e: {  	[hbm4b:s3+s18] =	stream.indirect.scatter [tilespmem:s1], [sflag:$0x1], $0x1, s0, s18, $0xb8;
	[tilespmem:$0xA300] =	vst v63  }
0x7f: {  	_ =	swait.ge [sflag:s2], $0x5A0  }
0x80: {  	[sflag:s2] =	ssyncset.done $0x0  }
0x81: {  	[sflag:s2] =	ssyncadd.s32 $0xFFFFFA60  }
0x82: {  	_ =	swait.ge [sflag:s2], $0x5A0  }
0x83: {  	[sflag:s2] =	ssyncset.done $0x0  }
0x84: {  	[sflag:s2] =	ssyncadd.s32 $0xFFFFFA60  }
0x85: {  	_ =	swait.ge [sflag:s2], $0x5A0  }
0x86: {  	[sflag:s2] =	ssyncset.done $0x0  }
0x87: {  	[sflag:s2] =	ssyncadd.s32 $0xFFFFFA60  }
0x88: {  	_ =	swait.ge [sflag:s2], $0x5A0  }
0x89: {  	[sflag:s2] =	ssyncset.done $0x0  }
0x8a: {  	[sflag:s2] =	ssyncadd.s32 $0xFFFFFA60  }
0x8b: {  	_ =	swait.ge [sflag:s2], $0x5A0  }
0x8c: {  	[sflag:s2] =	ssyncset.done $0x0  }
0x8d: {  	s17 =	sadd.s32 $0x1, s17;
	[sflag:s2] =	ssyncadd.s32 $0xFFFFFA60  }
0x8e: {  	p0 =	sne.s32 s17, s6;
	_ =	swait.ge [sflag:s2], $0x5A0  }
.Ltmp7:
0x8f: {  	[sflag:s2] =	ssyncset.done $0x0;
	(pc) =	sbr.rel @p0 .LBB2_1-.Ltmp7, $4  }
0x90: {  	[sflag:s2] =	ssyncadd.s32 $0xFFFFFA60  }
0x91: {  	_ =	swait.ge [sflag:s2], $0x5A0  }
0x92: {  	[sflag:s2] =	ssyncset.done $0x0  }
0x93: {  	[sflag:s2] =	ssyncadd.s32 $0xFFFFFA60  }
0x94: {  	_ =	sfence.sel $0x180000  }
0x95: {  	[bflag:$0x0] =	sbarrier.arrive $0xFFFF  }
0x96: {  	_ =	strace $0x90000047  }
0x97: {  	s0 =	stileid.u32;
	[bflag:$0x2] =	sbarrier.arrive $0xFFFF  }
0x98: {  	p0 =	sne.s32 s0, $0x0;
	s0 =	rddreg [dreg:$0x2]  }
0x99: {  	s0 =	sadd.s32 @!p0 $0x100000, s0  }
0x9a: {  	[sflag:s0] =	ssyncadd.tile.s32 @!p0 $0x1;
	_ =	shalt  }
.Lfunc_end2:
_tile_overlayer_lowered:
.L_overlay_start_2:
0x9b: {  	(tag) =	ssettag $0x2  }
0x9c: {  	s0 =	rddreg [dreg:$0x0];
	s2 =	stileid.u32  }
0x9d: {  	s1 =	rddreg [dreg:$0x1];
	p0 =	sne.s32 s2, $0x0  }
0x9e: {  	s3 =	rddreg [dreg:$0x2];
	[bflag:$0x3] =	sbarrier.arrive $0xFFFF;
	s2 =	simm.s32 @!p0 $0x1C02  }
0x9f: {  	[timem:s3], [sflag:s2] =	dma.local @!p0 [hbm:s0], s1  }
0xa0: {  	s0 =	simm.s32 @!p0 $0x2  }
0xa1: {  	_ =	swait.ge @!p0 [sflag:s0], s1  }
0xa2: {  	s1 =	ssub.s32 @!p0 $0x0, s1;
	[sflag:s0] =	ssyncset.done @!p0 $0x0  }
0xa3: {  	[sflag:s0] =	ssyncadd.s32 @!p0 s1  }
0xa4: {  	[bflag:$0x3] =	sbarrier.arrive $0xFFFF  }
0xa5: {  	_ =	shalt  }

</sc_bundles>
